<compile_context>
chip_gen: v7x
topology: tpu7x:2x2x1
jax: 0.10.2.dev20260603
libtpu: 0.0.44.dev20260713+nightly
codegen_flags: <defaults>
</compile_context>

<pallas_src>
import functools

import jax
import jax.numpy as jnp
from jax import lax
from jax.experimental import pallas as pl
from jax.experimental.pallas import tpu as pltpu
from jax.experimental.pallas import tpu_sc as plsc

N_NODES = 10000
N_EDGES = 320000
D_FEAT = 128
NC = 2
NS = 16
NW = NC * NS
EPT = N_EDGES // NW
KC = 80
NCH = EPT // KC
NBUF = 3
RPT = 632
N_PAD = NS * RPT


def _make_agg_body(with_deg):
    def body(*refs):
        if with_deg:
            (h_hbm, send_hbm, recv_hbm, znd_hbm, zn_hbm, ones_hbm,
             a_out, deg_out,
             sidx_all, ridx0, ridx1, ridx2, rows0, rows1, rows2,
             ones_v, zbuf, acc, dacc, *sems) = refs
            sg, ss, sd, sr = (sems[0:3], sems[3:6], sems[6:9], sems[9:12])
        else:
            (h_hbm, send_hbm, recv_hbm, znd_hbm,
             a_out,
             sidx_all, ridx0, ridx1, ridx2, rows0, rows1, rows2,
             acc, *sems) = refs
            sg, ss, sr = (sems[0:3], sems[3:6], sems[6:9])

        cid = lax.axis_index("c")
        sid = lax.axis_index("s")
        wid = sid * NC + cid
        ebase = wid * EPT
        rbase = sid * RPT

        ridx = (ridx0, ridx1, ridx2)
        rows = (rows0, rows1, rows2)

        def fire_gather(g, b):
            pltpu.async_copy(recv_hbm.at[pl.ds(ebase + g * KC, KC)],
                             ridx[b], sr[b])
            pltpu.async_copy(h_hbm.at[sidx_all.at[pl.ds(g * KC, KC)]],
                             rows[b], sg[b])

        def wait_gather(g, b):
            pltpu.make_async_copy(recv_hbm.at[pl.ds(ebase + g * KC, KC)],
                                  ridx[b], sr[b]).wait()
            pltpu.make_async_copy(h_hbm.at[sidx_all.at[pl.ds(g * KC, KC)]],
                                  rows[b], sg[b]).wait()

        def fire_scatter(g, b):
            pltpu.async_copy(rows[b], acc.at[ridx[b]], ss[b], add=True)
            if with_deg:
                pltpu.async_copy(ones_v, dacc.at[ridx[b]], sd[b], add=True)

        def wait_scatter(g, b):
            pltpu.make_async_copy(rows[b], acc.at[ridx[b]], ss[b]).wait()
            if with_deg:
                pltpu.make_async_copy(ones_v, dacc.at[ridx[b]], sd[b]).wait()

        pltpu.sync_copy(znd_hbm.at[pl.ds(rbase, RPT)],
                        acc.at[pl.ds(rbase, RPT)])
        if with_deg:
            pltpu.sync_copy(zn_hbm.at[pl.ds(rbase, RPT)], zbuf)
            pltpu.sync_copy(zbuf, dacc.at[pl.ds(rbase, RPT)])
            pltpu.sync_copy(ones_hbm, ones_v)
        pltpu.sync_copy(send_hbm.at[pl.ds(ebase, EPT)], sidx_all)

        for g in range(NBUF - 1):
            fire_gather(g, g)
        plsc.subcore_barrier()

        def visit(i, b):
            v = NBUF * i + b
            s_next = (b + NBUF - 1) % NBUF

            @pl.when(v + NBUF - 1 < NCH)
            def _():
                if b == 0:
                    @pl.when(i > 0)
                    def _():
                        wait_scatter(v - 1, s_next)
                else:
                    wait_scatter(v - 1, s_next)
                fire_gather(v + NBUF - 1, s_next)

            wait_gather(v, b)
            fire_scatter(v, b)

        def group(i, carry):
            for b in range(NBUF):
                visit(i, b)
            return carry

        nfull = NCH // NBUF
        lax.fori_loop(0, nfull, group, 0)
        for g in range(nfull * NBUF, NCH):
            wait_gather(g, g % NBUF)
            fire_scatter(g, g % NBUF)
        for g in range(NCH - NBUF, NCH):
            wait_scatter(g, g % NBUF)

        plsc.subcore_barrier()

        pltpu.sync_copy(acc.at[pl.ds(rbase, RPT)],
                        a_out.at[pl.ds(cid * N_PAD + rbase, RPT)])
        if with_deg:
            pltpu.sync_copy(dacc.at[pl.ds(rbase, RPT)], zbuf)
            pltpu.sync_copy(zbuf, deg_out.at[pl.ds(cid * N_PAD + rbase, RPT)])

    return body


_A_TYPE = jax.ShapeDtypeStruct((NC * N_PAD, D_FEAT), jnp.float32)
_DEG_TYPE = jax.ShapeDtypeStruct((NC * N_PAD,), jnp.float32)
_MESH = plsc.VectorSubcoreMesh(core_axis_name="c", subcore_axis_name="s")
_COMMON_SCRATCH = (
    [pltpu.VMEM((EPT,), jnp.int32)]
    + [pltpu.VMEM((KC,), jnp.int32) for _ in range(NBUF)]
    + [pltpu.VMEM((KC, D_FEAT), jnp.float32) for _ in range(NBUF)]
)

_agg_deg_call = pl.kernel(
    _make_agg_body(True),
    out_type=[_A_TYPE, _DEG_TYPE],
    mesh=_MESH,
    scratch_types=(
        _COMMON_SCRATCH
        + [pltpu.VMEM((KC,), jnp.float32),
           pltpu.VMEM((RPT,), jnp.float32),
           pltpu.VMEM_SHARED((N_PAD, D_FEAT), jnp.float32),
           pltpu.VMEM_SHARED((N_PAD,), jnp.float32)]
        + [pltpu.SemaphoreType.DMA for _ in range(4 * NBUF)]
    ),
)

_agg_call = pl.kernel(
    _make_agg_body(False),
    out_type=_A_TYPE,
    mesh=_MESH,
    scratch_types=(
        _COMMON_SCRATCH
        + [pltpu.VMEM_SHARED((N_PAD, D_FEAT), jnp.float32)]
        + [pltpu.SemaphoreType.DMA for _ in range(3 * NBUF)]
    ),
)


def _layer_body(h_ref, a_ref, degp_ref, ws_ref, wn_ref, b_ref, o_ref):
    degp = degp_ref[...]
    deg = degp[:N_NODES] + degp[N_PAD:N_PAD + N_NODES]
    inv = 1.0 / jnp.maximum(deg, 1.0)
    agg = (a_ref[:N_NODES, :] + a_ref[N_PAD:N_PAD + N_NODES, :]) * inv[:, None]
    o_ref[...] = jax.nn.relu(
        jnp.dot(h_ref[...], ws_ref[...], preferred_element_type=jnp.float32)
        + jnp.dot(agg, wn_ref[...], preferred_element_type=jnp.float32)
        + b_ref[...][None, :])


_layer_call = pl.pallas_call(
    _layer_body,
    out_shape=jax.ShapeDtypeStruct((N_NODES, D_FEAT), jnp.float32),
)


def _qeq_body(h_ref, a_ref, degp_ref, ws_ref, wn_ref, b_ref,
              wr_ref, br_ref, sid_ref, tq_ref, q_ref):
    n = N_NODES
    g = tq_ref.shape[0]
    degp = degp_ref[...]
    deg = degp[:N_NODES] + degp[N_PAD:N_PAD + N_NODES]
    inv_d = 1.0 / jnp.maximum(deg, 1.0)
    agg = (a_ref[:N_NODES, :] + a_ref[N_PAD:N_PAD + N_NODES, :]) * inv_d[:, None]
    h3 = jax.nn.relu(
        jnp.dot(h_ref[...], ws_ref[...], preferred_element_type=jnp.float32)
        + jnp.dot(agg, wn_ref[...], preferred_element_type=jnp.float32)
        + b_ref[...][None, :])
    es = lax.dot_general(h3, wr_ref[...],
                         (((1,), (1,)), ((), ())),
                         preferred_element_type=jnp.float32)
    es = es + br_ref[...][None, :]
    e = es[:, 0]
    s = es[:, 1]
    sp = jnp.maximum(s, 0.0) + jnp.log1p(jnp.exp(-jnp.abs(s))) + 1e-4
    inv = 0.5 / sp
    sid = sid_ref[...]
    gi = lax.broadcasted_iota(jnp.int32, (g, n), 0)
    oneh = (gi == sid[None, :]).astype(jnp.float32)
    vals = jnp.stack([inv, e * inv], axis=1)
    sums = jnp.dot(oneh, vals, preferred_element_type=jnp.float32,
                   precision=lax.Precision.HIGHEST)
    sum_inv = sums[:, 0]
    sum_e = sums[:, 1]
    lam = jnp.where(sum_inv > 0.0,
                    (tq_ref[...] + sum_e) / sum_inv, 0.0)
    lam_n = lax.dot_general(lam, oneh, (((0,), (0,)), ((), ())),
                            preferred_element_type=jnp.float32,
                            precision=lax.Precision.HIGHEST)
    q_ref[...] = (lam_n - e) * inv


def _qeq_call(h, a, degp, ws, wn, b, wr, br, sid, tq):
    return pl.pallas_call(
        _qeq_body,
        out_shape=jax.ShapeDtypeStruct((N_NODES,), jnp.float32),
    )(h, a, degp, ws, wn, b, wr, br, sid, tq)


def kernel(x, senders, receivers, segment_ids, num_graphs, total_charge,
           Ws1, Wn1, b1, Ws2, Wn2, b2, Ws3, Wn3, b3, w_readout, b_readout):
    znd = jnp.zeros((N_PAD, D_FEAT), jnp.float32)
    zn = jnp.zeros((N_PAD,), jnp.float32)
    ones_k = jnp.ones((KC,), jnp.float32)

    a, degp = _agg_deg_call(x, senders, receivers, znd, zn, ones_k)
    h = _layer_call(x, a, degp, Ws1, Wn1, b1)

    a = _agg_call(h, senders, receivers, znd)
    h = _layer_call(h, a, degp, Ws2, Wn2, b2)

    a = _agg_call(h, senders, receivers, znd)
    q = _qeq_call(h, a, degp, Ws3, Wn3, b3,
                  w_readout, b_readout, segment_ids, total_charge)
    return q.reshape(N_NODES, 1)

# --- scband reference (transcript-rebuilt; emitter-appended) ---
"""Pipeline reference for scband-espaloma-model-558345748613 (READ-ONLY COPY).

The authoritative reference and input builder live on the scoring server;
editing this copy changes nothing except your own understanding.
"""

import jax, jax.numpy as jnp
import numpy as np

N_NODES = 10000
N_EDGES = 320000
D_FEAT = 128
D_HID = 128
N_GRAPHS = 64


def _glorot(k, shape):
    fan_in, fan_out = shape
    lim = float(np.sqrt(6.0 / (fan_in + fan_out)))
    return jax.random.uniform(k, shape, jnp.float32, -lim, lim)


def setup_inputs(seed: int = 0) -> dict:
    key = jax.random.key(seed)
    ks = jax.random.split(key, 16)
    x = jax.random.normal(ks[0], (N_NODES, D_FEAT), dtype=jnp.float32)
    senders = jax.random.randint(ks[1], (N_EDGES,), 0, N_NODES, dtype=jnp.int32)
    receivers = jax.random.randint(ks[2], (N_EDGES,), 0, N_NODES, dtype=jnp.int32)
    segment_ids = jnp.sort(jax.random.randint(ks[3], (N_NODES,), 0, N_GRAPHS, dtype=jnp.int32))
    total_charge = jnp.zeros((N_GRAPHS,), dtype=jnp.float32)
    Ws1 = _glorot(ks[4], (D_FEAT, D_HID)); Wn1 = _glorot(ks[5], (D_FEAT, D_HID)); b1 = jnp.zeros((D_HID,), jnp.float32)
    Ws2 = _glorot(ks[6], (D_HID, D_HID)); Wn2 = _glorot(ks[7], (D_HID, D_HID)); b2 = jnp.zeros((D_HID,), jnp.float32)
    Ws3 = _glorot(ks[8], (D_HID, D_HID)); Wn3 = _glorot(ks[9], (D_HID, D_HID)); b3 = jnp.zeros((D_HID,), jnp.float32)
    w_readout = _glorot(ks[10], (2, D_HID))
    b_readout = jnp.zeros((2,), jnp.float32)
    return {
        "x": x, "senders": senders, "receivers": receivers,
        "segment_ids": segment_ids, "num_graphs": N_GRAPHS, "total_charge": total_charge,
        "Ws1": Ws1, "Wn1": Wn1, "b1": b1,
        "Ws2": Ws2, "Wn2": Wn2, "b2": b2,
        "Ws3": Ws3, "Wn3": Wn3, "b3": b3,
        "w_readout": w_readout, "b_readout": b_readout,
    }


def _sage_layer(h, senders, receivers, Ws, Wn, b, n_nodes):
    msgs = jnp.take(h, senders, axis=0)
    agg = jax.ops.segment_sum(msgs, receivers, num_segments=n_nodes)
    deg = jax.ops.segment_sum(jnp.ones((senders.shape[0],), h.dtype), receivers, num_segments=n_nodes)
    agg = agg / jnp.maximum(deg, 1.0)[:, None]
    return jax.nn.relu(h @ Ws + agg @ Wn + b)


def _charge_equilibrium(e, s, sid, num_graphs, total_charge):
    # Espaloma QEq closed form: minimize sum(e_i q_i + s_i q_i^2) s.t. per-graph sum(q) = Q
    n_segments = total_charge.shape[0]
    s_pos = jax.nn.softplus(s) + 1e-4
    inv = 1.0 / (2.0 * s_pos)
    sum_inv = jax.ops.segment_sum(inv[:, 0], sid, num_segments=n_segments)
    sum_e = jax.ops.segment_sum((e * inv)[:, 0], sid, num_segments=n_segments)
    lam = (total_charge + sum_e) / sum_inv + 0 * num_graphs
    q = (jnp.take(lam, sid)[:, None] - e) * inv
    return q


def reference(x, senders, receivers, segment_ids, num_graphs, total_charge,
              Ws1, Wn1, b1, Ws2, Wn2, b2, Ws3, Wn3, b3, w_readout, b_readout):
    n = x.shape[0]
    h = _sage_layer(x, senders, receivers, Ws1, Wn1, b1, n)
    h = _sage_layer(h, senders, receivers, Ws2, Wn2, b2, n)
    h = _sage_layer(h, senders, receivers, Ws3, Wn3, b3, n)
    es = h @ w_readout.T + b_readout
    e = es[:, :1]
    s = es[:, 1:2]
    return _charge_equilibrium(e, s, segment_ids, num_graphs, total_charge)

if __name__ == "__main__":
    import jax
    _d = setup_inputs()
    print(jax.jit(kernel)(*tuple(_d.values())))

</pallas_src>

<mosaic_0001>
#map = affine_map<(d0, d1) -> (0, 0)>
#map1 = affine_map<(d0, d1) -> (0)>
module attributes {stable_mosaic.version = 14 : i64} {
  func.func @body(%arg0: i32, %arg1: i32, %arg2: memref<10000x128xf32, #tpu.memory_space<hbm>>, %arg3: memref<320000xi32, #tpu.memory_space<hbm>>, %arg4: memref<320000xi32, #tpu.memory_space<hbm>>, %arg5: memref<10112x128xf32, #tpu.memory_space<hbm>>, %arg6: memref<10112xf32, #tpu.memory_space<hbm>>, %arg7: memref<80xf32, #tpu.memory_space<hbm>>, %arg8: memref<20224x128xf32, #tpu.memory_space<hbm>>, %arg9: memref<20224xf32, #tpu.memory_space<hbm>>, %arg10: memref<10000xi32, #tpu.memory_space<vmem>>, %arg11: memref<80xi32, #tpu.memory_space<vmem>>, %arg12: memref<80xi32, #tpu.memory_space<vmem>>, %arg13: memref<80xi32, #tpu.memory_space<vmem>>, %arg14: memref<80x128xf32, #tpu.memory_space<vmem>>, %arg15: memref<80x128xf32, #tpu.memory_space<vmem>>, %arg16: memref<80x128xf32, #tpu.memory_space<vmem>>, %arg17: memref<80xf32, #tpu.memory_space<vmem>>, %arg18: memref<632xf32, #tpu.memory_space<vmem>>, %arg19: memref<10112x128xf32, #tpu.memory_space<vmem_shared>>, %arg20: memref<10112xf32, #tpu.memory_space<vmem_shared>>, %arg21: memref<!tpu.dma_semaphore, #tpu.memory_space<semaphore_mem>>, %arg22: memref<!tpu.dma_semaphore, #tpu.memory_space<semaphore_mem>>, %arg23: memref<!tpu.dma_semaphore, #tpu.memory_space<semaphore_mem>>, %arg24: memref<!tpu.dma_semaphore, #tpu.memory_space<semaphore_mem>>, %arg25: memref<!tpu.dma_semaphore, #tpu.memory_space<semaphore_mem>>, %arg26: memref<!tpu.dma_semaphore, #tpu.memory_space<semaphore_mem>>, %arg27: memref<!tpu.dma_semaphore, #tpu.memory_space<semaphore_mem>>, %arg28: memref<!tpu.dma_semaphore, #tpu.memory_space<semaphore_mem>>, %arg29: memref<!tpu.dma_semaphore, #tpu.memory_space<semaphore_mem>>, %arg30: memref<!tpu.dma_semaphore, #tpu.memory_space<semaphore_mem>>, %arg31: memref<!tpu.dma_semaphore, #tpu.memory_space<semaphore_mem>>, %arg32: memref<!tpu.dma_semaphore, #tpu.memory_space<semaphore_mem>>) attributes {dimension_semantics = [#tpu.dimension_semantics<core_parallel>, #tpu.dimension_semantics<subcore_parallel>], iteration_bounds = array<i64: 2, 16>, scalar_prefetch = 0 : i64, scratch_operands = 23 : i64, tpu.core_type = #tpu.core_type<sc_vector_subcore>, window_params = [{transform_indices = #map}, {transform_indices = #map1}, {transform_indices = #map1}, {transform_indices = #map}, {transform_indices = #map1}, {transform_indices = #map1}, {transform_indices = #map}, {transform_indices = #map1}]} {
    %mul3A = arith.constant 2 : i32
    %mul3A_0 = arith.muli %arg1, %mul3A : i32
    %add3A = arith.addi %mul3A_0, %arg0 : i32
    %mul3A_1 = arith.constant 10000 : i32
    %mul3A_2 = arith.muli %add3A, %mul3A_1 : i32
    %mul3A_3 = arith.constant 632 : i32
    %mul3A_4 = arith.muli %arg1, %mul3A_3 : i32
    "tpu.region"() ({
      %run_scoped3A = tpu.sem_alloc : memref<!tpu.dma_semaphore, #tpu.memory_space<semaphore_mem>>
      %dma_start3A_76 = arith.constant 0 : i32
      %dma_start3A_77 = tpu.memref_slice %arg19[%mul3A_4, %dma_start3A_76] : memref<10112x128xf32, #tpu.memory_space<vmem_shared>> -> memref<632x128xf32, #tpu.memory_space<vmem_shared>>
      %dma_start3A_78 = arith.constant 0 : i32
      %dma_start3A_79 = tpu.memref_slice %arg5[%mul3A_4, %dma_start3A_78] : memref<10112x128xf32, #tpu.memory_space<hbm>> -> memref<632x128xf32, #tpu.memory_space<hbm>>
      tpu.enqueue_dma source(%dma_start3A_79 : memref<632x128xf32, #tpu.memory_space<hbm>>) target(%dma_start3A_77 : memref<632x128xf32, #tpu.memory_space<vmem_shared>>) target_semaphore(%run_scoped3A : memref<!tpu.dma_semaphore, #tpu.memory_space<semaphore_mem>>)
      %dma_wait3A_80 = arith.constant 0 : i32
      %dma_wait3A_81 = tpu.memref_slice %arg19[%mul3A_4, %dma_wait3A_80] : memref<10112x128xf32, #tpu.memory_space<vmem_shared>> -> memref<632x128xf32, #tpu.memory_space<vmem_shared>>
      %dma_wait3A_82 = arith.constant 0 : i32
      %dma_wait3A_83 = tpu.memref_slice %arg5[%mul3A_4, %dma_wait3A_82] : memref<10112x128xf32, #tpu.memory_space<hbm>> -> memref<632x128xf32, #tpu.memory_space<hbm>>
      tpu.wait_dma2 semaphore(%run_scoped3A : memref<!tpu.dma_semaphore, #tpu.memory_space<semaphore_mem>>) src(%dma_wait3A_83 : memref<632x128xf32, #tpu.memory_space<hbm>>) dst(%dma_wait3A_81 : memref<632x128xf32, #tpu.memory_space<vmem_shared>>)
      tpu.yield
    }) : () -> ()
    "tpu.region"() ({
      %run_scoped3A = tpu.sem_alloc : memref<!tpu.dma_semaphore, #tpu.memory_space<semaphore_mem>>
      %dma_start3A_76 = tpu.memref_slice %arg6[%mul3A_4] : memref<10112xf32, #tpu.memory_space<hbm>> -> memref<632xf32, #tpu.memory_space<hbm>>
      %dma_start3A_77 = tpu.memref_slice %arg6[%mul3A_4] : memref<10112xf32, #tpu.memory_space<hbm>> -> memref<632xf32, #tpu.memory_space<hbm>>
      tpu.enqueue_dma source(%dma_start3A_77 : memref<632xf32, #tpu.memory_space<hbm>>) target(%arg18 : memref<632xf32, #tpu.memory_space<vmem>>) target_semaphore(%run_scoped3A : memref<!tpu.dma_semaphore, #tpu.memory_space<semaphore_mem>>)
      %dma_wait3A_78 = tpu.memref_slice %arg6[%mul3A_4] : memref<10112xf32, #tpu.memory_space<hbm>> -> memref<632xf32, #tpu.memory_space<hbm>>
      %dma_wait3A_79 = tpu.memref_slice %arg6[%mul3A_4] : memref<10112xf32, #tpu.memory_space<hbm>> -> memref<632xf32, #tpu.memory_space<hbm>>
      tpu.wait_dma2 semaphore(%run_scoped3A : memref<!tpu.dma_semaphore, #tpu.memory_space<semaphore_mem>>) src(%dma_wait3A_79 : memref<632xf32, #tpu.memory_space<hbm>>) dst(%arg18 : memref<632xf32, #tpu.memory_space<vmem>>)
      tpu.yield
    }) : () -> ()
    "tpu.region"() ({
      %run_scoped3A = tpu.sem_alloc : memref<!tpu.dma_semaphore, #tpu.memory_space<semaphore_mem>>
      %dma_start3A_76 = tpu.memref_slice %arg20[%mul3A_4] : memref<10112xf32, #tpu.memory_space<vmem_shared>> -> memref<632xf32, #tpu.memory_space<vmem_shared>>
      %dma_start3A_77 = tpu.memref_slice %arg20[%mul3A_4] : memref<10112xf32, #tpu.memory_space<vmem_shared>> -> memref<632xf32, #tpu.memory_space<vmem_shared>>
      tpu.enqueue_dma source(%arg18 : memref<632xf32, #tpu.memory_space<vmem>>) target(%dma_start3A_77 : memref<632xf32, #tpu.memory_space<vmem_shared>>) target_semaphore(%run_scoped3A : memref<!tpu.dma_semaphore, #tpu.memory_space<semaphore_mem>>)
      %dma_wait3A_78 = tpu.memref_slice %arg20[%mul3A_4] : memref<10112xf32, #tpu.memory_space<vmem_shared>> -> memref<632xf32, #tpu.memory_space<vmem_shared>>
      %dma_wait3A_79 = tpu.memref_slice %arg20[%mul3A_4] : memref<10112xf32, #tpu.memory_space<vmem_shared>> -> memref<632xf32, #tpu.memory_space<vmem_shared>>
      tpu.wait_dma2 semaphore(%run_scoped3A : memref<!tpu.dma_semaphore, #tpu.memory_space<semaphore_mem>>) src(%arg18 : memref<632xf32, #tpu.memory_space<vmem>>) dst(%dma_wait3A_79 : memref<632xf32, #tpu.memory_space<vmem_shared>>)
      tpu.yield
    }) : () -> ()
    "tpu.region"() ({
      %run_scoped3A = tpu.sem_alloc : memref<!tpu.dma_semaphore, #tpu.memory_space<semaphore_mem>>
      tpu.enqueue_dma source(%arg7 : memref<80xf32, #tpu.memory_space<hbm>>) target(%arg17 : memref<80xf32, #tpu.memory_space<vmem>>) target_semaphore(%run_scoped3A : memref<!tpu.dma_semaphore, #tpu.memory_space<semaphore_mem>>)
      tpu.wait_dma2 semaphore(%run_scoped3A : memref<!tpu.dma_semaphore, #tpu.memory_space<semaphore_mem>>) src(%arg7 : memref<80xf32, #tpu.memory_space<hbm>>) dst(%arg17 : memref<80xf32, #tpu.memory_space<vmem>>)
      tpu.yield
    }) : () -> ()
    "tpu.region"() ({
      %run_scoped3A = tpu.sem_alloc : memref<!tpu.dma_semaphore, #tpu.memory_space<semaphore_mem>>
      %dma_start3A_76 = tpu.memref_slice %arg3[%mul3A_2] : memref<320000xi32, #tpu.memory_space<hbm>> -> memref<10000xi32, #tpu.memory_space<hbm>>
      %dma_start3A_77 = tpu.memref_slice %arg3[%mul3A_2] : memref<320000xi32, #tpu.memory_space<hbm>> -> memref<10000xi32, #tpu.memory_space<hbm>>
      tpu.enqueue_dma source(%dma_start3A_77 : memref<10000xi32, #tpu.memory_space<hbm>>) target(%arg10 : memref<10000xi32, #tpu.memory_space<vmem>>) target_semaphore(%run_scoped3A : memref<!tpu.dma_semaphore, #tpu.memory_space<semaphore_mem>>)
      %dma_wait3A_78 = tpu.memref_slice %arg3[%mul3A_2] : memref<320000xi32, #tpu.memory_space<hbm>> -> memref<10000xi32, #tpu.memory_space<hbm>>
      %dma_wait3A_79 = tpu.memref_slice %arg3[%mul3A_2] : memref<320000xi32, #tpu.memory_space<hbm>> -> memref<10000xi32, #tpu.memory_space<hbm>>
      tpu.wait_dma2 semaphore(%run_scoped3A : memref<!tpu.dma_semaphore, #tpu.memory_space<semaphore_mem>>) src(%dma_wait3A_79 : memref<10000xi32, #tpu.memory_space<hbm>>) dst(%arg10 : memref<10000xi32, #tpu.memory_space<vmem>>)
      tpu.yield
    }) : () -> ()
    %add3A_5 = arith.constant 0 : i32
    %add3A_6 = arith.addi %mul3A_2, %add3A_5 : i32
    %dma_start3A = tpu.memref_slice %arg4[%add3A_6] : memref<320000xi32, #tpu.memory_space<hbm>> -> memref<80xi32, #tpu.memory_space<hbm>>
    %dma_start3A_7 = tpu.memref_slice %arg4[%add3A_6] : memref<320000xi32, #tpu.memory_space<hbm>> -> memref<80xi32, #tpu.memory_space<hbm>>
    tpu.enqueue_dma source(%dma_start3A_7 : memref<80xi32, #tpu.memory_space<hbm>>) target(%arg11 : memref<80xi32, #tpu.memory_space<vmem>>) target_semaphore(%arg30 : memref<!tpu.dma_semaphore, #tpu.memory_space<semaphore_mem>>)
    %dma_start3A_8 = arith.constant 0 : i32
    %dma_start3A_9 = tpu.memref_slice %arg10[%dma_start3A_8] : memref<10000xi32, #tpu.memory_space<vmem>> -> memref<80xi32, #tpu.memory_space<vmem>>
    %dma_start3A_10 = arith.constant 0 : i32
    %dma_start3A_11 = arith.constant 0 : i32
    %dma_start3A_12 = tpu.memref_slice %arg2[%dma_start3A_10, %dma_start3A_11] : memref<10000x128xf32, #tpu.memory_space<hbm>> -> memref<10000x128xf32, #tpu.memory_space<hbm>>
    tpu.enqueue_indirect_dma source(%dma_start3A_12 : memref<10000x128xf32, #tpu.memory_space<hbm>>) target(%arg14 : memref<80x128xf32, #tpu.memory_space<vmem>>) offsets(%dma_start3A_9 : memref<80xi32, #tpu.memory_space<vmem>>) semaphore(%arg21 : memref<!tpu.dma_semaphore, #tpu.memory_space<semaphore_mem>>)
    %add3A_13 = arith.constant 80 : i32
    %add3A_14 = arith.addi %mul3A_2, %add3A_13 : i32
    %dma_start3A_15 = tpu.memref_slice %arg4[%add3A_14] : memref<320000xi32, #tpu.memory_space<hbm>> -> memref<80xi32, #tpu.memory_space<hbm>>
    %dma_start3A_16 = tpu.memref_slice %arg4[%add3A_14] : memref<320000xi32, #tpu.memory_space<hbm>> -> memref<80xi32, #tpu.memory_space<hbm>>
    tpu.enqueue_dma source(%dma_start3A_16 : memref<80xi32, #tpu.memory_space<hbm>>) target(%arg12 : memref<80xi32, #tpu.memory_space<vmem>>) target_semaphore(%arg31 : memref<!tpu.dma_semaphore, #tpu.memory_space<semaphore_mem>>)
    %dma_start3A_17 = arith.constant 80 : i32
    %dma_start3A_18 = tpu.memref_slice %arg10[%dma_start3A_17] : memref<10000xi32, #tpu.memory_space<vmem>> -> memref<80xi32, #tpu.memory_space<vmem>>
    %dma_start3A_19 = arith.constant 0 : i32
    %dma_start3A_20 = arith.constant 0 : i32
    %dma_start3A_21 = tpu.memref_slice %arg2[%dma_start3A_19, %dma_start3A_20] : memref<10000x128xf32, #tpu.memory_space<hbm>> -> memref<10000x128xf32, #tpu.memory_space<hbm>>
    tpu.enqueue_indirect_dma source(%dma_start3A_21 : memref<10000x128xf32, #tpu.memory_space<hbm>>) target(%arg15 : memref<80x128xf32, #tpu.memory_space<vmem>>) offsets(%dma_start3A_18 : memref<80xi32, #tpu.memory_space<vmem>>) semaphore(%arg22 : memref<!tpu.dma_semaphore, #tpu.memory_space<semaphore_mem>>)
    %barrier3A = arith.constant 0 : index
    tpu.barrier barrier_id(%barrier3A)
    %scan3A = arith.constant 0 : i32
    %scan3A_22 = arith.constant 0 : i32
    %scan3A_23 = arith.constant 41 : i32
    %scan3A_24 = arith.addi %scan3A_22, %scan3A_23 : i32
    %scan3A_25 = arith.constant 1 : i32
    scf.for %scan3A_76 = %scan3A_22 to %scan3A_24 step %scan3A_25  : i32 {
      %mul3A_77 = arith.constant 3 : i32
      %mul3A_78 = arith.muli %mul3A_77, %scan3A_76 : i32
      %add3A_79 = arith.constant 0 : i32
      %add3A_80 = arith.addi %mul3A_78, %add3A_79 : i32
      %add3A_81 = arith.constant 3 : i32
      %add3A_82 = arith.addi %add3A_80, %add3A_81 : i32
      %sub3A = arith.constant 1 : i32
      %sub3A_83 = arith.subi %add3A_82, %sub3A : i32
      %lt3A = arith.constant 125 : i32
      %lt3A_84 = arith.cmpi slt, %sub3A_83, %lt3A : i32
      %convert_element_type3A = arith.extui %lt3A_84 : i1 to i32
      %cond3A = arith.constant 0 : i32
      %cond3A_85 = arith.cmpi ne, %convert_element_type3A, %cond3A : i32
      scf.if %cond3A_85 {
        %gt3A = arith.constant 0 : i32
        %gt3A_160 = arith.cmpi sgt, %scan3A_76, %gt3A : i32
        %convert_element_type3A_161 = arith.extui %gt3A_160 : i1 to i32
        %cond3A_162 = arith.constant 0 : i32
        %cond3A_163 = arith.cmpi ne, %convert_element_type3A_161, %cond3A_162 : i32
        scf.if %cond3A_163 {
          %sub3A_179 = arith.constant 1 : i32
          %sub3A_180 = arith.subi %add3A_80, %sub3A_179 : i32
          %dma_wait3A_181 = arith.constant 0 : i32
          %dma_wait3A_182 = arith.constant 0 : i32
          %dma_wait3A_183 = tpu.memref_slice %arg19[%dma_wait3A_181, %dma_wait3A_182] : memref<10112x128xf32, #tpu.memory_space<vmem_shared>> -> memref<10112x128xf32, #tpu.memory_space<vmem_shared>>
          tpu.wait_indirect_dma semaphore(%arg26 : memref<!tpu.dma_semaphore, #tpu.memory_space<semaphore_mem>>) src(%arg16 : memref<80x128xf32, #tpu.memory_space<vmem>>) dst(%dma_wait3A_183 : memref<10112x128xf32, #tpu.memory_space<vmem_shared>>)
          %dma_wait3A_184 = arith.constant 0 : i32
          %dma_wait3A_185 = tpu.memref_slice %arg20[%dma_wait3A_184] : memref<10112xf32, #tpu.memory_space<vmem_shared>> -> memref<10112xf32, #tpu.memory_space<vmem_shared>>
          tpu.wait_indirect_dma semaphore(%arg29 : memref<!tpu.dma_semaphore, #tpu.memory_space<semaphore_mem>>) src(%arg17 : memref<80xf32, #tpu.memory_space<vmem>>) dst(%dma_wait3A_185 : memref<10112xf32, #tpu.memory_space<vmem_shared>>)
        } else {
        }
        %add3A_164 = arith.constant 3 : i32
        %add3A_165 = arith.addi %add3A_80, %add3A_164 : i32
        %sub3A_166 = arith.constant 1 : i32
        %sub3A_167 = arith.subi %add3A_165, %sub3A_166 : i32
        %mul3A_168 = arith.constant 80 : i32
        %mul3A_169 = arith.muli %sub3A_167, %mul3A_168 : i32
        %add3A_170 = arith.addi %mul3A_2, %mul3A_169 : i32
        %dma_start3A_171 = tpu.memref_slice %arg4[%add3A_170] : memref<320000xi32, #tpu.memory_space<hbm>> -> memref<80xi32, #tpu.memory_space<hbm>>
        %dma_start3A_172 = tpu.memref_slice %arg4[%add3A_170] : memref<320000xi32, #tpu.memory_space<hbm>> -> memref<80xi32, #tpu.memory_space<hbm>>
        tpu.enqueue_dma source(%dma_start3A_172 : memref<80xi32, #tpu.memory_space<hbm>>) target(%arg13 : memref<80xi32, #tpu.memory_space<vmem>>) target_semaphore(%arg32 : memref<!tpu.dma_semaphore, #tpu.memory_space<semaphore_mem>>)
        %mul3A_173 = arith.constant 80 : i32
        %mul3A_174 = arith.muli %sub3A_167, %mul3A_173 : i32
        %dma_start3A_175 = tpu.memref_slice %arg10[%mul3A_174] : memref<10000xi32, #tpu.memory_space<vmem>> -> memref<80xi32, #tpu.memory_space<vmem>>
        %dma_start3A_176 = arith.constant 0 : i32
        %dma_start3A_177 = arith.constant 0 : i32
        %dma_start3A_178 = tpu.memref_slice %arg2[%dma_start3A_176, %dma_start3A_177] : memref<10000x128xf32, #tpu.memory_space<hbm>> -> memref<10000x128xf32, #tpu.memory_space<hbm>>
        tpu.enqueue_indirect_dma source(%dma_start3A_178 : memref<10000x128xf32, #tpu.memory_space<hbm>>) target(%arg16 : memref<80x128xf32, #tpu.memory_space<vmem>>) offsets(%dma_start3A_175 : memref<80xi32, #tpu.memory_space<vmem>>) semaphore(%arg23 : memref<!tpu.dma_semaphore, #tpu.memory_space<semaphore_mem>>)
      } else {
      }
      %mul3A_86 = arith.constant 80 : i32
      %mul3A_87 = arith.muli %add3A_80, %mul3A_86 : i32
      %add3A_88 = arith.addi %mul3A_2, %mul3A_87 : i32
      %dma_wait3A_89 = tpu.memref_slice %arg4[%add3A_88] : memref<320000xi32, #tpu.memory_space<hbm>> -> memref<80xi32, #tpu.memory_space<hbm>>
      %dma_wait3A_90 = tpu.memref_slice %arg4[%add3A_88] : memref<320000xi32, #tpu.memory_space<hbm>> -> memref<80xi32, #tpu.memory_space<hbm>>
      tpu.wait_dma2 semaphore(%arg30 : memref<!tpu.dma_semaphore, #tpu.memory_space<semaphore_mem>>) src(%dma_wait3A_90 : memref<80xi32, #tpu.memory_space<hbm>>) dst(%arg11 : memref<80xi32, #tpu.memory_space<vmem>>)
      %mul3A_91 = arith.constant 80 : i32
      %mul3A_92 = arith.muli %add3A_80, %mul3A_91 : i32
      %dma_wait3A_93 = tpu.memref_slice %arg10[%mul3A_92] : memref<10000xi32, #tpu.memory_space<vmem>> -> memref<80xi32, #tpu.memory_space<vmem>>
      %dma_wait3A_94 = arith.constant 0 : i32
      %dma_wait3A_95 = arith.constant 0 : i32
      %dma_wait3A_96 = tpu.memref_slice %arg2[%dma_wait3A_94, %dma_wait3A_95] : memref<10000x128xf32, #tpu.memory_space<hbm>> -> memref<10000x128xf32, #tpu.memory_space<hbm>>
      tpu.wait_indirect_dma semaphore(%arg21 : memref<!tpu.dma_semaphore, #tpu.memory_space<semaphore_mem>>) src(%dma_wait3A_96 : memref<10000x128xf32, #tpu.memory_space<hbm>>) dst(%arg14 : memref<80x128xf32, #tpu.memory_space<vmem>>)
      %dma_start3A_97 = arith.constant 0 : i32
      %dma_start3A_98 = arith.constant 0 : i32
      %dma_start3A_99 = tpu.memref_slice %arg19[%dma_start3A_97, %dma_start3A_98] : memref<10112x128xf32, #tpu.memory_space<vmem_shared>> -> memref<10112x128xf32, #tpu.memory_space<vmem_shared>>
      tpu.enqueue_indirect_dma source(%arg14 : memref<80x128xf32, #tpu.memory_space<vmem>>) target(%dma_start3A_99 : memref<10112x128xf32, #tpu.memory_space<vmem_shared>>) offsets(%arg11 : memref<80xi32, #tpu.memory_space<vmem>>) semaphore(%arg24 : memref<!tpu.dma_semaphore, #tpu.memory_space<semaphore_mem>>) {add = true}
      %dma_start3A_100 = arith.constant 0 : i32
      %dma_start3A_101 = tpu.memref_slice %arg20[%dma_start3A_100] : memref<10112xf32, #tpu.memory_space<vmem_shared>> -> memref<10112xf32, #tpu.memory_space<vmem_shared>>
      tpu.enqueue_indirect_dma source(%arg17 : memref<80xf32, #tpu.memory_space<vmem>>) target(%dma_start3A_101 : memref<10112xf32, #tpu.memory_space<vmem_shared>>) offsets(%arg11 : memref<80xi32, #tpu.memory_space<vmem>>) semaphore(%arg27 : memref<!tpu.dma_semaphore, #tpu.memory_space<semaphore_mem>>) {add = true}
      %mul3A_102 = arith.constant 3 : i32
      %mul3A_103 = arith.muli %mul3A_102, %scan3A_76 : i32
      %add3A_104 = arith.constant 1 : i32
      %add3A_105 = arith.addi %mul3A_103, %add3A_104 : i32
      %add3A_106 = arith.constant 3 : i32
      %add3A_107 = arith.addi %add3A_105, %add3A_106 : i32
      %sub3A_108 = arith.constant 1 : i32
      %sub3A_109 = arith.subi %add3A_107, %sub3A_108 : i32
      %lt3A_110 = arith.constant 125 : i32
      %lt3A_111 = arith.cmpi slt, %sub3A_109, %lt3A_110 : i32
      %convert_element_type3A_112 = arith.extui %lt3A_111 : i1 to i32
      %cond3A_113 = arith.constant 0 : i32
      %cond3A_114 = arith.cmpi ne, %convert_element_type3A_112, %cond3A_113 : i32
      scf.if %cond3A_114 {
        %sub3A_160 = arith.constant 1 : i32
        %sub3A_161 = arith.subi %add3A_105, %sub3A_160 : i32
        %dma_wait3A_162 = arith.constant 0 : i32
        %dma_wait3A_163 = arith.constant 0 : i32
        %dma_wait3A_164 = tpu.memref_slice %arg19[%dma_wait3A_162, %dma_wait3A_163] : memref<10112x128xf32, #tpu.memory_space<vmem_shared>> -> memref<10112x128xf32, #tpu.memory_space<vmem_shared>>
        tpu.wait_indirect_dma semaphore(%arg24 : memref<!tpu.dma_semaphore, #tpu.memory_space<semaphore_mem>>) src(%arg14 : memref<80x128xf32, #tpu.memory_space<vmem>>) dst(%dma_wait3A_164 : memref<10112x128xf32, #tpu.memory_space<vmem_shared>>)
        %dma_wait3A_165 = arith.constant 0 : i32
        %dma_wait3A_166 = tpu.memref_slice %arg20[%dma_wait3A_165] : memref<10112xf32, #tpu.memory_space<vmem_shared>> -> memref<10112xf32, #tpu.memory_space<vmem_shared>>
        tpu.wait_indirect_dma semaphore(%arg27 : memref<!tpu.dma_semaphore, #tpu.memory_space<semaphore_mem>>) src(%arg17 : memref<80xf32, #tpu.memory_space<vmem>>) dst(%dma_wait3A_166 : memref<10112xf32, #tpu.memory_space<vmem_shared>>)
        %add3A_167 = arith.constant 3 : i32
        %add3A_168 = arith.addi %add3A_105, %add3A_167 : i32
        %sub3A_169 = arith.constant 1 : i32
        %sub3A_170 = arith.subi %add3A_168, %sub3A_169 : i32
        %mul3A_171 = arith.constant 80 : i32
        %mul3A_172 = arith.muli %sub3A_170, %mul3A_171 : i32
        %add3A_173 = arith.addi %mul3A_2, %mul3A_172 : i32
        %dma_start3A_174 = tpu.memref_slice %arg4[%add3A_173] : memref<320000xi32, #tpu.memory_space<hbm>> -> memref<80xi32, #tpu.memory_space<hbm>>
        %dma_start3A_175 = tpu.memref_slice %arg4[%add3A_173] : memref<320000xi32, #tpu.memory_space<hbm>> -> memref<80xi32, #tpu.memory_space<hbm>>
        tpu.enqueue_dma source(%dma_start3A_175 : memref<80xi32, #tpu.memory_space<hbm>>) target(%arg11 : memref<80xi32, #tpu.memory_space<vmem>>) target_semaphore(%arg30 : memref<!tpu.dma_semaphore, #tpu.memory_space<semaphore_mem>>)
        %mul3A_176 = arith.constant 80 : i32
        %mul3A_177 = arith.muli %sub3A_170, %mul3A_176 : i32
        %dma_start3A_178 = tpu.memref_slice %arg10[%mul3A_177] : memref<10000xi32, #tpu.memory_space<vmem>> -> memref<80xi32, #tpu.memory_space<vmem>>
        %dma_start3A_179 = arith.constant 0 : i32
        %dma_start3A_180 = arith.constant 0 : i32
        %dma_start3A_181 = tpu.memref_slice %arg2[%dma_start3A_179, %dma_start3A_180] : memref<10000x128xf32, #tpu.memory_space<hbm>> -> memref<10000x128xf32, #tpu.memory_space<hbm>>
        tpu.enqueue_indirect_dma source(%dma_start3A_181 : memref<10000x128xf32, #tpu.memory_space<hbm>>) target(%arg14 : memref<80x128xf32, #tpu.memory_space<vmem>>) offsets(%dma_start3A_178 : memref<80xi32, #tpu.memory_space<vmem>>) semaphore(%arg21 : memref<!tpu.dma_semaphore, #tpu.memory_space<semaphore_mem>>)
      } else {
      }
      %mul3A_115 = arith.constant 80 : i32
      %mul3A_116 = arith.muli %add3A_105, %mul3A_115 : i32
      %add3A_117 = arith.addi %mul3A_2, %mul3A_116 : i32
      %dma_wait3A_118 = tpu.memref_slice %arg4[%add3A_117] : memref<320000xi32, #tpu.memory_space<hbm>> -> memref<80xi32, #tpu.memory_space<hbm>>
      %dma_wait3A_119 = tpu.memref_slice %arg4[%add3A_117] : memref<320000xi32, #tpu.memory_space<hbm>> -> memref<80xi32, #tpu.memory_space<hbm>>
      tpu.wait_dma2 semaphore(%arg31 : memref<!tpu.dma_semaphore, #tpu.memory_space<semaphore_mem>>) src(%dma_wait3A_119 : memref<80xi32, #tpu.memory_space<hbm>>) dst(%arg12 : memref<80xi32, #tpu.memory_space<vmem>>)
      %mul3A_120 = arith.constant 80 : i32
      %mul3A_121 = arith.muli %add3A_105, %mul3A_120 : i32
      %dma_wait3A_122 = tpu.memref_slice %arg10[%mul3A_121] : memref<10000xi32, #tpu.memory_space<vmem>> -> memref<80xi32, #tpu.memory_space<vmem>>
      %dma_wait3A_123 = arith.constant 0 : i32
      %dma_wait3A_124 = arith.constant 0 : i32
      %dma_wait3A_125 = tpu.memref_slice %arg2[%dma_wait3A_123, %dma_wait3A_124] : memref<10000x128xf32, #tpu.memory_space<hbm>> -> memref<10000x128xf32, #tpu.memory_space<hbm>>
      tpu.wait_indirect_dma semaphore(%arg22 : memref<!tpu.dma_semaphore, #tpu.memory_space<semaphore_mem>>) src(%dma_wait3A_125 : memref<10000x128xf32, #tpu.memory_space<hbm>>) dst(%arg15 : memref<80x128xf32, #tpu.memory_space<vmem>>)
      %dma_start3A_126 = arith.constant 0 : i32
      %dma_start3A_127 = arith.constant 0 : i32
      %dma_start3A_128 = tpu.memref_slice %arg19[%dma_start3A_126, %dma_start3A_127] : memref<10112x128xf32, #tpu.memory_space<vmem_shared>> -> memref<10112x128xf32, #tpu.memory_space<vmem_shared>>
      tpu.enqueue_indirect_dma source(%arg15 : memref<80x128xf32, #tpu.memory_space<vmem>>) target(%dma_start3A_128 : memref<10112x128xf32, #tpu.memory_space<vmem_shared>>) offsets(%arg12 : memref<80xi32, #tpu.memory_space<vmem>>) semaphore(%arg25 : memref<!tpu.dma_semaphore, #tpu.memory_space<semaphore_mem>>) {add = true}
      %dma_start3A_129 = arith.constant 0 : i32
      %dma_start3A_130 = tpu.memref_slice %arg20[%dma_start3A_129] : memref<10112xf32, #tpu.memory_space<vmem_shared>> -> memref<10112xf32, #tpu.memory_space<vmem_shared>>
      tpu.enqueue_indirect_dma source(%arg17 : memref<80xf32, #tpu.memory_space<vmem>>) target(%dma_start3A_130 : memref<10112xf32, #tpu.memory_space<vmem_shared>>) offsets(%arg12 : memref<80xi32, #tpu.memory_space<vmem>>) semaphore(%arg28 : memref<!tpu.dma_semaphore, #tpu.memory_space<semaphore_mem>>) {add = true}
      %mul3A_131 = arith.constant 3 : i32
      %mul3A_132 = arith.muli %mul3A_131, %scan3A_76 : i32
      %add3A_133 = arith.constant 2 : i32
      %add3A_134 = arith.addi %mul3A_132, %add3A_133 : i32
      %add3A_135 = arith.constant 3 : i32
      %add3A_136 = arith.addi %add3A_134, %add3A_135 : i32
      %sub3A_137 = arith.constant 1 : i32
      %sub3A_138 = arith.subi %add3A_136, %sub3A_137 : i32
      %lt3A_139 = arith.constant 125 : i32
      %lt3A_140 = arith.cmpi slt, %sub3A_138, %lt3A_139 : i32
      %convert_element_type3A_141 = arith.extui %lt3A_140 : i1 to i32
      %cond3A_142 = arith.constant 0 : i32
      %cond3A_143 = arith.cmpi ne, %convert_element_type3A_141, %cond3A_142 : i32
      scf.if %cond3A_143 {
        %sub3A_160 = arith.constant 1 : i32
        %sub3A_161 = arith.subi %add3A_134, %sub3A_160 : i32
        %dma_wait3A_162 = arith.constant 0 : i32
        %dma_wait3A_163 = arith.constant 0 : i32
        %dma_wait3A_164 = tpu.memref_slice %arg19[%dma_wait3A_162, %dma_wait3A_163] : memref<10112x128xf32, #tpu.memory_space<vmem_shared>> -> memref<10112x128xf32, #tpu.memory_space<vmem_shared>>
        tpu.wait_indirect_dma semaphore(%arg25 : memref<!tpu.dma_semaphore, #tpu.memory_space<semaphore_mem>>) src(%arg15 : memref<80x128xf32, #tpu.memory_space<vmem>>) dst(%dma_wait3A_164 : memref<10112x128xf32, #tpu.memory_space<vmem_shared>>)
        %dma_wait3A_165 = arith.constant 0 : i32
        %dma_wait3A_166 = tpu.memref_slice %arg20[%dma_wait3A_165] : memref<10112xf32, #tpu.memory_space<vmem_shared>> -> memref<10112xf32, #tpu.memory_space<vmem_shared>>
        tpu.wait_indirect_dma semaphore(%arg28 : memref<!tpu.dma_semaphore, #tpu.memory_space<semaphore_mem>>) src(%arg17 : memref<80xf32, #tpu.memory_space<vmem>>) dst(%dma_wait3A_166 : memref<10112xf32, #tpu.memory_space<vmem_shared>>)
        %add3A_167 = arith.constant 3 : i32
        %add3A_168 = arith.addi %add3A_134, %add3A_167 : i32
        %sub3A_169 = arith.constant 1 : i32
        %sub3A_170 = arith.subi %add3A_168, %sub3A_169 : i32
        %mul3A_171 = arith.constant 80 : i32
        %mul3A_172 = arith.muli %sub3A_170, %mul3A_171 : i32
        %add3A_173 = arith.addi %mul3A_2, %mul3A_172 : i32
        %dma_start3A_174 = tpu.memref_slice %arg4[%add3A_173] : memref<320000xi32, #tpu.memory_space<hbm>> -> memref<80xi32, #tpu.memory_space<hbm>>
        %dma_start3A_175 = tpu.memref_slice %arg4[%add3A_173] : memref<320000xi32, #tpu.memory_space<hbm>> -> memref<80xi32, #tpu.memory_space<hbm>>
        tpu.enqueue_dma source(%dma_start3A_175 : memref<80xi32, #tpu.memory_space<hbm>>) target(%arg12 : memref<80xi32, #tpu.memory_space<vmem>>) target_semaphore(%arg31 : memref<!tpu.dma_semaphore, #tpu.memory_space<semaphore_mem>>)
        %mul3A_176 = arith.constant 80 : i32
        %mul3A_177 = arith.muli %sub3A_170, %mul3A_176 : i32
        %dma_start3A_178 = tpu.memref_slice %arg10[%mul3A_177] : memref<10000xi32, #tpu.memory_space<vmem>> -> memref<80xi32, #tpu.memory_space<vmem>>
        %dma_start3A_179 = arith.constant 0 : i32
        %dma_start3A_180 = arith.constant 0 : i32
        %dma_start3A_181 = tpu.memref_slice %arg2[%dma_start3A_179, %dma_start3A_180] : memref<10000x128xf32, #tpu.memory_space<hbm>> -> memref<10000x128xf32, #tpu.memory_space<hbm>>
        tpu.enqueue_indirect_dma source(%dma_start3A_181 : memref<10000x128xf32, #tpu.memory_space<hbm>>) target(%arg15 : memref<80x128xf32, #tpu.memory_space<vmem>>) offsets(%dma_start3A_178 : memref<80xi32, #tpu.memory_space<vmem>>) semaphore(%arg22 : memref<!tpu.dma_semaphore, #tpu.memory_space<semaphore_mem>>)
      } else {
      }
      %mul3A_144 = arith.constant 80 : i32
      %mul3A_145 = arith.muli %add3A_134, %mul3A_144 : i32
      %add3A_146 = arith.addi %mul3A_2, %mul3A_145 : i32
      %dma_wait3A_147 = tpu.memref_slice %arg4[%add3A_146] : memref<320000xi32, #tpu.memory_space<hbm>> -> memref<80xi32, #tpu.memory_space<hbm>>
      %dma_wait3A_148 = tpu.memref_slice %arg4[%add3A_146] : memref<320000xi32, #tpu.memory_space<hbm>> -> memref<80xi32, #tpu.memory_space<hbm>>
      tpu.wait_dma2 semaphore(%arg32 : memref<!tpu.dma_semaphore, #tpu.memory_space<semaphore_mem>>) src(%dma_wait3A_148 : memref<80xi32, #tpu.memory_space<hbm>>) dst(%arg13 : memref<80xi32, #tpu.memory_space<vmem>>)
      %mul3A_149 = arith.constant 80 : i32
      %mul3A_150 = arith.muli %add3A_134, %mul3A_149 : i32
      %dma_wait3A_151 = tpu.memref_slice %arg10[%mul3A_150] : memref<10000xi32, #tpu.memory_space<vmem>> -> memref<80xi32, #tpu.memory_space<vmem>>
      %dma_wait3A_152 = arith.constant 0 : i32
      %dma_wait3A_153 = arith.constant 0 : i32
      %dma_wait3A_154 = tpu.memref_slice %arg2[%dma_wait3A_152, %dma_wait3A_153] : memref<10000x128xf32, #tpu.memory_space<hbm>> -> memref<10000x128xf32, #tpu.memory_space<hbm>>
      tpu.wait_indirect_dma semaphore(%arg23 : memref<!tpu.dma_semaphore, #tpu.memory_space<semaphore_mem>>) src(%dma_wait3A_154 : memref<10000x128xf32, #tpu.memory_space<hbm>>) dst(%arg16 : memref<80x128xf32, #tpu.memory_space<vmem>>)
      %dma_start3A_155 = arith.constant 0 : i32
      %dma_start3A_156 = arith.constant 0 : i32
      %dma_start3A_157 = tpu.memref_slice %arg19[%dma_start3A_155, %dma_start3A_156] : memref<10112x128xf32, #tpu.memory_space<vmem_shared>> -> memref<10112x128xf32, #tpu.memory_space<vmem_shared>>
      tpu.enqueue_indirect_dma source(%arg16 : memref<80x128xf32, #tpu.memory_space<vmem>>) target(%dma_start3A_157 : memref<10112x128xf32, #tpu.memory_space<vmem_shared>>) offsets(%arg13 : memref<80xi32, #tpu.memory_space<vmem>>) semaphore(%arg26 : memref<!tpu.dma_semaphore, #tpu.memory_space<semaphore_mem>>) {add = true}
      %dma_start3A_158 = arith.constant 0 : i32
      %dma_start3A_159 = tpu.memref_slice %arg20[%dma_start3A_158] : memref<10112xf32, #tpu.memory_space<vmem_shared>> -> memref<10112xf32, #tpu.memory_space<vmem_shared>>
      tpu.enqueue_indirect_dma source(%arg17 : memref<80xf32, #tpu.memory_space<vmem>>) target(%dma_start3A_159 : memref<10112xf32, #tpu.memory_space<vmem_shared>>) offsets(%arg13 : memref<80xi32, #tpu.memory_space<vmem>>) semaphore(%arg29 : memref<!tpu.dma_semaphore, #tpu.memory_space<semaphore_mem>>) {add = true}
    }
    %scan3A_26 = arith.constant 41 : i32
    %add3A_27 = arith.constant 9840 : i32
    %add3A_28 = arith.addi %mul3A_2, %add3A_27 : i32
    %dma_wait3A = tpu.memref_slice %arg4[%add3A_28] : memref<320000xi32, #tpu.memory_space<hbm>> -> memref<80xi32, #tpu.memory_space<hbm>>
    %dma_wait3A_29 = tpu.memref_slice %arg4[%add3A_28] : memref<320000xi32, #tpu.memory_space<hbm>> -> memref<80xi32, #tpu.memory_space<hbm>>
    tpu.wait_dma2 semaphore(%arg30 : memref<!tpu.dma_semaphore, #tpu.memory_space<semaphore_mem>>) src(%dma_wait3A_29 : memref<80xi32, #tpu.memory_space<hbm>>) dst(%arg11 : memref<80xi32, #tpu.memory_space<vmem>>)
    %dma_wait3A_30 = arith.constant 9840 : i32
    %dma_wait3A_31 = tpu.memref_slice %arg10[%dma_wait3A_30] : memref<10000xi32, #tpu.memory_space<vmem>> -> memref<80xi32, #tpu.memory_space<vmem>>
    %dma_wait3A_32 = arith.constant 0 : i32
    %dma_wait3A_33 = arith.constant 0 : i32
    %dma_wait3A_34 = tpu.memref_slice %arg2[%dma_wait3A_32, %dma_wait3A_33] : memref<10000x128xf32, #tpu.memory_space<hbm>> -> memref<10000x128xf32, #tpu.memory_space<hbm>>
    tpu.wait_indirect_dma semaphore(%arg21 : memref<!tpu.dma_semaphore, #tpu.memory_space<semaphore_mem>>) src(%dma_wait3A_34 : memref<10000x128xf32, #tpu.memory_space<hbm>>) dst(%arg14 : memref<80x128xf32, #tpu.memory_space<vmem>>)
    %dma_start3A_35 = arith.constant 0 : i32
    %dma_start3A_36 = arith.constant 0 : i32
    %dma_start3A_37 = tpu.memref_slice %arg19[%dma_start3A_35, %dma_start3A_36] : memref<10112x128xf32, #tpu.memory_space<vmem_shared>> -> memref<10112x128xf32, #tpu.memory_space<vmem_shared>>
    tpu.enqueue_indirect_dma source(%arg14 : memref<80x128xf32, #tpu.memory_space<vmem>>) target(%dma_start3A_37 : memref<10112x128xf32, #tpu.memory_space<vmem_shared>>) offsets(%arg11 : memref<80xi32, #tpu.memory_space<vmem>>) semaphore(%arg24 : memref<!tpu.dma_semaphore, #tpu.memory_space<semaphore_mem>>) {add = true}
    %dma_start3A_38 = arith.constant 0 : i32
    %dma_start3A_39 = tpu.memref_slice %arg20[%dma_start3A_38] : memref<10112xf32, #tpu.memory_space<vmem_shared>> -> memref<10112xf32, #tpu.memory_space<vmem_shared>>
    tpu.enqueue_indirect_dma source(%arg17 : memref<80xf32, #tpu.memory_space<vmem>>) target(%dma_start3A_39 : memref<10112xf32, #tpu.memory_space<vmem_shared>>) offsets(%arg11 : memref<80xi32, #tpu.memory_space<vmem>>) semaphore(%arg27 : memref<!tpu.dma_semaphore, #tpu.memory_space<semaphore_mem>>) {add = true}
    %add3A_40 = arith.constant 9920 : i32
    %add3A_41 = arith.addi %mul3A_2, %add3A_40 : i32
    %dma_wait3A_42 = tpu.memref_slice %arg4[%add3A_41] : memref<320000xi32, #tpu.memory_space<hbm>> -> memref<80xi32, #tpu.memory_space<hbm>>
    %dma_wait3A_43 = tpu.memref_slice %arg4[%add3A_41] : memref<320000xi32, #tpu.memory_space<hbm>> -> memref<80xi32, #tpu.memory_space<hbm>>
    tpu.wait_dma2 semaphore(%arg31 : memref<!tpu.dma_semaphore, #tpu.memory_space<semaphore_mem>>) src(%dma_wait3A_43 : memref<80xi32, #tpu.memory_space<hbm>>) dst(%arg12 : memref<80xi32, #tpu.memory_space<vmem>>)
    %dma_wait3A_44 = arith.constant 9920 : i32
    %dma_wait3A_45 = tpu.memref_slice %arg10[%dma_wait3A_44] : memref<10000xi32, #tpu.memory_space<vmem>> -> memref<80xi32, #tpu.memory_space<vmem>>
    %dma_wait3A_46 = arith.constant 0 : i32
    %dma_wait3A_47 = arith.constant 0 : i32
    %dma_wait3A_48 = tpu.memref_slice %arg2[%dma_wait3A_46, %dma_wait3A_47] : memref<10000x128xf32, #tpu.memory_space<hbm>> -> memref<10000x128xf32, #tpu.memory_space<hbm>>
    tpu.wait_indirect_dma semaphore(%arg22 : memref<!tpu.dma_semaphore, #tpu.memory_space<semaphore_mem>>) src(%dma_wait3A_48 : memref<10000x128xf32, #tpu.memory_space<hbm>>) dst(%arg15 : memref<80x128xf32, #tpu.memory_space<vmem>>)
    %dma_start3A_49 = arith.constant 0 : i32
    %dma_start3A_50 = arith.constant 0 : i32
    %dma_start3A_51 = tpu.memref_slice %arg19[%dma_start3A_49, %dma_start3A_50] : memref<10112x128xf32, #tpu.memory_space<vmem_shared>> -> memref<10112x128xf32, #tpu.memory_space<vmem_shared>>
    tpu.enqueue_indirect_dma source(%arg15 : memref<80x128xf32, #tpu.memory_space<vmem>>) target(%dma_start3A_51 : memref<10112x128xf32, #tpu.memory_space<vmem_shared>>) offsets(%arg12 : memref<80xi32, #tpu.memory_space<vmem>>) semaphore(%arg25 : memref<!tpu.dma_semaphore, #tpu.memory_space<semaphore_mem>>) {add = true}
    %dma_start3A_52 = arith.constant 0 : i32
    %dma_start3A_53 = tpu.memref_slice %arg20[%dma_start3A_52] : memref<10112xf32, #tpu.memory_space<vmem_shared>> -> memref<10112xf32, #tpu.memory_space<vmem_shared>>
    tpu.enqueue_indirect_dma source(%arg17 : memref<80xf32, #tpu.memory_space<vmem>>) target(%dma_start3A_53 : memref<10112xf32, #tpu.memory_space<vmem_shared>>) offsets(%arg12 : memref<80xi32, #tpu.memory_space<vmem>>) semaphore(%arg28 : memref<!tpu.dma_semaphore, #tpu.memory_space<semaphore_mem>>) {add = true}
    %dma_wait3A_54 = arith.constant 0 : i32
    %dma_wait3A_55 = arith.constant 0 : i32
    %dma_wait3A_56 = tpu.memref_slice %arg19[%dma_wait3A_54, %dma_wait3A_55] : memref<10112x128xf32, #tpu.memory_space<vmem_shared>> -> memref<10112x128xf32, #tpu.memory_space<vmem_shared>>
    tpu.wait_indirect_dma semaphore(%arg26 : memref<!tpu.dma_semaphore, #tpu.memory_space<semaphore_mem>>) src(%arg16 : memref<80x128xf32, #tpu.memory_space<vmem>>) dst(%dma_wait3A_56 : memref<10112x128xf32, #tpu.memory_space<vmem_shared>>)
    %dma_wait3A_57 = arith.constant 0 : i32
    %dma_wait3A_58 = tpu.memref_slice %arg20[%dma_wait3A_57] : memref<10112xf32, #tpu.memory_space<vmem_shared>> -> memref<10112xf32, #tpu.memory_space<vmem_shared>>
    tpu.wait_indirect_dma semaphore(%arg29 : memref<!tpu.dma_semaphore, #tpu.memory_space<semaphore_mem>>) src(%arg17 : memref<80xf32, #tpu.memory_space<vmem>>) dst(%dma_wait3A_58 : memref<10112xf32, #tpu.memory_space<vmem_shared>>)
    %dma_wait3A_59 = arith.constant 0 : i32
    %dma_wait3A_60 = arith.constant 0 : i32
    %dma_wait3A_61 = tpu.memref_slice %arg19[%dma_wait3A_59, %dma_wait3A_60] : memref<10112x128xf32, #tpu.memory_space<vmem_shared>> -> memref<10112x128xf32, #tpu.memory_space<vmem_shared>>
    tpu.wait_indirect_dma semaphore(%arg24 : memref<!tpu.dma_semaphore, #tpu.memory_space<semaphore_mem>>) src(%arg14 : memref<80x128xf32, #tpu.memory_space<vmem>>) dst(%dma_wait3A_61 : memref<10112x128xf32, #tpu.memory_space<vmem_shared>>)
    %dma_wait3A_62 = arith.constant 0 : i32
    %dma_wait3A_63 = tpu.memref_slice %arg20[%dma_wait3A_62] : memref<10112xf32, #tpu.memory_space<vmem_shared>> -> memref<10112xf32, #tpu.memory_space<vmem_shared>>
    tpu.wait_indirect_dma semaphore(%arg27 : memref<!tpu.dma_semaphore, #tpu.memory_space<semaphore_mem>>) src(%arg17 : memref<80xf32, #tpu.memory_space<vmem>>) dst(%dma_wait3A_63 : memref<10112xf32, #tpu.memory_space<vmem_shared>>)
    %dma_wait3A_64 = arith.constant 0 : i32
    %dma_wait3A_65 = arith.constant 0 : i32
    %dma_wait3A_66 = tpu.memref_slice %arg19[%dma_wait3A_64, %dma_wait3A_65] : memref<10112x128xf32, #tpu.memory_space<vmem_shared>> -> memref<10112x128xf32, #tpu.memory_space<vmem_shared>>
    tpu.wait_indirect_dma semaphore(%arg25 : memref<!tpu.dma_semaphore, #tpu.memory_space<semaphore_mem>>) src(%arg15 : memref<80x128xf32, #tpu.memory_space<vmem>>) dst(%dma_wait3A_66 : memref<10112x128xf32, #tpu.memory_space<vmem_shared>>)
    %dma_wait3A_67 = arith.constant 0 : i32
    %dma_wait3A_68 = tpu.memref_slice %arg20[%dma_wait3A_67] : memref<10112xf32, #tpu.memory_space<vmem_shared>> -> memref<10112xf32, #tpu.memory_space<vmem_shared>>
    tpu.wait_indirect_dma semaphore(%arg28 : memref<!tpu.dma_semaphore, #tpu.memory_space<semaphore_mem>>) src(%arg17 : memref<80xf32, #tpu.memory_space<vmem>>) dst(%dma_wait3A_68 : memref<10112xf32, #tpu.memory_space<vmem_shared>>)
    %barrier3A_69 = arith.constant 0 : index
    tpu.barrier barrier_id(%barrier3A_69)
    %mul3A_70 = arith.constant 10112 : i32
    %mul3A_71 = arith.muli %arg0, %mul3A_70 : i32
    %add3A_72 = arith.addi %mul3A_71, %mul3A_4 : i32
    "tpu.region"() ({
      %run_scoped3A = tpu.sem_alloc : memref<!tpu.dma_semaphore, #tpu.memory_space<semaphore_mem>>
      %dma_start3A_76 = arith.constant 0 : i32
      %dma_start3A_77 = tpu.memref_slice %arg8[%add3A_72, %dma_start3A_76] : memref<20224x128xf32, #tpu.memory_space<hbm>> -> memref<632x128xf32, #tpu.memory_space<hbm>>
      %dma_start3A_78 = arith.constant 0 : i32
      %dma_start3A_79 = tpu.memref_slice %arg19[%mul3A_4, %dma_start3A_78] : memref<10112x128xf32, #tpu.memory_space<vmem_shared>> -> memref<632x128xf32, #tpu.memory_space<vmem_shared>>
      tpu.enqueue_dma source(%dma_start3A_79 : memref<632x128xf32, #tpu.memory_space<vmem_shared>>) target(%dma_start3A_77 : memref<632x128xf32, #tpu.memory_space<hbm>>) target_semaphore(%run_scoped3A : memref<!tpu.dma_semaphore, #tpu.memory_space<semaphore_mem>>)
      %dma_wait3A_80 = arith.constant 0 : i32
      %dma_wait3A_81 = tpu.memref_slice %arg8[%add3A_72, %dma_wait3A_80] : memref<20224x128xf32, #tpu.memory_space<hbm>> -> memref<632x128xf32, #tpu.memory_space<hbm>>
      %dma_wait3A_82 = arith.constant 0 : i32
      %dma_wait3A_83 = tpu.memref_slice %arg19[%mul3A_4, %dma_wait3A_82] : memref<10112x128xf32, #tpu.memory_space<vmem_shared>> -> memref<632x128xf32, #tpu.memory_space<vmem_shared>>
      tpu.wait_dma2 semaphore(%run_scoped3A : memref<!tpu.dma_semaphore, #tpu.memory_space<semaphore_mem>>) src(%dma_wait3A_83 : memref<632x128xf32, #tpu.memory_space<vmem_shared>>) dst(%dma_wait3A_81 : memref<632x128xf32, #tpu.memory_space<hbm>>)
      tpu.yield
    }) : () -> ()
    "tpu.region"() ({
      %run_scoped3A = tpu.sem_alloc : memref<!tpu.dma_semaphore, #tpu.memory_space<semaphore_mem>>
      %dma_start3A_76 = tpu.memref_slice %arg20[%mul3A_4] : memref<10112xf32, #tpu.memory_space<vmem_shared>> -> memref<632xf32, #tpu.memory_space<vmem_shared>>
      %dma_start3A_77 = tpu.memref_slice %arg20[%mul3A_4] : memref<10112xf32, #tpu.memory_space<vmem_shared>> -> memref<632xf32, #tpu.memory_space<vmem_shared>>
      tpu.enqueue_dma source(%dma_start3A_77 : memref<632xf32, #tpu.memory_space<vmem_shared>>) target(%arg18 : memref<632xf32, #tpu.memory_space<vmem>>) target_semaphore(%run_scoped3A : memref<!tpu.dma_semaphore, #tpu.memory_space<semaphore_mem>>)
      %dma_wait3A_78 = tpu.memref_slice %arg20[%mul3A_4] : memref<10112xf32, #tpu.memory_space<vmem_shared>> -> memref<632xf32, #tpu.memory_space<vmem_shared>>
      %dma_wait3A_79 = tpu.memref_slice %arg20[%mul3A_4] : memref<10112xf32, #tpu.memory_space<vmem_shared>> -> memref<632xf32, #tpu.memory_space<vmem_shared>>
      tpu.wait_dma2 semaphore(%run_scoped3A : memref<!tpu.dma_semaphore, #tpu.memory_space<semaphore_mem>>) src(%dma_wait3A_79 : memref<632xf32, #tpu.memory_space<vmem_shared>>) dst(%arg18 : memref<632xf32, #tpu.memory_space<vmem>>)
      tpu.yield
    }) : () -> ()
    %mul3A_73 = arith.constant 10112 : i32
    %mul3A_74 = arith.muli %arg0, %mul3A_73 : i32
    %add3A_75 = arith.addi %mul3A_74, %mul3A_4 : i32
    "tpu.region"() ({
      %run_scoped3A = tpu.sem_alloc : memref<!tpu.dma_semaphore, #tpu.memory_space<semaphore_mem>>
      %dma_start3A_76 = tpu.memref_slice %arg9[%add3A_75] : memref<20224xf32, #tpu.memory_space<hbm>> -> memref<632xf32, #tpu.memory_space<hbm>>
      %dma_start3A_77 = tpu.memref_slice %arg9[%add3A_75] : memref<20224xf32, #tpu.memory_space<hbm>> -> memref<632xf32, #tpu.memory_space<hbm>>
      tpu.enqueue_dma source(%arg18 : memref<632xf32, #tpu.memory_space<vmem>>) target(%dma_start3A_77 : memref<632xf32, #tpu.memory_space<hbm>>) target_semaphore(%run_scoped3A : memref<!tpu.dma_semaphore, #tpu.memory_space<semaphore_mem>>)
      %dma_wait3A_78 = tpu.memref_slice %arg9[%add3A_75] : memref<20224xf32, #tpu.memory_space<hbm>> -> memref<632xf32, #tpu.memory_space<hbm>>
      %dma_wait3A_79 = tpu.memref_slice %arg9[%add3A_75] : memref<20224xf32, #tpu.memory_space<hbm>> -> memref<632xf32, #tpu.memory_space<hbm>>
      tpu.wait_dma2 semaphore(%run_scoped3A : memref<!tpu.dma_semaphore, #tpu.memory_space<semaphore_mem>>) src(%arg18 : memref<632xf32, #tpu.memory_space<vmem>>) dst(%dma_wait3A_79 : memref<632xf32, #tpu.memory_space<hbm>>)
      tpu.yield
    }) : () -> ()
    return
  }
}

#map = affine_map<(d0, d1) -> (0, 0)>
#map1 = affine_map<(d0, d1) -> (0)>
module attributes {stable_mosaic.version = 14 : i64} {
  func.func @body(%arg0: i32, %arg1: i32, %arg2: memref<10000x128xf32, #tpu.memory_space<hbm>>, %arg3: memref<320000xi32, #tpu.memory_space<hbm>>, %arg4: memref<320000xi32, #tpu.memory_space<hbm>>, %arg5: memref<10112x128xf32, #tpu.memory_space<hbm>>, %arg6: memref<20224x128xf32, #tpu.memory_space<hbm>>, %arg7: memref<10000xi32, #tpu.memory_space<vmem>>, %arg8: memref<80xi32, #tpu.memory_space<vmem>>, %arg9: memref<80xi32, #tpu.memory_space<vmem>>, %arg10: memref<80xi32, #tpu.memory_space<vmem>>, %arg11: memref<80x128xf32, #tpu.memory_space<vmem>>, %arg12: memref<80x128xf32, #tpu.memory_space<vmem>>, %arg13: memref<80x128xf32, #tpu.memory_space<vmem>>, %arg14: memref<10112x128xf32, #tpu.memory_space<vmem_shared>>, %arg15: memref<!tpu.dma_semaphore, #tpu.memory_space<semaphore_mem>>, %arg16: memref<!tpu.dma_semaphore, #tpu.memory_space<semaphore_mem>>, %arg17: memref<!tpu.dma_semaphore, #tpu.memory_space<semaphore_mem>>, %arg18: memref<!tpu.dma_semaphore, #tpu.memory_space<semaphore_mem>>, %arg19: memref<!tpu.dma_semaphore, #tpu.memory_space<semaphore_mem>>, %arg20: memref<!tpu.dma_semaphore, #tpu.memory_space<semaphore_mem>>, %arg21: memref<!tpu.dma_semaphore, #tpu.memory_space<semaphore_mem>>, %arg22: memref<!tpu.dma_semaphore, #tpu.memory_space<semaphore_mem>>, %arg23: memref<!tpu.dma_semaphore, #tpu.memory_space<semaphore_mem>>) attributes {dimension_semantics = [#tpu.dimension_semantics<core_parallel>, #tpu.dimension_semantics<subcore_parallel>], iteration_bounds = array<i64: 2, 16>, scalar_prefetch = 0 : i64, scratch_operands = 17 : i64, tpu.core_type = #tpu.core_type<sc_vector_subcore>, window_params = [{transform_indices = #map}, {transform_indices = #map1}, {transform_indices = #map1}, {transform_indices = #map}, {transform_indices = #map}]} {
    %mul3A = arith.constant 2 : i32
    %mul3A_0 = arith.muli %arg1, %mul3A : i32
    %add3A = arith.addi %mul3A_0, %arg0 : i32
    %mul3A_1 = arith.constant 10000 : i32
    %mul3A_2 = arith.muli %add3A, %mul3A_1 : i32
    %mul3A_3 = arith.constant 632 : i32
    %mul3A_4 = arith.muli %arg1, %mul3A_3 : i32
    "tpu.region"() ({
      %run_scoped3A = tpu.sem_alloc : memref<!tpu.dma_semaphore, #tpu.memory_space<semaphore_mem>>
      %dma_start3A_63 = arith.constant 0 : i32
      %dma_start3A_64 = tpu.memref_slice %arg14[%mul3A_4, %dma_start3A_63] : memref<10112x128xf32, #tpu.memory_space<vmem_shared>> -> memref<632x128xf32, #tpu.memory_space<vmem_shared>>
      %dma_start3A_65 = arith.constant 0 : i32
      %dma_start3A_66 = tpu.memref_slice %arg5[%mul3A_4, %dma_start3A_65] : memref<10112x128xf32, #tpu.memory_space<hbm>> -> memref<632x128xf32, #tpu.memory_space<hbm>>
      tpu.enqueue_dma source(%dma_start3A_66 : memref<632x128xf32, #tpu.memory_space<hbm>>) target(%dma_start3A_64 : memref<632x128xf32, #tpu.memory_space<vmem_shared>>) target_semaphore(%run_scoped3A : memref<!tpu.dma_semaphore, #tpu.memory_space<semaphore_mem>>)
      %dma_wait3A_67 = arith.constant 0 : i32
      %dma_wait3A_68 = tpu.memref_slice %arg14[%mul3A_4, %dma_wait3A_67] : memref<10112x128xf32, #tpu.memory_space<vmem_shared>> -> memref<632x128xf32, #tpu.memory_space<vmem_shared>>
      %dma_wait3A_69 = arith.constant 0 : i32
      %dma_wait3A_70 = tpu.memref_slice %arg5[%mul3A_4, %dma_wait3A_69] : memref<10112x128xf32, #tpu.memory_space<hbm>> -> memref<632x128xf32, #tpu.memory_space<hbm>>
      tpu.wait_dma2 semaphore(%run_scoped3A : memref<!tpu.dma_semaphore, #tpu.memory_space<semaphore_mem>>) src(%dma_wait3A_70 : memref<632x128xf32, #tpu.memory_space<hbm>>) dst(%dma_wait3A_68 : memref<632x128xf32, #tpu.memory_space<vmem_shared>>)
      tpu.yield
    }) : () -> ()
    "tpu.region"() ({
      %run_scoped3A = tpu.sem_alloc : memref<!tpu.dma_semaphore, #tpu.memory_space<semaphore_mem>>
      %dma_start3A_63 = tpu.memref_slice %arg3[%mul3A_2] : memref<320000xi32, #tpu.memory_space<hbm>> -> memref<10000xi32, #tpu.memory_space<hbm>>
      %dma_start3A_64 = tpu.memref_slice %arg3[%mul3A_2] : memref<320000xi32, #tpu.memory_space<hbm>> -> memref<10000xi32, #tpu.memory_space<hbm>>
      tpu.enqueue_dma source(%dma_start3A_64 : memref<10000xi32, #tpu.memory_space<hbm>>) target(%arg7 : memref<10000xi32, #tpu.memory_space<vmem>>) target_semaphore(%run_scoped3A : memref<!tpu.dma_semaphore, #tpu.memory_space<semaphore_mem>>)
      %dma_wait3A_65 = tpu.memref_slice %arg3[%mul3A_2] : memref<320000xi32, #tpu.memory_space<hbm>> -> memref<10000xi32, #tpu.memory_space<hbm>>
      %dma_wait3A_66 = tpu.memref_slice %arg3[%mul3A_2] : memref<320000xi32, #tpu.memory_space<hbm>> -> memref<10000xi32, #tpu.memory_space<hbm>>
      tpu.wait_dma2 semaphore(%run_scoped3A : memref<!tpu.dma_semaphore, #tpu.memory_space<semaphore_mem>>) src(%dma_wait3A_66 : memref<10000xi32, #tpu.memory_space<hbm>>) dst(%arg7 : memref<10000xi32, #tpu.memory_space<vmem>>)
      tpu.yield
    }) : () -> ()
    %add3A_5 = arith.constant 0 : i32
    %add3A_6 = arith.addi %mul3A_2, %add3A_5 : i32
    %dma_start3A = tpu.memref_slice %arg4[%add3A_6] : memref<320000xi32, #tpu.memory_space<hbm>> -> memref<80xi32, #tpu.memory_space<hbm>>
    %dma_start3A_7 = tpu.memref_slice %arg4[%add3A_6] : memref<320000xi32, #tpu.memory_space<hbm>> -> memref<80xi32, #tpu.memory_space<hbm>>
    tpu.enqueue_dma source(%dma_start3A_7 : memref<80xi32, #tpu.memory_space<hbm>>) target(%arg8 : memref<80xi32, #tpu.memory_space<vmem>>) target_semaphore(%arg21 : memref<!tpu.dma_semaphore, #tpu.memory_space<semaphore_mem>>)
    %dma_start3A_8 = arith.constant 0 : i32
    %dma_start3A_9 = tpu.memref_slice %arg7[%dma_start3A_8] : memref<10000xi32, #tpu.memory_space<vmem>> -> memref<80xi32, #tpu.memory_space<vmem>>
    %dma_start3A_10 = arith.constant 0 : i32
    %dma_start3A_11 = arith.constant 0 : i32
    %dma_start3A_12 = tpu.memref_slice %arg2[%dma_start3A_10, %dma_start3A_11] : memref<10000x128xf32, #tpu.memory_space<hbm>> -> memref<10000x128xf32, #tpu.memory_space<hbm>>
    tpu.enqueue_indirect_dma source(%dma_start3A_12 : memref<10000x128xf32, #tpu.memory_space<hbm>>) target(%arg11 : memref<80x128xf32, #tpu.memory_space<vmem>>) offsets(%dma_start3A_9 : memref<80xi32, #tpu.memory_space<vmem>>) semaphore(%arg15 : memref<!tpu.dma_semaphore, #tpu.memory_space<semaphore_mem>>)
    %add3A_13 = arith.constant 80 : i32
    %add3A_14 = arith.addi %mul3A_2, %add3A_13 : i32
    %dma_start3A_15 = tpu.memref_slice %arg4[%add3A_14] : memref<320000xi32, #tpu.memory_space<hbm>> -> memref<80xi32, #tpu.memory_space<hbm>>
    %dma_start3A_16 = tpu.memref_slice %arg4[%add3A_14] : memref<320000xi32, #tpu.memory_space<hbm>> -> memref<80xi32, #tpu.memory_space<hbm>>
    tpu.enqueue_dma source(%dma_start3A_16 : memref<80xi32, #tpu.memory_space<hbm>>) target(%arg9 : memref<80xi32, #tpu.memory_space<vmem>>) target_semaphore(%arg22 : memref<!tpu.dma_semaphore, #tpu.memory_space<semaphore_mem>>)
    %dma_start3A_17 = arith.constant 80 : i32
    %dma_start3A_18 = tpu.memref_slice %arg7[%dma_start3A_17] : memref<10000xi32, #tpu.memory_space<vmem>> -> memref<80xi32, #tpu.memory_space<vmem>>
    %dma_start3A_19 = arith.constant 0 : i32
    %dma_start3A_20 = arith.constant 0 : i32
    %dma_start3A_21 = tpu.memref_slice %arg2[%dma_start3A_19, %dma_start3A_20] : memref<10000x128xf32, #tpu.memory_space<hbm>> -> memref<10000x128xf32, #tpu.memory_space<hbm>>
    tpu.enqueue_indirect_dma source(%dma_start3A_21 : memref<10000x128xf32, #tpu.memory_space<hbm>>) target(%arg12 : memref<80x128xf32, #tpu.memory_space<vmem>>) offsets(%dma_start3A_18 : memref<80xi32, #tpu.memory_space<vmem>>) semaphore(%arg16 : memref<!tpu.dma_semaphore, #tpu.memory_space<semaphore_mem>>)
    %barrier3A = arith.constant 0 : index
    tpu.barrier barrier_id(%barrier3A)
    %scan3A = arith.constant 0 : i32
    %scan3A_22 = arith.constant 0 : i32
    %scan3A_23 = arith.constant 41 : i32
    %scan3A_24 = arith.addi %scan3A_22, %scan3A_23 : i32
    %scan3A_25 = arith.constant 1 : i32
    scf.for %scan3A_63 = %scan3A_22 to %scan3A_24 step %scan3A_25  : i32 {
      %mul3A_64 = arith.constant 3 : i32
      %mul3A_65 = arith.muli %mul3A_64, %scan3A_63 : i32
      %add3A_66 = arith.constant 0 : i32
      %add3A_67 = arith.addi %mul3A_65, %add3A_66 : i32
      %add3A_68 = arith.constant 3 : i32
      %add3A_69 = arith.addi %add3A_67, %add3A_68 : i32
      %sub3A = arith.constant 1 : i32
      %sub3A_70 = arith.subi %add3A_69, %sub3A : i32
      %lt3A = arith.constant 125 : i32
      %lt3A_71 = arith.cmpi slt, %sub3A_70, %lt3A : i32
      %convert_element_type3A = arith.extui %lt3A_71 : i1 to i32
      %cond3A = arith.constant 0 : i32
      %cond3A_72 = arith.cmpi ne, %convert_element_type3A, %cond3A : i32
      scf.if %cond3A_72 {
        %gt3A = arith.constant 0 : i32
        %gt3A_141 = arith.cmpi sgt, %scan3A_63, %gt3A : i32
        %convert_element_type3A_142 = arith.extui %gt3A_141 : i1 to i32
        %cond3A_143 = arith.constant 0 : i32
        %cond3A_144 = arith.cmpi ne, %convert_element_type3A_142, %cond3A_143 : i32
        scf.if %cond3A_144 {
          %sub3A_160 = arith.constant 1 : i32
          %sub3A_161 = arith.subi %add3A_67, %sub3A_160 : i32
          %dma_wait3A_162 = arith.constant 0 : i32
          %dma_wait3A_163 = arith.constant 0 : i32
          %dma_wait3A_164 = tpu.memref_slice %arg14[%dma_wait3A_162, %dma_wait3A_163] : memref<10112x128xf32, #tpu.memory_space<vmem_shared>> -> memref<10112x128xf32, #tpu.memory_space<vmem_shared>>
          tpu.wait_indirect_dma semaphore(%arg20 : memref<!tpu.dma_semaphore, #tpu.memory_space<semaphore_mem>>) src(%arg13 : memref<80x128xf32, #tpu.memory_space<vmem>>) dst(%dma_wait3A_164 : memref<10112x128xf32, #tpu.memory_space<vmem_shared>>)
        } else {
        }
        %add3A_145 = arith.constant 3 : i32
        %add3A_146 = arith.addi %add3A_67, %add3A_145 : i32
        %sub3A_147 = arith.constant 1 : i32
        %sub3A_148 = arith.subi %add3A_146, %sub3A_147 : i32
        %mul3A_149 = arith.constant 80 : i32
        %mul3A_150 = arith.muli %sub3A_148, %mul3A_149 : i32
        %add3A_151 = arith.addi %mul3A_2, %mul3A_150 : i32
        %dma_start3A_152 = tpu.memref_slice %arg4[%add3A_151] : memref<320000xi32, #tpu.memory_space<hbm>> -> memref<80xi32, #tpu.memory_space<hbm>>
        %dma_start3A_153 = tpu.memref_slice %arg4[%add3A_151] : memref<320000xi32, #tpu.memory_space<hbm>> -> memref<80xi32, #tpu.memory_space<hbm>>
        tpu.enqueue_dma source(%dma_start3A_153 : memref<80xi32, #tpu.memory_space<hbm>>) target(%arg10 : memref<80xi32, #tpu.memory_space<vmem>>) target_semaphore(%arg23 : memref<!tpu.dma_semaphore, #tpu.memory_space<semaphore_mem>>)
        %mul3A_154 = arith.constant 80 : i32
        %mul3A_155 = arith.muli %sub3A_148, %mul3A_154 : i32
        %dma_start3A_156 = tpu.memref_slice %arg7[%mul3A_155] : memref<10000xi32, #tpu.memory_space<vmem>> -> memref<80xi32, #tpu.memory_space<vmem>>
        %dma_start3A_157 = arith.constant 0 : i32
        %dma_start3A_158 = arith.constant 0 : i32
        %dma_start3A_159 = tpu.memref_slice %arg2[%dma_start3A_157, %dma_start3A_158] : memref<10000x128xf32, #tpu.memory_space<hbm>> -> memref<10000x128xf32, #tpu.memory_space<hbm>>
        tpu.enqueue_indirect_dma source(%dma_start3A_159 : memref<10000x128xf32, #tpu.memory_space<hbm>>) target(%arg13 : memref<80x128xf32, #tpu.memory_space<vmem>>) offsets(%dma_start3A_156 : memref<80xi32, #tpu.memory_space<vmem>>) semaphore(%arg17 : memref<!tpu.dma_semaphore, #tpu.memory_space<semaphore_mem>>)
      } else {
      }
      %mul3A_73 = arith.constant 80 : i32
      %mul3A_74 = arith.muli %add3A_67, %mul3A_73 : i32
      %add3A_75 = arith.addi %mul3A_2, %mul3A_74 : i32
      %dma_wait3A_76 = tpu.memref_slice %arg4[%add3A_75] : memref<320000xi32, #tpu.memory_space<hbm>> -> memref<80xi32, #tpu.memory_space<hbm>>
      %dma_wait3A_77 = tpu.memref_slice %arg4[%add3A_75] : memref<320000xi32, #tpu.memory_space<hbm>> -> memref<80xi32, #tpu.memory_space<hbm>>
      tpu.wait_dma2 semaphore(%arg21 : memref<!tpu.dma_semaphore, #tpu.memory_space<semaphore_mem>>) src(%dma_wait3A_77 : memref<80xi32, #tpu.memory_space<hbm>>) dst(%arg8 : memref<80xi32, #tpu.memory_space<vmem>>)
      %mul3A_78 = arith.constant 80 : i32
      %mul3A_79 = arith.muli %add3A_67, %mul3A_78 : i32
      %dma_wait3A_80 = tpu.memref_slice %arg7[%mul3A_79] : memref<10000xi32, #tpu.memory_space<vmem>> -> memref<80xi32, #tpu.memory_space<vmem>>
      %dma_wait3A_81 = arith.constant 0 : i32
      %dma_wait3A_82 = arith.constant 0 : i32
      %dma_wait3A_83 = tpu.memref_slice %arg2[%dma_wait3A_81, %dma_wait3A_82] : memref<10000x128xf32, #tpu.memory_space<hbm>> -> memref<10000x128xf32, #tpu.memory_space<hbm>>
      tpu.wait_indirect_dma semaphore(%arg15 : memref<!tpu.dma_semaphore, #tpu.memory_space<semaphore_mem>>) src(%dma_wait3A_83 : memref<10000x128xf32, #tpu.memory_space<hbm>>) dst(%arg11 : memref<80x128xf32, #tpu.memory_space<vmem>>)
      %dma_start3A_84 = arith.constant 0 : i32
      %dma_start3A_85 = arith.constant 0 : i32
      %dma_start3A_86 = tpu.memref_slice %arg14[%dma_start3A_84, %dma_start3A_85] : memref<10112x128xf32, #tpu.memory_space<vmem_shared>> -> memref<10112x128xf32, #tpu.memory_space<vmem_shared>>
      tpu.enqueue_indirect_dma source(%arg11 : memref<80x128xf32, #tpu.memory_space<vmem>>) target(%dma_start3A_86 : memref<10112x128xf32, #tpu.memory_space<vmem_shared>>) offsets(%arg8 : memref<80xi32, #tpu.memory_space<vmem>>) semaphore(%arg18 : memref<!tpu.dma_semaphore, #tpu.memory_space<semaphore_mem>>) {add = true}
      %mul3A_87 = arith.constant 3 : i32
      %mul3A_88 = arith.muli %mul3A_87, %scan3A_63 : i32
      %add3A_89 = arith.constant 1 : i32
      %add3A_90 = arith.addi %mul3A_88, %add3A_89 : i32
      %add3A_91 = arith.constant 3 : i32
      %add3A_92 = arith.addi %add3A_90, %add3A_91 : i32
      %sub3A_93 = arith.constant 1 : i32
      %sub3A_94 = arith.subi %add3A_92, %sub3A_93 : i32
      %lt3A_95 = arith.constant 125 : i32
      %lt3A_96 = arith.cmpi slt, %sub3A_94, %lt3A_95 : i32
      %convert_element_type3A_97 = arith.extui %lt3A_96 : i1 to i32
      %cond3A_98 = arith.constant 0 : i32
      %cond3A_99 = arith.cmpi ne, %convert_element_type3A_97, %cond3A_98 : i32
      scf.if %cond3A_99 {
        %sub3A_141 = arith.constant 1 : i32
        %sub3A_142 = arith.subi %add3A_90, %sub3A_141 : i32
        %dma_wait3A_143 = arith.constant 0 : i32
        %dma_wait3A_144 = arith.constant 0 : i32
        %dma_wait3A_145 = tpu.memref_slice %arg14[%dma_wait3A_143, %dma_wait3A_144] : memref<10112x128xf32, #tpu.memory_space<vmem_shared>> -> memref<10112x128xf32, #tpu.memory_space<vmem_shared>>
        tpu.wait_indirect_dma semaphore(%arg18 : memref<!tpu.dma_semaphore, #tpu.memory_space<semaphore_mem>>) src(%arg11 : memref<80x128xf32, #tpu.memory_space<vmem>>) dst(%dma_wait3A_145 : memref<10112x128xf32, #tpu.memory_space<vmem_shared>>)
        %add3A_146 = arith.constant 3 : i32
        %add3A_147 = arith.addi %add3A_90, %add3A_146 : i32
        %sub3A_148 = arith.constant 1 : i32
        %sub3A_149 = arith.subi %add3A_147, %sub3A_148 : i32
        %mul3A_150 = arith.constant 80 : i32
        %mul3A_151 = arith.muli %sub3A_149, %mul3A_150 : i32
        %add3A_152 = arith.addi %mul3A_2, %mul3A_151 : i32
        %dma_start3A_153 = tpu.memref_slice %arg4[%add3A_152] : memref<320000xi32, #tpu.memory_space<hbm>> -> memref<80xi32, #tpu.memory_space<hbm>>
        %dma_start3A_154 = tpu.memref_slice %arg4[%add3A_152] : memref<320000xi32, #tpu.memory_space<hbm>> -> memref<80xi32, #tpu.memory_space<hbm>>
        tpu.enqueue_dma source(%dma_start3A_154 : memref<80xi32, #tpu.memory_space<hbm>>) target(%arg8 : memref<80xi32, #tpu.memory_space<vmem>>) target_semaphore(%arg21 : memref<!tpu.dma_semaphore, #tpu.memory_space<semaphore_mem>>)
        %mul3A_155 = arith.constant 80 : i32
        %mul3A_156 = arith.muli %sub3A_149, %mul3A_155 : i32
        %dma_start3A_157 = tpu.memref_slice %arg7[%mul3A_156] : memref<10000xi32, #tpu.memory_space<vmem>> -> memref<80xi32, #tpu.memory_space<vmem>>
        %dma_start3A_158 = arith.constant 0 : i32
        %dma_start3A_159 = arith.constant 0 : i32
        %dma_start3A_160 = tpu.memref_slice %arg2[%dma_start3A_158, %dma_start3A_159] : memref<10000x128xf32, #tpu.memory_space<hbm>> -> memref<10000x128xf32, #tpu.memory_space<hbm>>
        tpu.enqueue_indirect_dma source(%dma_start3A_160 : memref<10000x128xf32, #tpu.memory_space<hbm>>) target(%arg11 : memref<80x128xf32, #tpu.memory_space<vmem>>) offsets(%dma_start3A_157 : memref<80xi32, #tpu.memory_space<vmem>>) semaphore(%arg15 : memref<!tpu.dma_semaphore, #tpu.memory_space<semaphore_mem>>)
      } else {
      }
      %mul3A_100 = arith.constant 80 : i32
      %mul3A_101 = arith.muli %add3A_90, %mul3A_100 : i32
      %add3A_102 = arith.addi %mul3A_2, %mul3A_101 : i32
      %dma_wait3A_103 = tpu.memref_slice %arg4[%add3A_102] : memref<320000xi32, #tpu.memory_space<hbm>> -> memref<80xi32, #tpu.memory_space<hbm>>
      %dma_wait3A_104 = tpu.memref_slice %arg4[%add3A_102] : memref<320000xi32, #tpu.memory_space<hbm>> -> memref<80xi32, #tpu.memory_space<hbm>>
      tpu.wait_dma2 semaphore(%arg22 : memref<!tpu.dma_semaphore, #tpu.memory_space<semaphore_mem>>) src(%dma_wait3A_104 : memref<80xi32, #tpu.memory_space<hbm>>) dst(%arg9 : memref<80xi32, #tpu.memory_space<vmem>>)
      %mul3A_105 = arith.constant 80 : i32
      %mul3A_106 = arith.muli %add3A_90, %mul3A_105 : i32
      %dma_wait3A_107 = tpu.memref_slice %arg7[%mul3A_106] : memref<10000xi32, #tpu.memory_space<vmem>> -> memref<80xi32, #tpu.memory_space<vmem>>
      %dma_wait3A_108 = arith.constant 0 : i32
      %dma_wait3A_109 = arith.constant 0 : i32
      %dma_wait3A_110 = tpu.memref_slice %arg2[%dma_wait3A_108, %dma_wait3A_109] : memref<10000x128xf32, #tpu.memory_space<hbm>> -> memref<10000x128xf32, #tpu.memory_space<hbm>>
      tpu.wait_indirect_dma semaphore(%arg16 : memref<!tpu.dma_semaphore, #tpu.memory_space<semaphore_mem>>) src(%dma_wait3A_110 : memref<10000x128xf32, #tpu.memory_space<hbm>>) dst(%arg12 : memref<80x128xf32, #tpu.memory_space<vmem>>)
      %dma_start3A_111 = arith.constant 0 : i32
      %dma_start3A_112 = arith.constant 0 : i32
      %dma_start3A_113 = tpu.memref_slice %arg14[%dma_start3A_111, %dma_start3A_112] : memref<10112x128xf32, #tpu.memory_space<vmem_shared>> -> memref<10112x128xf32, #tpu.memory_space<vmem_shared>>
      tpu.enqueue_indirect_dma source(%arg12 : memref<80x128xf32, #tpu.memory_space<vmem>>) target(%dma_start3A_113 : memref<10112x128xf32, #tpu.memory_space<vmem_shared>>) offsets(%arg9 : memref<80xi32, #tpu.memory_space<vmem>>) semaphore(%arg19 : memref<!tpu.dma_semaphore, #tpu.memory_space<semaphore_mem>>) {add = true}
      %mul3A_114 = arith.constant 3 : i32
      %mul3A_115 = arith.muli %mul3A_114, %scan3A_63 : i32
      %add3A_116 = arith.constant 2 : i32
      %add3A_117 = arith.addi %mul3A_115, %add3A_116 : i32
      %add3A_118 = arith.constant 3 : i32
      %add3A_119 = arith.addi %add3A_117, %add3A_118 : i32
      %sub3A_120 = arith.constant 1 : i32
      %sub3A_121 = arith.subi %add3A_119, %sub3A_120 : i32
      %lt3A_122 = arith.constant 125 : i32
      %lt3A_123 = arith.cmpi slt, %sub3A_121, %lt3A_122 : i32
      %convert_element_type3A_124 = arith.extui %lt3A_123 : i1 to i32
      %cond3A_125 = arith.constant 0 : i32
      %cond3A_126 = arith.cmpi ne, %convert_element_type3A_124, %cond3A_125 : i32
      scf.if %cond3A_126 {
        %sub3A_141 = arith.constant 1 : i32
        %sub3A_142 = arith.subi %add3A_117, %sub3A_141 : i32
        %dma_wait3A_143 = arith.constant 0 : i32
        %dma_wait3A_144 = arith.constant 0 : i32
        %dma_wait3A_145 = tpu.memref_slice %arg14[%dma_wait3A_143, %dma_wait3A_144] : memref<10112x128xf32, #tpu.memory_space<vmem_shared>> -> memref<10112x128xf32, #tpu.memory_space<vmem_shared>>
        tpu.wait_indirect_dma semaphore(%arg19 : memref<!tpu.dma_semaphore, #tpu.memory_space<semaphore_mem>>) src(%arg12 : memref<80x128xf32, #tpu.memory_space<vmem>>) dst(%dma_wait3A_145 : memref<10112x128xf32, #tpu.memory_space<vmem_shared>>)
        %add3A_146 = arith.constant 3 : i32
        %add3A_147 = arith.addi %add3A_117, %add3A_146 : i32
        %sub3A_148 = arith.constant 1 : i32
        %sub3A_149 = arith.subi %add3A_147, %sub3A_148 : i32
        %mul3A_150 = arith.constant 80 : i32
        %mul3A_151 = arith.muli %sub3A_149, %mul3A_150 : i32
        %add3A_152 = arith.addi %mul3A_2, %mul3A_151 : i32
        %dma_start3A_153 = tpu.memref_slice %arg4[%add3A_152] : memref<320000xi32, #tpu.memory_space<hbm>> -> memref<80xi32, #tpu.memory_space<hbm>>
        %dma_start3A_154 = tpu.memref_slice %arg4[%add3A_152] : memref<320000xi32, #tpu.memory_space<hbm>> -> memref<80xi32, #tpu.memory_space<hbm>>
        tpu.enqueue_dma source(%dma_start3A_154 : memref<80xi32, #tpu.memory_space<hbm>>) target(%arg9 : memref<80xi32, #tpu.memory_space<vmem>>) target_semaphore(%arg22 : memref<!tpu.dma_semaphore, #tpu.memory_space<semaphore_mem>>)
        %mul3A_155 = arith.constant 80 : i32
        %mul3A_156 = arith.muli %sub3A_149, %mul3A_155 : i32
        %dma_start3A_157 = tpu.memref_slice %arg7[%mul3A_156] : memref<10000xi32, #tpu.memory_space<vmem>> -> memref<80xi32, #tpu.memory_space<vmem>>
        %dma_start3A_158 = arith.constant 0 : i32
        %dma_start3A_159 = arith.constant 0 : i32
        %dma_start3A_160 = tpu.memref_slice %arg2[%dma_start3A_158, %dma_start3A_159] : memref<10000x128xf32, #tpu.memory_space<hbm>> -> memref<10000x128xf32, #tpu.memory_space<hbm>>
        tpu.enqueue_indirect_dma source(%dma_start3A_160 : memref<10000x128xf32, #tpu.memory_space<hbm>>) target(%arg12 : memref<80x128xf32, #tpu.memory_space<vmem>>) offsets(%dma_start3A_157 : memref<80xi32, #tpu.memory_space<vmem>>) semaphore(%arg16 : memref<!tpu.dma_semaphore, #tpu.memory_space<semaphore_mem>>)
      } else {
      }
      %mul3A_127 = arith.constant 80 : i32
      %mul3A_128 = arith.muli %add3A_117, %mul3A_127 : i32
      %add3A_129 = arith.addi %mul3A_2, %mul3A_128 : i32
      %dma_wait3A_130 = tpu.memref_slice %arg4[%add3A_129] : memref<320000xi32, #tpu.memory_space<hbm>> -> memref<80xi32, #tpu.memory_space<hbm>>
      %dma_wait3A_131 = tpu.memref_slice %arg4[%add3A_129] : memref<320000xi32, #tpu.memory_space<hbm>> -> memref<80xi32, #tpu.memory_space<hbm>>
      tpu.wait_dma2 semaphore(%arg23 : memref<!tpu.dma_semaphore, #tpu.memory_space<semaphore_mem>>) src(%dma_wait3A_131 : memref<80xi32, #tpu.memory_space<hbm>>) dst(%arg10 : memref<80xi32, #tpu.memory_space<vmem>>)
      %mul3A_132 = arith.constant 80 : i32
      %mul3A_133 = arith.muli %add3A_117, %mul3A_132 : i32
      %dma_wait3A_134 = tpu.memref_slice %arg7[%mul3A_133] : memref<10000xi32, #tpu.memory_space<vmem>> -> memref<80xi32, #tpu.memory_space<vmem>>
      %dma_wait3A_135 = arith.constant 0 : i32
      %dma_wait3A_136 = arith.constant 0 : i32
      %dma_wait3A_137 = tpu.memref_slice %arg2[%dma_wait3A_135, %dma_wait3A_136] : memref<10000x128xf32, #tpu.memory_space<hbm>> -> memref<10000x128xf32, #tpu.memory_space<hbm>>
      tpu.wait_indirect_dma semaphore(%arg17 : memref<!tpu.dma_semaphore, #tpu.memory_space<semaphore_mem>>) src(%dma_wait3A_137 : memref<10000x128xf32, #tpu.memory_space<hbm>>) dst(%arg13 : memref<80x128xf32, #tpu.memory_space<vmem>>)
      %dma_start3A_138 = arith.constant 0 : i32
      %dma_start3A_139 = arith.constant 0 : i32
      %dma_start3A_140 = tpu.memref_slice %arg14[%dma_start3A_138, %dma_start3A_139] : memref<10112x128xf32, #tpu.memory_space<vmem_shared>> -> memref<10112x128xf32, #tpu.memory_space<vmem_shared>>
      tpu.enqueue_indirect_dma source(%arg13 : memref<80x128xf32, #tpu.memory_space<vmem>>) target(%dma_start3A_140 : memref<10112x128xf32, #tpu.memory_space<vmem_shared>>) offsets(%arg10 : memref<80xi32, #tpu.memory_space<vmem>>) semaphore(%arg20 : memref<!tpu.dma_semaphore, #tpu.memory_space<semaphore_mem>>) {add = true}
    }
    %scan3A_26 = arith.constant 41 : i32
    %add3A_27 = arith.constant 9840 : i32
    %add3A_28 = arith.addi %mul3A_2, %add3A_27 : i32
    %dma_wait3A = tpu.memref_slice %arg4[%add3A_28] : memref<320000xi32, #tpu.memory_space<hbm>> -> memref<80xi32, #tpu.memory_space<hbm>>
    %dma_wait3A_29 = tpu.memref_slice %arg4[%add3A_28] : memref<320000xi32, #tpu.memory_space<hbm>> -> memref<80xi32, #tpu.memory_space<hbm>>
    tpu.wait_dma2 semaphore(%arg21 : memref<!tpu.dma_semaphore, #tpu.memory_space<semaphore_mem>>) src(%dma_wait3A_29 : memref<80xi32, #tpu.memory_space<hbm>>) dst(%arg8 : memref<80xi32, #tpu.memory_space<vmem>>)
    %dma_wait3A_30 = arith.constant 9840 : i32
    %dma_wait3A_31 = tpu.memref_slice %arg7[%dma_wait3A_30] : memref<10000xi32, #tpu.memory_space<vmem>> -> memref<80xi32, #tpu.memory_space<vmem>>
    %dma_wait3A_32 = arith.constant 0 : i32
    %dma_wait3A_33 = arith.constant 0 : i32
    %dma_wait3A_34 = tpu.memref_slice %arg2[%dma_wait3A_32, %dma_wait3A_33] : memref<10000x128xf32, #tpu.memory_space<hbm>> -> memref<10000x128xf32, #tpu.memory_space<hbm>>
    tpu.wait_indirect_dma semaphore(%arg15 : memref<!tpu.dma_semaphore, #tpu.memory_space<semaphore_mem>>) src(%dma_wait3A_34 : memref<10000x128xf32, #tpu.memory_space<hbm>>) dst(%arg11 : memref<80x128xf32, #tpu.memory_space<vmem>>)
    %dma_start3A_35 = arith.constant 0 : i32
    %dma_start3A_36 = arith.constant 0 : i32
    %dma_start3A_37 = tpu.memref_slice %arg14[%dma_start3A_35, %dma_start3A_36] : memref<10112x128xf32, #tpu.memory_space<vmem_shared>> -> memref<10112x128xf32, #tpu.memory_space<vmem_shared>>
    tpu.enqueue_indirect_dma source(%arg11 : memref<80x128xf32, #tpu.memory_space<vmem>>) target(%dma_start3A_37 : memref<10112x128xf32, #tpu.memory_space<vmem_shared>>) offsets(%arg8 : memref<80xi32, #tpu.memory_space<vmem>>) semaphore(%arg18 : memref<!tpu.dma_semaphore, #tpu.memory_space<semaphore_mem>>) {add = true}
    %add3A_38 = arith.constant 9920 : i32
    %add3A_39 = arith.addi %mul3A_2, %add3A_38 : i32
    %dma_wait3A_40 = tpu.memref_slice %arg4[%add3A_39] : memref<320000xi32, #tpu.memory_space<hbm>> -> memref<80xi32, #tpu.memory_space<hbm>>
    %dma_wait3A_41 = tpu.memref_slice %arg4[%add3A_39] : memref<320000xi32, #tpu.memory_space<hbm>> -> memref<80xi32, #tpu.memory_space<hbm>>
    tpu.wait_dma2 semaphore(%arg22 : memref<!tpu.dma_semaphore, #tpu.memory_space<semaphore_mem>>) src(%dma_wait3A_41 : memref<80xi32, #tpu.memory_space<hbm>>) dst(%arg9 : memref<80xi32, #tpu.memory_space<vmem>>)
    %dma_wait3A_42 = arith.constant 9920 : i32
    %dma_wait3A_43 = tpu.memref_slice %arg7[%dma_wait3A_42] : memref<10000xi32, #tpu.memory_space<vmem>> -> memref<80xi32, #tpu.memory_space<vmem>>
    %dma_wait3A_44 = arith.constant 0 : i32
    %dma_wait3A_45 = arith.constant 0 : i32
    %dma_wait3A_46 = tpu.memref_slice %arg2[%dma_wait3A_44, %dma_wait3A_45] : memref<10000x128xf32, #tpu.memory_space<hbm>> -> memref<10000x128xf32, #tpu.memory_space<hbm>>
    tpu.wait_indirect_dma semaphore(%arg16 : memref<!tpu.dma_semaphore, #tpu.memory_space<semaphore_mem>>) src(%dma_wait3A_46 : memref<10000x128xf32, #tpu.memory_space<hbm>>) dst(%arg12 : memref<80x128xf32, #tpu.memory_space<vmem>>)
    %dma_start3A_47 = arith.constant 0 : i32
    %dma_start3A_48 = arith.constant 0 : i32
    %dma_start3A_49 = tpu.memref_slice %arg14[%dma_start3A_47, %dma_start3A_48] : memref<10112x128xf32, #tpu.memory_space<vmem_shared>> -> memref<10112x128xf32, #tpu.memory_space<vmem_shared>>
    tpu.enqueue_indirect_dma source(%arg12 : memref<80x128xf32, #tpu.memory_space<vmem>>) target(%dma_start3A_49 : memref<10112x128xf32, #tpu.memory_space<vmem_shared>>) offsets(%arg9 : memref<80xi32, #tpu.memory_space<vmem>>) semaphore(%arg19 : memref<!tpu.dma_semaphore, #tpu.memory_space<semaphore_mem>>) {add = true}
    %dma_wait3A_50 = arith.constant 0 : i32
    %dma_wait3A_51 = arith.constant 0 : i32
    %dma_wait3A_52 = tpu.memref_slice %arg14[%dma_wait3A_50, %dma_wait3A_51] : memref<10112x128xf32, #tpu.memory_space<vmem_shared>> -> memref<10112x128xf32, #tpu.memory_space<vmem_shared>>
    tpu.wait_indirect_dma semaphore(%arg20 : memref<!tpu.dma_semaphore, #tpu.memory_space<semaphore_mem>>) src(%arg13 : memref<80x128xf32, #tpu.memory_space<vmem>>) dst(%dma_wait3A_52 : memref<10112x128xf32, #tpu.memory_space<vmem_shared>>)
    %dma_wait3A_53 = arith.constant 0 : i32
    %dma_wait3A_54 = arith.constant 0 : i32
    %dma_wait3A_55 = tpu.memref_slice %arg14[%dma_wait3A_53, %dma_wait3A_54] : memref<10112x128xf32, #tpu.memory_space<vmem_shared>> -> memref<10112x128xf32, #tpu.memory_space<vmem_shared>>
    tpu.wait_indirect_dma semaphore(%arg18 : memref<!tpu.dma_semaphore, #tpu.memory_space<semaphore_mem>>) src(%arg11 : memref<80x128xf32, #tpu.memory_space<vmem>>) dst(%dma_wait3A_55 : memref<10112x128xf32, #tpu.memory_space<vmem_shared>>)
    %dma_wait3A_56 = arith.constant 0 : i32
    %dma_wait3A_57 = arith.constant 0 : i32
    %dma_wait3A_58 = tpu.memref_slice %arg14[%dma_wait3A_56, %dma_wait3A_57] : memref<10112x128xf32, #tpu.memory_space<vmem_shared>> -> memref<10112x128xf32, #tpu.memory_space<vmem_shared>>
    tpu.wait_indirect_dma semaphore(%arg19 : memref<!tpu.dma_semaphore, #tpu.memory_space<semaphore_mem>>) src(%arg12 : memref<80x128xf32, #tpu.memory_space<vmem>>) dst(%dma_wait3A_58 : memref<10112x128xf32, #tpu.memory_space<vmem_shared>>)
    %barrier3A_59 = arith.constant 0 : index
    tpu.barrier barrier_id(%barrier3A_59)
    %mul3A_60 = arith.constant 10112 : i32
    %mul3A_61 = arith.muli %arg0, %mul3A_60 : i32
    %add3A_62 = arith.addi %mul3A_61, %mul3A_4 : i32
    "tpu.region"() ({
      %run_scoped3A = tpu.sem_alloc : memref<!tpu.dma_semaphore, #tpu.memory_space<semaphore_mem>>
      %dma_start3A_63 = arith.constant 0 : i32
      %dma_start3A_64 = tpu.memref_slice %arg6[%add3A_62, %dma_start3A_63] : memref<20224x128xf32, #tpu.memory_space<hbm>> -> memref<632x128xf32, #tpu.memory_space<hbm>>
      %dma_start3A_65 = arith.constant 0 : i32
      %dma_start3A_66 = tpu.memref_slice %arg14[%mul3A_4, %dma_start3A_65] : memref<10112x128xf32, #tpu.memory_space<vmem_shared>> -> memref<632x128xf32, #tpu.memory_space<vmem_shared>>
      tpu.enqueue_dma source(%dma_start3A_66 : memref<632x128xf32, #tpu.memory_space<vmem_shared>>) target(%dma_start3A_64 : memref<632x128xf32, #tpu.memory_space<hbm>>) target_semaphore(%run_scoped3A : memref<!tpu.dma_semaphore, #tpu.memory_space<semaphore_mem>>)
      %dma_wait3A_67 = arith.constant 0 : i32
      %dma_wait3A_68 = tpu.memref_slice %arg6[%add3A_62, %dma_wait3A_67] : memref<20224x128xf32, #tpu.memory_space<hbm>> -> memref<632x128xf32, #tpu.memory_space<hbm>>
      %dma_wait3A_69 = arith.constant 0 : i32
      %dma_wait3A_70 = tpu.memref_slice %arg14[%mul3A_4, %dma_wait3A_69] : memref<10112x128xf32, #tpu.memory_space<vmem_shared>> -> memref<632x128xf32, #tpu.memory_space<vmem_shared>>
      tpu.wait_dma2 semaphore(%run_scoped3A : memref<!tpu.dma_semaphore, #tpu.memory_space<semaphore_mem>>) src(%dma_wait3A_70 : memref<632x128xf32, #tpu.memory_space<vmem_shared>>) dst(%dma_wait3A_68 : memref<632x128xf32, #tpu.memory_space<hbm>>)
      tpu.yield
    }) : () -> ()
    return
  }
}

#map = affine_map<(d0, d1) -> (0, 0)>
#map1 = affine_map<(d0, d1) -> (0)>
module attributes {stable_mosaic.version = 14 : i64} {
  func.func @body(%arg0: i32, %arg1: i32, %arg2: memref<10000x128xf32, #tpu.memory_space<hbm>>, %arg3: memref<320000xi32, #tpu.memory_space<hbm>>, %arg4: memref<320000xi32, #tpu.memory_space<hbm>>, %arg5: memref<10112x128xf32, #tpu.memory_space<hbm>>, %arg6: memref<20224x128xf32, #tpu.memory_space<hbm>>, %arg7: memref<10000xi32, #tpu.memory_space<vmem>>, %arg8: memref<80xi32, #tpu.memory_space<vmem>>, %arg9: memref<80xi32, #tpu.memory_space<vmem>>, %arg10: memref<80xi32, #tpu.memory_space<vmem>>, %arg11: memref<80x128xf32, #tpu.memory_space<vmem>>, %arg12: memref<80x128xf32, #tpu.memory_space<vmem>>, %arg13: memref<80x128xf32, #tpu.memory_space<vmem>>, %arg14: memref<10112x128xf32, #tpu.memory_space<vmem_shared>>, %arg15: memref<!tpu.dma_semaphore, #tpu.memory_space<semaphore_mem>>, %arg16: memref<!tpu.dma_semaphore, #tpu.memory_space<semaphore_mem>>, %arg17: memref<!tpu.dma_semaphore, #tpu.memory_space<semaphore_mem>>, %arg18: memref<!tpu.dma_semaphore, #tpu.memory_space<semaphore_mem>>, %arg19: memref<!tpu.dma_semaphore, #tpu.memory_space<semaphore_mem>>, %arg20: memref<!tpu.dma_semaphore, #tpu.memory_space<semaphore_mem>>, %arg21: memref<!tpu.dma_semaphore, #tpu.memory_space<semaphore_mem>>, %arg22: memref<!tpu.dma_semaphore, #tpu.memory_space<semaphore_mem>>, %arg23: memref<!tpu.dma_semaphore, #tpu.memory_space<semaphore_mem>>) attributes {dimension_semantics = [#tpu.dimension_semantics<core_parallel>, #tpu.dimension_semantics<subcore_parallel>], iteration_bounds = array<i64: 2, 16>, scalar_prefetch = 0 : i64, scratch_operands = 17 : i64, tpu.core_type = #tpu.core_type<sc_vector_subcore>, window_params = [{transform_indices = #map}, {transform_indices = #map1}, {transform_indices = #map1}, {transform_indices = #map}, {transform_indices = #map}]} {
    %mul3A = arith.constant 2 : i32
    %mul3A_0 = arith.muli %arg1, %mul3A : i32
    %add3A = arith.addi %mul3A_0, %arg0 : i32
    %mul3A_1 = arith.constant 10000 : i32
    %mul3A_2 = arith.muli %add3A, %mul3A_1 : i32
    %mul3A_3 = arith.constant 632 : i32
    %mul3A_4 = arith.muli %arg1, %mul3A_3 : i32
    "tpu.region"() ({
      %run_scoped3A = tpu.sem_alloc : memref<!tpu.dma_semaphore, #tpu.memory_space<semaphore_mem>>
      %dma_start3A_63 = arith.constant 0 : i32
      %dma_start3A_64 = tpu.memref_slice %arg14[%mul3A_4, %dma_start3A_63] : memref<10112x128xf32, #tpu.memory_space<vmem_shared>> -> memref<632x128xf32, #tpu.memory_space<vmem_shared>>
      %dma_start3A_65 = arith.constant 0 : i32
      %dma_start3A_66 = tpu.memref_slice %arg5[%mul3A_4, %dma_start3A_65] : memref<10112x128xf32, #tpu.memory_space<hbm>> -> memref<632x128xf32, #tpu.memory_space<hbm>>
      tpu.enqueue_dma source(%dma_start3A_66 : memref<632x128xf32, #tpu.memory_space<hbm>>) target(%dma_start3A_64 : memref<632x128xf32, #tpu.memory_space<vmem_shared>>) target_semaphore(%run_scoped3A : memref<!tpu.dma_semaphore, #tpu.memory_space<semaphore_mem>>)
      %dma_wait3A_67 = arith.constant 0 : i32
      %dma_wait3A_68 = tpu.memref_slice %arg14[%mul3A_4, %dma_wait3A_67] : memref<10112x128xf32, #tpu.memory_space<vmem_shared>> -> memref<632x128xf32, #tpu.memory_space<vmem_shared>>
      %dma_wait3A_69 = arith.constant 0 : i32
      %dma_wait3A_70 = tpu.memref_slice %arg5[%mul3A_4, %dma_wait3A_69] : memref<10112x128xf32, #tpu.memory_space<hbm>> -> memref<632x128xf32, #tpu.memory_space<hbm>>
      tpu.wait_dma2 semaphore(%run_scoped3A : memref<!tpu.dma_semaphore, #tpu.memory_space<semaphore_mem>>) src(%dma_wait3A_70 : memref<632x128xf32, #tpu.memory_space<hbm>>) dst(%dma_wait3A_68 : memref<632x128xf32, #tpu.memory_space<vmem_shared>>)
      tpu.yield
    }) : () -> ()
    "tpu.region"() ({
      %run_scoped3A = tpu.sem_alloc : memref<!tpu.dma_semaphore, #tpu.memory_space<semaphore_mem>>
      %dma_start3A_63 = tpu.memref_slice %arg3[%mul3A_2] : memref<320000xi32, #tpu.memory_space<hbm>> -> memref<10000xi32, #tpu.memory_space<hbm>>
      %dma_start3A_64 = tpu.memref_slice %arg3[%mul3A_2] : memref<320000xi32, #tpu.memory_space<hbm>> -> memref<10000xi32, #tpu.memory_space<hbm>>
      tpu.enqueue_dma source(%dma_start3A_64 : memref<10000xi32, #tpu.memory_space<hbm>>) target(%arg7 : memref<10000xi32, #tpu.memory_space<vmem>>) target_semaphore(%run_scoped3A : memref<!tpu.dma_semaphore, #tpu.memory_space<semaphore_mem>>)
      %dma_wait3A_65 = tpu.memref_slice %arg3[%mul3A_2] : memref<320000xi32, #tpu.memory_space<hbm>> -> memref<10000xi32, #tpu.memory_space<hbm>>
      %dma_wait3A_66 = tpu.memref_slice %arg3[%mul3A_2] : memref<320000xi32, #tpu.memory_space<hbm>> -> memref<10000xi32, #tpu.memory_space<hbm>>
      tpu.wait_dma2 semaphore(%run_scoped3A : memref<!tpu.dma_semaphore, #tpu.memory_space<semaphore_mem>>) src(%dma_wait3A_66 : memref<10000xi32, #tpu.memory_space<hbm>>) dst(%arg7 : memref<10000xi32, #tpu.memory_space<vmem>>)
      tpu.yield
    }) : () -> ()
    %add3A_5 = arith.constant 0 : i32
    %add3A_6 = arith.addi %mul3A_2, %add3A_5 : i32
    %dma_start3A = tpu.memref_slice %arg4[%add3A_6] : memref<320000xi32, #tpu.memory_space<hbm>> -> memref<80xi32, #tpu.memory_space<hbm>>
    %dma_start3A_7 = tpu.memref_slice %arg4[%add3A_6] : memref<320000xi32, #tpu.memory_space<hbm>> -> memref<80xi32, #tpu.memory_space<hbm>>
    tpu.enqueue_dma source(%dma_start3A_7 : memref<80xi32, #tpu.memory_space<hbm>>) target(%arg8 : memref<80xi32, #tpu.memory_space<vmem>>) target_semaphore(%arg21 : memref<!tpu.dma_semaphore, #tpu.memory_space<semaphore_mem>>)
    %dma_start3A_8 = arith.constant 0 : i32
    %dma_start3A_9 = tpu.memref_slice %arg7[%dma_start3A_8] : memref<10000xi32, #tpu.memory_space<vmem>> -> memref<80xi32, #tpu.memory_space<vmem>>
    %dma_start3A_10 = arith.constant 0 : i32
    %dma_start3A_11 = arith.constant 0 : i32
    %dma_start3A_12 = tpu.memref_slice %arg2[%dma_start3A_10, %dma_start3A_11] : memref<10000x128xf32, #tpu.memory_space<hbm>> -> memref<10000x128xf32, #tpu.memory_space<hbm>>
    tpu.enqueue_indirect_dma source(%dma_start3A_12 : memref<10000x128xf32, #tpu.memory_space<hbm>>) target(%arg11 : memref<80x128xf32, #tpu.memory_space<vmem>>) offsets(%dma_start3A_9 : memref<80xi32, #tpu.memory_space<vmem>>) semaphore(%arg15 : memref<!tpu.dma_semaphore, #tpu.memory_space<semaphore_mem>>)
    %add3A_13 = arith.constant 80 : i32
    %add3A_14 = arith.addi %mul3A_2, %add3A_13 : i32
    %dma_start3A_15 = tpu.memref_slice %arg4[%add3A_14] : memref<320000xi32, #tpu.memory_space<hbm>> -> memref<80xi32, #tpu.memory_space<hbm>>
    %dma_start3A_16 = tpu.memref_slice %arg4[%add3A_14] : memref<320000xi32, #tpu.memory_space<hbm>> -> memref<80xi32, #tpu.memory_space<hbm>>
    tpu.enqueue_dma source(%dma_start3A_16 : memref<80xi32, #tpu.memory_space<hbm>>) target(%arg9 : memref<80xi32, #tpu.memory_space<vmem>>) target_semaphore(%arg22 : memref<!tpu.dma_semaphore, #tpu.memory_space<semaphore_mem>>)
    %dma_start3A_17 = arith.constant 80 : i32
    %dma_start3A_18 = tpu.memref_slice %arg7[%dma_start3A_17] : memref<10000xi32, #tpu.memory_space<vmem>> -> memref<80xi32, #tpu.memory_space<vmem>>
    %dma_start3A_19 = arith.constant 0 : i32
    %dma_start3A_20 = arith.constant 0 : i32
    %dma_start3A_21 = tpu.memref_slice %arg2[%dma_start3A_19, %dma_start3A_20] : memref<10000x128xf32, #tpu.memory_space<hbm>> -> memref<10000x128xf32, #tpu.memory_space<hbm>>
    tpu.enqueue_indirect_dma source(%dma_start3A_21 : memref<10000x128xf32, #tpu.memory_space<hbm>>) target(%arg12 : memref<80x128xf32, #tpu.memory_space<vmem>>) offsets(%dma_start3A_18 : memref<80xi32, #tpu.memory_space<vmem>>) semaphore(%arg16 : memref<!tpu.dma_semaphore, #tpu.memory_space<semaphore_mem>>)
    %barrier3A = arith.constant 0 : index
    tpu.barrier barrier_id(%barrier3A)
    %scan3A = arith.constant 0 : i32
    %scan3A_22 = arith.constant 0 : i32
    %scan3A_23 = arith.constant 41 : i32
    %scan3A_24 = arith.addi %scan3A_22, %scan3A_23 : i32
    %scan3A_25 = arith.constant 1 : i32
    scf.for %scan3A_63 = %scan3A_22 to %scan3A_24 step %scan3A_25  : i32 {
      %mul3A_64 = arith.constant 3 : i32
      %mul3A_65 = arith.muli %mul3A_64, %scan3A_63 : i32
      %add3A_66 = arith.constant 0 : i32
      %add3A_67 = arith.addi %mul3A_65, %add3A_66 : i32
      %add3A_68 = arith.constant 3 : i32
      %add3A_69 = arith.addi %add3A_67, %add3A_68 : i32
      %sub3A = arith.constant 1 : i32
      %sub3A_70 = arith.subi %add3A_69, %sub3A : i32
      %lt3A = arith.constant 125 : i32
      %lt3A_71 = arith.cmpi slt, %sub3A_70, %lt3A : i32
      %convert_element_type3A = arith.extui %lt3A_71 : i1 to i32
      %cond3A = arith.constant 0 : i32
      %cond3A_72 = arith.cmpi ne, %convert_element_type3A, %cond3A : i32
      scf.if %cond3A_72 {
        %gt3A = arith.constant 0 : i32
        %gt3A_141 = arith.cmpi sgt, %scan3A_63, %gt3A : i32
        %convert_element_type3A_142 = arith.extui %gt3A_141 : i1 to i32
        %cond3A_143 = arith.constant 0 : i32
        %cond3A_144 = arith.cmpi ne, %convert_element_type3A_142, %cond3A_143 : i32
        scf.if %cond3A_144 {
          %sub3A_160 = arith.constant 1 : i32
          %sub3A_161 = arith.subi %add3A_67, %sub3A_160 : i32
          %dma_wait3A_162 = arith.constant 0 : i32
          %dma_wait3A_163 = arith.constant 0 : i32
          %dma_wait3A_164 = tpu.memref_slice %arg14[%dma_wait3A_162, %dma_wait3A_163] : memref<10112x128xf32, #tpu.memory_space<vmem_shared>> -> memref<10112x128xf32, #tpu.memory_space<vmem_shared>>
          tpu.wait_indirect_dma semaphore(%arg20 : memref<!tpu.dma_semaphore, #tpu.memory_space<semaphore_mem>>) src(%arg13 : memref<80x128xf32, #tpu.memory_space<vmem>>) dst(%dma_wait3A_164 : memref<10112x128xf32, #tpu.memory_space<vmem_shared>>)
        } else {
        }
        %add3A_145 = arith.constant 3 : i32
        %add3A_146 = arith.addi %add3A_67, %add3A_145 : i32
        %sub3A_147 = arith.constant 1 : i32
        %sub3A_148 = arith.subi %add3A_146, %sub3A_147 : i32
        %mul3A_149 = arith.constant 80 : i32
        %mul3A_150 = arith.muli %sub3A_148, %mul3A_149 : i32
        %add3A_151 = arith.addi %mul3A_2, %mul3A_150 : i32
        %dma_start3A_152 = tpu.memref_slice %arg4[%add3A_151] : memref<320000xi32, #tpu.memory_space<hbm>> -> memref<80xi32, #tpu.memory_space<hbm>>
        %dma_start3A_153 = tpu.memref_slice %arg4[%add3A_151] : memref<320000xi32, #tpu.memory_space<hbm>> -> memref<80xi32, #tpu.memory_space<hbm>>
        tpu.enqueue_dma source(%dma_start3A_153 : memref<80xi32, #tpu.memory_space<hbm>>) target(%arg10 : memref<80xi32, #tpu.memory_space<vmem>>) target_semaphore(%arg23 : memref<!tpu.dma_semaphore, #tpu.memory_space<semaphore_mem>>)
        %mul3A_154 = arith.constant 80 : i32
        %mul3A_155 = arith.muli %sub3A_148, %mul3A_154 : i32
        %dma_start3A_156 = tpu.memref_slice %arg7[%mul3A_155] : memref<10000xi32, #tpu.memory_space<vmem>> -> memref<80xi32, #tpu.memory_space<vmem>>
        %dma_start3A_157 = arith.constant 0 : i32
        %dma_start3A_158 = arith.constant 0 : i32
        %dma_start3A_159 = tpu.memref_slice %arg2[%dma_start3A_157, %dma_start3A_158] : memref<10000x128xf32, #tpu.memory_space<hbm>> -> memref<10000x128xf32, #tpu.memory_space<hbm>>
        tpu.enqueue_indirect_dma source(%dma_start3A_159 : memref<10000x128xf32, #tpu.memory_space<hbm>>) target(%arg13 : memref<80x128xf32, #tpu.memory_space<vmem>>) offsets(%dma_start3A_156 : memref<80xi32, #tpu.memory_space<vmem>>) semaphore(%arg17 : memref<!tpu.dma_semaphore, #tpu.memory_space<semaphore_mem>>)
      } else {
      }
      %mul3A_73 = arith.constant 80 : i32
      %mul3A_74 = arith.muli %add3A_67, %mul3A_73 : i32
      %add3A_75 = arith.addi %mul3A_2, %mul3A_74 : i32
      %dma_wait3A_76 = tpu.memref_slice %arg4[%add3A_75] : memref<320000xi32, #tpu.memory_space<hbm>> -> memref<80xi32, #tpu.memory_space<hbm>>
      %dma_wait3A_77 = tpu.memref_slice %arg4[%add3A_75] : memref<320000xi32, #tpu.memory_space<hbm>> -> memref<80xi32, #tpu.memory_space<hbm>>
      tpu.wait_dma2 semaphore(%arg21 : memref<!tpu.dma_semaphore, #tpu.memory_space<semaphore_mem>>) src(%dma_wait3A_77 : memref<80xi32, #tpu.memory_space<hbm>>) dst(%arg8 : memref<80xi32, #tpu.memory_space<vmem>>)
      %mul3A_78 = arith.constant 80 : i32
      %mul3A_79 = arith.muli %add3A_67, %mul3A_78 : i32
      %dma_wait3A_80 = tpu.memref_slice %arg7[%mul3A_79] : memref<10000xi32, #tpu.memory_space<vmem>> -> memref<80xi32, #tpu.memory_space<vmem>>
      %dma_wait3A_81 = arith.constant 0 : i32
      %dma_wait3A_82 = arith.constant 0 : i32
      %dma_wait3A_83 = tpu.memref_slice %arg2[%dma_wait3A_81, %dma_wait3A_82] : memref<10000x128xf32, #tpu.memory_space<hbm>> -> memref<10000x128xf32, #tpu.memory_space<hbm>>
      tpu.wait_indirect_dma semaphore(%arg15 : memref<!tpu.dma_semaphore, #tpu.memory_space<semaphore_mem>>) src(%dma_wait3A_83 : memref<10000x128xf32, #tpu.memory_space<hbm>>) dst(%arg11 : memref<80x128xf32, #tpu.memory_space<vmem>>)
      %dma_start3A_84 = arith.constant 0 : i32
      %dma_start3A_85 = arith.constant 0 : i32
      %dma_start3A_86 = tpu.memref_slice %arg14[%dma_start3A_84, %dma_start3A_85] : memref<10112x128xf32, #tpu.memory_space<vmem_shared>> -> memref<10112x128xf32, #tpu.memory_space<vmem_shared>>
      tpu.enqueue_indirect_dma source(%arg11 : memref<80x128xf32, #tpu.memory_space<vmem>>) target(%dma_start3A_86 : memref<10112x128xf32, #tpu.memory_space<vmem_shared>>) offsets(%arg8 : memref<80xi32, #tpu.memory_space<vmem>>) semaphore(%arg18 : memref<!tpu.dma_semaphore, #tpu.memory_space<semaphore_mem>>) {add = true}
      %mul3A_87 = arith.constant 3 : i32
      %mul3A_88 = arith.muli %mul3A_87, %scan3A_63 : i32
      %add3A_89 = arith.constant 1 : i32
      %add3A_90 = arith.addi %mul3A_88, %add3A_89 : i32
      %add3A_91 = arith.constant 3 : i32
      %add3A_92 = arith.addi %add3A_90, %add3A_91 : i32
      %sub3A_93 = arith.constant 1 : i32
      %sub3A_94 = arith.subi %add3A_92, %sub3A_93 : i32
      %lt3A_95 = arith.constant 125 : i32
      %lt3A_96 = arith.cmpi slt, %sub3A_94, %lt3A_95 : i32
      %convert_element_type3A_97 = arith.extui %lt3A_96 : i1 to i32
      %cond3A_98 = arith.constant 0 : i32
      %cond3A_99 = arith.cmpi ne, %convert_element_type3A_97, %cond3A_98 : i32
      scf.if %cond3A_99 {
        %sub3A_141 = arith.constant 1 : i32
        %sub3A_142 = arith.subi %add3A_90, %sub3A_141 : i32
        %dma_wait3A_143 = arith.constant 0 : i32
        %dma_wait3A_144 = arith.constant 0 : i32
        %dma_wait3A_145 = tpu.memref_slice %arg14[%dma_wait3A_143, %dma_wait3A_144] : memref<10112x128xf32, #tpu.memory_space<vmem_shared>> -> memref<10112x128xf32, #tpu.memory_space<vmem_shared>>
        tpu.wait_indirect_dma semaphore(%arg18 : memref<!tpu.dma_semaphore, #tpu.memory_space<semaphore_mem>>) src(%arg11 : memref<80x128xf32, #tpu.memory_space<vmem>>) dst(%dma_wait3A_145 : memref<10112x128xf32, #tpu.memory_space<vmem_shared>>)
        %add3A_146 = arith.constant 3 : i32
        %add3A_147 = arith.addi %add3A_90, %add3A_146 : i32
        %sub3A_148 = arith.constant 1 : i32
        %sub3A_149 = arith.subi %add3A_147, %sub3A_148 : i32
        %mul3A_150 = arith.constant 80 : i32
        %mul3A_151 = arith.muli %sub3A_149, %mul3A_150 : i32
        %add3A_152 = arith.addi %mul3A_2, %mul3A_151 : i32
        %dma_start3A_153 = tpu.memref_slice %arg4[%add3A_152] : memref<320000xi32, #tpu.memory_space<hbm>> -> memref<80xi32, #tpu.memory_space<hbm>>
        %dma_start3A_154 = tpu.memref_slice %arg4[%add3A_152] : memref<320000xi32, #tpu.memory_space<hbm>> -> memref<80xi32, #tpu.memory_space<hbm>>
        tpu.enqueue_dma source(%dma_start3A_154 : memref<80xi32, #tpu.memory_space<hbm>>) target(%arg8 : memref<80xi32, #tpu.memory_space<vmem>>) target_semaphore(%arg21 : memref<!tpu.dma_semaphore, #tpu.memory_space<semaphore_mem>>)
        %mul3A_155 = arith.constant 80 : i32
        %mul3A_156 = arith.muli %sub3A_149, %mul3A_155 : i32
        %dma_start3A_157 = tpu.memref_slice %arg7[%mul3A_156] : memref<10000xi32, #tpu.memory_space<vmem>> -> memref<80xi32, #tpu.memory_space<vmem>>
        %dma_start3A_158 = arith.constant 0 : i32
        %dma_start3A_159 = arith.constant 0 : i32
        %dma_start3A_160 = tpu.memref_slice %arg2[%dma_start3A_158, %dma_start3A_159] : memref<10000x128xf32, #tpu.memory_space<hbm>> -> memref<10000x128xf32, #tpu.memory_space<hbm>>
        tpu.enqueue_indirect_dma source(%dma_start3A_160 : memref<10000x128xf32, #tpu.memory_space<hbm>>) target(%arg11 : memref<80x128xf32, #tpu.memory_space<vmem>>) offsets(%dma_start3A_157 : memref<80xi32, #tpu.memory_space<vmem>>) semaphore(%arg15 : memref<!tpu.dma_semaphore, #tpu.memory_space<semaphore_mem>>)
      } else {
      }
      %mul3A_100 = arith.constant 80 : i32
      %mul3A_101 = arith.muli %add3A_90, %mul3A_100 : i32
      %add3A_102 = arith.addi %mul3A_2, %mul3A_101 : i32
      %dma_wait3A_103 = tpu.memref_slice %arg4[%add3A_102] : memref<320000xi32, #tpu.memory_space<hbm>> -> memref<80xi32, #tpu.memory_space<hbm>>
      %dma_wait3A_104 = tpu.memref_slice %arg4[%add3A_102] : memref<320000xi32, #tpu.memory_space<hbm>> -> memref<80xi32, #tpu.memory_space<hbm>>
      tpu.wait_dma2 semaphore(%arg22 : memref<!tpu.dma_semaphore, #tpu.memory_space<semaphore_mem>>) src(%dma_wait3A_104 : memref<80xi32, #tpu.memory_space<hbm>>) dst(%arg9 : memref<80xi32, #tpu.memory_space<vmem>>)
      %mul3A_105 = arith.constant 80 : i32
      %mul3A_106 = arith.muli %add3A_90, %mul3A_105 : i32
      %dma_wait3A_107 = tpu.memref_slice %arg7[%mul3A_106] : memref<10000xi32, #tpu.memory_space<vmem>> -> memref<80xi32, #tpu.memory_space<vmem>>
      %dma_wait3A_108 = arith.constant 0 : i32
      %dma_wait3A_109 = arith.constant 0 : i32
      %dma_wait3A_110 = tpu.memref_slice %arg2[%dma_wait3A_108, %dma_wait3A_109] : memref<10000x128xf32, #tpu.memory_space<hbm>> -> memref<10000x128xf32, #tpu.memory_space<hbm>>
      tpu.wait_indirect_dma semaphore(%arg16 : memref<!tpu.dma_semaphore, #tpu.memory_space<semaphore_mem>>) src(%dma_wait3A_110 : memref<10000x128xf32, #tpu.memory_space<hbm>>) dst(%arg12 : memref<80x128xf32, #tpu.memory_space<vmem>>)
      %dma_start3A_111 = arith.constant 0 : i32
      %dma_start3A_112 = arith.constant 0 : i32
      %dma_start3A_113 = tpu.memref_slice %arg14[%dma_start3A_111, %dma_start3A_112] : memref<10112x128xf32, #tpu.memory_space<vmem_shared>> -> memref<10112x128xf32, #tpu.memory_space<vmem_shared>>
      tpu.enqueue_indirect_dma source(%arg12 : memref<80x128xf32, #tpu.memory_space<vmem>>) target(%dma_start3A_113 : memref<10112x128xf32, #tpu.memory_space<vmem_shared>>) offsets(%arg9 : memref<80xi32, #tpu.memory_space<vmem>>) semaphore(%arg19 : memref<!tpu.dma_semaphore, #tpu.memory_space<semaphore_mem>>) {add = true}
      %mul3A_114 = arith.constant 3 : i32
      %mul3A_115 = arith.muli %mul3A_114, %scan3A_63 : i32
      %add3A_116 = arith.constant 2 : i32
      %add3A_117 = arith.addi %mul3A_115, %add3A_116 : i32
      %add3A_118 = arith.constant 3 : i32
      %add3A_119 = arith.addi %add3A_117, %add3A_118 : i32
      %sub3A_120 = arith.constant 1 : i32
      %sub3A_121 = arith.subi %add3A_119, %sub3A_120 : i32
      %lt3A_122 = arith.constant 125 : i32
      %lt3A_123 = arith.cmpi slt, %sub3A_121, %lt3A_122 : i32
      %convert_element_type3A_124 = arith.extui %lt3A_123 : i1 to i32
      %cond3A_125 = arith.constant 0 : i32
      %cond3A_126 = arith.cmpi ne, %convert_element_type3A_124, %cond3A_125 : i32
      scf.if %cond3A_126 {
        %sub3A_141 = arith.constant 1 : i32
        %sub3A_142 = arith.subi %add3A_117, %sub3A_141 : i32
        %dma_wait3A_143 = arith.constant 0 : i32
        %dma_wait3A_144 = arith.constant 0 : i32
        %dma_wait3A_145 = tpu.memref_slice %arg14[%dma_wait3A_143, %dma_wait3A_144] : memref<10112x128xf32, #tpu.memory_space<vmem_shared>> -> memref<10112x128xf32, #tpu.memory_space<vmem_shared>>
        tpu.wait_indirect_dma semaphore(%arg19 : memref<!tpu.dma_semaphore, #tpu.memory_space<semaphore_mem>>) src(%arg12 : memref<80x128xf32, #tpu.memory_space<vmem>>) dst(%dma_wait3A_145 : memref<10112x128xf32, #tpu.memory_space<vmem_shared>>)
        %add3A_146 = arith.constant 3 : i32
        %add3A_147 = arith.addi %add3A_117, %add3A_146 : i32
        %sub3A_148 = arith.constant 1 : i32
        %sub3A_149 = arith.subi %add3A_147, %sub3A_148 : i32
        %mul3A_150 = arith.constant 80 : i32
        %mul3A_151 = arith.muli %sub3A_149, %mul3A_150 : i32
        %add3A_152 = arith.addi %mul3A_2, %mul3A_151 : i32
        %dma_start3A_153 = tpu.memref_slice %arg4[%add3A_152] : memref<320000xi32, #tpu.memory_space<hbm>> -> memref<80xi32, #tpu.memory_space<hbm>>
        %dma_start3A_154 = tpu.memref_slice %arg4[%add3A_152] : memref<320000xi32, #tpu.memory_space<hbm>> -> memref<80xi32, #tpu.memory_space<hbm>>
        tpu.enqueue_dma source(%dma_start3A_154 : memref<80xi32, #tpu.memory_space<hbm>>) target(%arg9 : memref<80xi32, #tpu.memory_space<vmem>>) target_semaphore(%arg22 : memref<!tpu.dma_semaphore, #tpu.memory_space<semaphore_mem>>)
        %mul3A_155 = arith.constant 80 : i32
        %mul3A_156 = arith.muli %sub3A_149, %mul3A_155 : i32
        %dma_start3A_157 = tpu.memref_slice %arg7[%mul3A_156] : memref<10000xi32, #tpu.memory_space<vmem>> -> memref<80xi32, #tpu.memory_space<vmem>>
        %dma_start3A_158 = arith.constant 0 : i32
        %dma_start3A_159 = arith.constant 0 : i32
        %dma_start3A_160 = tpu.memref_slice %arg2[%dma_start3A_158, %dma_start3A_159] : memref<10000x128xf32, #tpu.memory_space<hbm>> -> memref<10000x128xf32, #tpu.memory_space<hbm>>
        tpu.enqueue_indirect_dma source(%dma_start3A_160 : memref<10000x128xf32, #tpu.memory_space<hbm>>) target(%arg12 : memref<80x128xf32, #tpu.memory_space<vmem>>) offsets(%dma_start3A_157 : memref<80xi32, #tpu.memory_space<vmem>>) semaphore(%arg16 : memref<!tpu.dma_semaphore, #tpu.memory_space<semaphore_mem>>)
      } else {
      }
      %mul3A_127 = arith.constant 80 : i32
      %mul3A_128 = arith.muli %add3A_117, %mul3A_127 : i32
      %add3A_129 = arith.addi %mul3A_2, %mul3A_128 : i32
      %dma_wait3A_130 = tpu.memref_slice %arg4[%add3A_129] : memref<320000xi32, #tpu.memory_space<hbm>> -> memref<80xi32, #tpu.memory_space<hbm>>
      %dma_wait3A_131 = tpu.memref_slice %arg4[%add3A_129] : memref<320000xi32, #tpu.memory_space<hbm>> -> memref<80xi32, #tpu.memory_space<hbm>>
      tpu.wait_dma2 semaphore(%arg23 : memref<!tpu.dma_semaphore, #tpu.memory_space<semaphore_mem>>) src(%dma_wait3A_131 : memref<80xi32, #tpu.memory_space<hbm>>) dst(%arg10 : memref<80xi32, #tpu.memory_space<vmem>>)
      %mul3A_132 = arith.constant 80 : i32
      %mul3A_133 = arith.muli %add3A_117, %mul3A_132 : i32
      %dma_wait3A_134 = tpu.memref_slice %arg7[%mul3A_133] : memref<10000xi32, #tpu.memory_space<vmem>> -> memref<80xi32, #tpu.memory_space<vmem>>
      %dma_wait3A_135 = arith.constant 0 : i32
      %dma_wait3A_136 = arith.constant 0 : i32
      %dma_wait3A_137 = tpu.memref_slice %arg2[%dma_wait3A_135, %dma_wait3A_136] : memref<10000x128xf32, #tpu.memory_space<hbm>> -> memref<10000x128xf32, #tpu.memory_space<hbm>>
      tpu.wait_indirect_dma semaphore(%arg17 : memref<!tpu.dma_semaphore, #tpu.memory_space<semaphore_mem>>) src(%dma_wait3A_137 : memref<10000x128xf32, #tpu.memory_space<hbm>>) dst(%arg13 : memref<80x128xf32, #tpu.memory_space<vmem>>)
      %dma_start3A_138 = arith.constant 0 : i32
      %dma_start3A_139 = arith.constant 0 : i32
      %dma_start3A_140 = tpu.memref_slice %arg14[%dma_start3A_138, %dma_start3A_139] : memref<10112x128xf32, #tpu.memory_space<vmem_shared>> -> memref<10112x128xf32, #tpu.memory_space<vmem_shared>>
      tpu.enqueue_indirect_dma source(%arg13 : memref<80x128xf32, #tpu.memory_space<vmem>>) target(%dma_start3A_140 : memref<10112x128xf32, #tpu.memory_space<vmem_shared>>) offsets(%arg10 : memref<80xi32, #tpu.memory_space<vmem>>) semaphore(%arg20 : memref<!tpu.dma_semaphore, #tpu.memory_space<semaphore_mem>>) {add = true}
    }
    %scan3A_26 = arith.constant 41 : i32
    %add3A_27 = arith.constant 9840 : i32
    %add3A_28 = arith.addi %mul3A_2, %add3A_27 : i32
    %dma_wait3A = tpu.memref_slice %arg4[%add3A_28] : memref<320000xi32, #tpu.memory_space<hbm>> -> memref<80xi32, #tpu.memory_space<hbm>>
    %dma_wait3A_29 = tpu.memref_slice %arg4[%add3A_28] : memref<320000xi32, #tpu.memory_space<hbm>> -> memref<80xi32, #tpu.memory_space<hbm>>
    tpu.wait_dma2 semaphore(%arg21 : memref<!tpu.dma_semaphore, #tpu.memory_space<semaphore_mem>>) src(%dma_wait3A_29 : memref<80xi32, #tpu.memory_space<hbm>>) dst(%arg8 : memref<80xi32, #tpu.memory_space<vmem>>)
    %dma_wait3A_30 = arith.constant 9840 : i32
    %dma_wait3A_31 = tpu.memref_slice %arg7[%dma_wait3A_30] : memref<10000xi32, #tpu.memory_space<vmem>> -> memref<80xi32, #tpu.memory_space<vmem>>
    %dma_wait3A_32 = arith.constant 0 : i32
    %dma_wait3A_33 = arith.constant 0 : i32
    %dma_wait3A_34 = tpu.memref_slice %arg2[%dma_wait3A_32, %dma_wait3A_33] : memref<10000x128xf32, #tpu.memory_space<hbm>> -> memref<10000x128xf32, #tpu.memory_space<hbm>>
    tpu.wait_indirect_dma semaphore(%arg15 : memref<!tpu.dma_semaphore, #tpu.memory_space<semaphore_mem>>) src(%dma_wait3A_34 : memref<10000x128xf32, #tpu.memory_space<hbm>>) dst(%arg11 : memref<80x128xf32, #tpu.memory_space<vmem>>)
    %dma_start3A_35 = arith.constant 0 : i32
    %dma_start3A_36 = arith.constant 0 : i32
    %dma_start3A_37 = tpu.memref_slice %arg14[%dma_start3A_35, %dma_start3A_36] : memref<10112x128xf32, #tpu.memory_space<vmem_shared>> -> memref<10112x128xf32, #tpu.memory_space<vmem_shared>>
    tpu.enqueue_indirect_dma source(%arg11 : memref<80x128xf32, #tpu.memory_space<vmem>>) target(%dma_start3A_37 : memref<10112x128xf32, #tpu.memory_space<vmem_shared>>) offsets(%arg8 : memref<80xi32, #tpu.memory_space<vmem>>) semaphore(%arg18 : memref<!tpu.dma_semaphore, #tpu.memory_space<semaphore_mem>>) {add = true}
    %add3A_38 = arith.constant 9920 : i32
    %add3A_39 = arith.addi %mul3A_2, %add3A_38 : i32
    %dma_wait3A_40 = tpu.memref_slice %arg4[%add3A_39] : memref<320000xi32, #tpu.memory_space<hbm>> -> memref<80xi32, #tpu.memory_space<hbm>>
    %dma_wait3A_41 = tpu.memref_slice %arg4[%add3A_39] : memref<320000xi32, #tpu.memory_space<hbm>> -> memref<80xi32, #tpu.memory_space<hbm>>
    tpu.wait_dma2 semaphore(%arg22 : memref<!tpu.dma_semaphore, #tpu.memory_space<semaphore_mem>>) src(%dma_wait3A_41 : memref<80xi32, #tpu.memory_space<hbm>>) dst(%arg9 : memref<80xi32, #tpu.memory_space<vmem>>)
    %dma_wait3A_42 = arith.constant 9920 : i32
    %dma_wait3A_43 = tpu.memref_slice %arg7[%dma_wait3A_42] : memref<10000xi32, #tpu.memory_space<vmem>> -> memref<80xi32, #tpu.memory_space<vmem>>
    %dma_wait3A_44 = arith.constant 0 : i32
    %dma_wait3A_45 = arith.constant 0 : i32
    %dma_wait3A_46 = tpu.memref_slice %arg2[%dma_wait3A_44, %dma_wait3A_45] : memref<10000x128xf32, #tpu.memory_space<hbm>> -> memref<10000x128xf32, #tpu.memory_space<hbm>>
    tpu.wait_indirect_dma semaphore(%arg16 : memref<!tpu.dma_semaphore, #tpu.memory_space<semaphore_mem>>) src(%dma_wait3A_46 : memref<10000x128xf32, #tpu.memory_space<hbm>>) dst(%arg12 : memref<80x128xf32, #tpu.memory_space<vmem>>)
    %dma_start3A_47 = arith.constant 0 : i32
    %dma_start3A_48 = arith.constant 0 : i32
    %dma_start3A_49 = tpu.memref_slice %arg14[%dma_start3A_47, %dma_start3A_48] : memref<10112x128xf32, #tpu.memory_space<vmem_shared>> -> memref<10112x128xf32, #tpu.memory_space<vmem_shared>>
    tpu.enqueue_indirect_dma source(%arg12 : memref<80x128xf32, #tpu.memory_space<vmem>>) target(%dma_start3A_49 : memref<10112x128xf32, #tpu.memory_space<vmem_shared>>) offsets(%arg9 : memref<80xi32, #tpu.memory_space<vmem>>) semaphore(%arg19 : memref<!tpu.dma_semaphore, #tpu.memory_space<semaphore_mem>>) {add = true}
    %dma_wait3A_50 = arith.constant 0 : i32
    %dma_wait3A_51 = arith.constant 0 : i32
    %dma_wait3A_52 = tpu.memref_slice %arg14[%dma_wait3A_50, %dma_wait3A_51] : memref<10112x128xf32, #tpu.memory_space<vmem_shared>> -> memref<10112x128xf32, #tpu.memory_space<vmem_shared>>
    tpu.wait_indirect_dma semaphore(%arg20 : memref<!tpu.dma_semaphore, #tpu.memory_space<semaphore_mem>>) src(%arg13 : memref<80x128xf32, #tpu.memory_space<vmem>>) dst(%dma_wait3A_52 : memref<10112x128xf32, #tpu.memory_space<vmem_shared>>)
    %dma_wait3A_53 = arith.constant 0 : i32
    %dma_wait3A_54 = arith.constant 0 : i32
    %dma_wait3A_55 = tpu.memref_slice %arg14[%dma_wait3A_53, %dma_wait3A_54] : memref<10112x128xf32, #tpu.memory_space<vmem_shared>> -> memref<10112x128xf32, #tpu.memory_space<vmem_shared>>
    tpu.wait_indirect_dma semaphore(%arg18 : memref<!tpu.dma_semaphore, #tpu.memory_space<semaphore_mem>>) src(%arg11 : memref<80x128xf32, #tpu.memory_space<vmem>>) dst(%dma_wait3A_55 : memref<10112x128xf32, #tpu.memory_space<vmem_shared>>)
    %dma_wait3A_56 = arith.constant 0 : i32
    %dma_wait3A_57 = arith.constant 0 : i32
    %dma_wait3A_58 = tpu.memref_slice %arg14[%dma_wait3A_56, %dma_wait3A_57] : memref<10112x128xf32, #tpu.memory_space<vmem_shared>> -> memref<10112x128xf32, #tpu.memory_space<vmem_shared>>
    tpu.wait_indirect_dma semaphore(%arg19 : memref<!tpu.dma_semaphore, #tpu.memory_space<semaphore_mem>>) src(%arg12 : memref<80x128xf32, #tpu.memory_space<vmem>>) dst(%dma_wait3A_58 : memref<10112x128xf32, #tpu.memory_space<vmem_shared>>)
    %barrier3A_59 = arith.constant 0 : index
    tpu.barrier barrier_id(%barrier3A_59)
    %mul3A_60 = arith.constant 10112 : i32
    %mul3A_61 = arith.muli %arg0, %mul3A_60 : i32
    %add3A_62 = arith.addi %mul3A_61, %mul3A_4 : i32
    "tpu.region"() ({
      %run_scoped3A = tpu.sem_alloc : memref<!tpu.dma_semaphore, #tpu.memory_space<semaphore_mem>>
      %dma_start3A_63 = arith.constant 0 : i32
      %dma_start3A_64 = tpu.memref_slice %arg6[%add3A_62, %dma_start3A_63] : memref<20224x128xf32, #tpu.memory_space<hbm>> -> memref<632x128xf32, #tpu.memory_space<hbm>>
      %dma_start3A_65 = arith.constant 0 : i32
      %dma_start3A_66 = tpu.memref_slice %arg14[%mul3A_4, %dma_start3A_65] : memref<10112x128xf32, #tpu.memory_space<vmem_shared>> -> memref<632x128xf32, #tpu.memory_space<vmem_shared>>
      tpu.enqueue_dma source(%dma_start3A_66 : memref<632x128xf32, #tpu.memory_space<vmem_shared>>) target(%dma_start3A_64 : memref<632x128xf32, #tpu.memory_space<hbm>>) target_semaphore(%run_scoped3A : memref<!tpu.dma_semaphore, #tpu.memory_space<semaphore_mem>>)
      %dma_wait3A_67 = arith.constant 0 : i32
      %dma_wait3A_68 = tpu.memref_slice %arg6[%add3A_62, %dma_wait3A_67] : memref<20224x128xf32, #tpu.memory_space<hbm>> -> memref<632x128xf32, #tpu.memory_space<hbm>>
      %dma_wait3A_69 = arith.constant 0 : i32
      %dma_wait3A_70 = tpu.memref_slice %arg14[%mul3A_4, %dma_wait3A_69] : memref<10112x128xf32, #tpu.memory_space<vmem_shared>> -> memref<632x128xf32, #tpu.memory_space<vmem_shared>>
      tpu.wait_dma2 semaphore(%run_scoped3A : memref<!tpu.dma_semaphore, #tpu.memory_space<semaphore_mem>>) src(%dma_wait3A_70 : memref<632x128xf32, #tpu.memory_space<vmem_shared>>) dst(%dma_wait3A_68 : memref<632x128xf32, #tpu.memory_space<hbm>>)
      tpu.yield
    }) : () -> ()
    return
  }
}

module attributes {stable_mosaic.version = 14 : i64} {
  func.func @_layer_body(%arg0: memref<10000x128xf32, #tpu.memory_space<vmem>>, %arg1: memref<20224x128xf32, #tpu.memory_space<vmem>>, %arg2: memref<20224xf32, #tpu.memory_space<vmem>>, %arg3: memref<128x128xf32, #tpu.memory_space<vmem>>, %arg4: memref<128x128xf32, #tpu.memory_space<vmem>>, %arg5: memref<128xf32, #tpu.memory_space<vmem>>, %arg6: memref<10000x128xf32, #tpu.memory_space<vmem>>) attributes {dimension_semantics = [], scalar_prefetch = 0 : i64, scratch_operands = 0 : i64, tpu.core_type = #tpu.core_type<tc>} {
    %get3A = arith.constant 0 : index
    %get3A_0 = vector.load %arg2[%get3A] : memref<20224xf32, #tpu.memory_space<vmem>>, vector<20224xf32>
    %slice3A = vector.extract_strided_slice %get3A_0 {offsets = [0], sizes = [10000], strides = [1]} : vector<20224xf32> to vector<10000xf32>
    %slice3A_1 = vector.extract_strided_slice %get3A_0 {offsets = [10112], sizes = [10000], strides = [1]} : vector<20224xf32> to vector<10000xf32>
    %add3A = arith.addf %slice3A, %slice3A_1 : vector<10000xf32>
    %max3A = arith.constant 1.000000e+00 : f32
    %max3A_2 = vector.broadcast %max3A : f32 to vector<10000xf32>
    %max3A_3 = arith.maximumf %add3A, %max3A_2 : vector<10000xf32>
    %div3A = arith.constant 1.000000e+00 : f32
    %div3A_4 = vector.broadcast %div3A : f32 to vector<10000xf32>
    %div3A_5 = arith.divf %div3A_4, %max3A_3 : vector<10000xf32>
    %get3A_6 = arith.constant 0 : index
    %get3A_7 = arith.constant 0 : index
    %get3A_8 = vector.load %arg1[%get3A_6, %get3A_7] : memref<20224x128xf32, #tpu.memory_space<vmem>>, vector<10000x128xf32>
    %get3A_9 = arith.constant 10112 : index
    %get3A_10 = arith.constant 0 : index
    %get3A_11 = vector.load %arg1[%get3A_9, %get3A_10] : memref<20224x128xf32, #tpu.memory_space<vmem>>, vector<10000x128xf32>
    %add3A_12 = arith.addf %get3A_8, %get3A_11 : vector<10000x128xf32>
    %broadcast_in_dim3A = vector.shape_cast %div3A_5 : vector<10000xf32> to vector<10000x1xf32>
    %mul3A = vector.broadcast %broadcast_in_dim3A : vector<10000x1xf32> to vector<10000x128xf32>
    %mul3A_13 = arith.mulf %add3A_12, %mul3A : vector<10000x128xf32>
    %get3A_14 = arith.constant 0 : index
    %get3A_15 = arith.constant 0 : index
    %get3A_16 = vector.load %arg0[%get3A_14, %get3A_15] : memref<10000x128xf32, #tpu.memory_space<vmem>>, vector<10000x128xf32>
    %get3A_17 = arith.constant 0 : index
    %get3A_18 = arith.constant 0 : index
    %get3A_19 = vector.load %arg3[%get3A_17, %get3A_18] : memref<128x128xf32, #tpu.memory_space<vmem>>, vector<128x128xf32>
    %dot_general3A = arith.constant dense<0.000000e+00> : vector<10000x128xf32>
    %dot_general3A_20 = tpu.matmul %get3A_16, %get3A_19, %dot_general3A {dimension_numbers = #tpu.dot_dimension_numbers<[1], [0], [0], [1], [0, 0, 1, 1], [], []>, transpose_lhs_hint = false} : vector<10000x128xf32>, vector<128x128xf32>, vector<10000x128xf32> -> vector<10000x128xf32>
    %get3A_21 = arith.constant 0 : index
    %get3A_22 = arith.constant 0 : index
    %get3A_23 = vector.load %arg4[%get3A_21, %get3A_22] : memref<128x128xf32, #tpu.memory_space<vmem>>, vector<128x128xf32>
    %dot_general3A_24 = arith.constant dense<0.000000e+00> : vector<10000x128xf32>
    %dot_general3A_25 = tpu.matmul %mul3A_13, %get3A_23, %dot_general3A_24 {dimension_numbers = #tpu.dot_dimension_numbers<[1], [0], [0], [1], [0, 0, 1, 1], [], []>, transpose_lhs_hint = false} : vector<10000x128xf32>, vector<128x128xf32>, vector<10000x128xf32> -> vector<10000x128xf32>
    %add3A_26 = arith.addf %dot_general3A_20, %dot_general3A_25 : vector<10000x128xf32>
    %get3A_27 = arith.constant 0 : index
    %get3A_28 = vector.load %arg5[%get3A_27] : memref<128xf32, #tpu.memory_space<vmem>>, vector<128xf32>
    %broadcast_in_dim3A_29 = vector.shape_cast %get3A_28 : vector<128xf32> to vector<1x128xf32>
    %add3A_30 = vector.broadcast %broadcast_in_dim3A_29 : vector<1x128xf32> to vector<10000x128xf32>
    %add3A_31 = arith.addf %add3A_26, %add3A_30 : vector<10000x128xf32>
    %max3A_32 = arith.constant 0.000000e+00 : f32
    %max3A_33 = vector.broadcast %max3A_32 : f32 to vector<10000x128xf32>
    %max3A_34 = arith.maximumf %add3A_31, %max3A_33 : vector<10000x128xf32>
    %swap3A = arith.constant 0 : index
    %swap3A_35 = arith.constant 0 : index
    %swap3A_36 = vector.load %arg6[%swap3A, %swap3A_35] : memref<10000x128xf32, #tpu.memory_space<vmem>>, vector<10000x128xf32>
    tpu.vector_store %arg6[%swap3A, %swap3A_35], %max3A_34 {strides = array<i32>} : memref<10000x128xf32, #tpu.memory_space<vmem>>, vector<10000x128xf32>,
    return
  }
}

module attributes {stable_mosaic.version = 14 : i64} {
  func.func @_qeq_body(%arg0: memref<10000x128xf32, #tpu.memory_space<vmem>>, %arg1: memref<20224x128xf32, #tpu.memory_space<vmem>>, %arg2: memref<20224xf32, #tpu.memory_space<vmem>>, %arg3: memref<128x128xf32, #tpu.memory_space<vmem>>, %arg4: memref<128x128xf32, #tpu.memory_space<vmem>>, %arg5: memref<128xf32, #tpu.memory_space<vmem>>, %arg6: memref<2x128xf32, #tpu.memory_space<vmem>>, %arg7: memref<2xf32, #tpu.memory_space<vmem>>, %arg8: memref<10000xi32, #tpu.memory_space<vmem>>, %arg9: memref<64xf32, #tpu.memory_space<vmem>>, %arg10: memref<10000xf32, #tpu.memory_space<vmem>>) attributes {dimension_semantics = [], scalar_prefetch = 0 : i64, scratch_operands = 0 : i64, tpu.core_type = #tpu.core_type<tc>} {
    %get3A = arith.constant 0 : index
    %get3A_0 = vector.load %arg2[%get3A] : memref<20224xf32, #tpu.memory_space<vmem>>, vector<20224xf32>
    %slice3A = vector.extract_strided_slice %get3A_0 {offsets = [0], sizes = [10000], strides = [1]} : vector<20224xf32> to vector<10000xf32>
    %slice3A_1 = vector.extract_strided_slice %get3A_0 {offsets = [10112], sizes = [10000], strides = [1]} : vector<20224xf32> to vector<10000xf32>
    %add3A = arith.addf %slice3A, %slice3A_1 : vector<10000xf32>
    %max3A = arith.constant 1.000000e+00 : f32
    %max3A_2 = vector.broadcast %max3A : f32 to vector<10000xf32>
    %max3A_3 = arith.maximumf %add3A, %max3A_2 : vector<10000xf32>
    %div3A = arith.constant 1.000000e+00 : f32
    %div3A_4 = vector.broadcast %div3A : f32 to vector<10000xf32>
    %div3A_5 = arith.divf %div3A_4, %max3A_3 : vector<10000xf32>
    %get3A_6 = arith.constant 0 : index
    %get3A_7 = arith.constant 0 : index
    %get3A_8 = vector.load %arg1[%get3A_6, %get3A_7] : memref<20224x128xf32, #tpu.memory_space<vmem>>, vector<10000x128xf32>
    %get3A_9 = arith.constant 10112 : index
    %get3A_10 = arith.constant 0 : index
    %get3A_11 = vector.load %arg1[%get3A_9, %get3A_10] : memref<20224x128xf32, #tpu.memory_space<vmem>>, vector<10000x128xf32>
    %add3A_12 = arith.addf %get3A_8, %get3A_11 : vector<10000x128xf32>
    %broadcast_in_dim3A = vector.shape_cast %div3A_5 : vector<10000xf32> to vector<10000x1xf32>
    %mul3A = vector.broadcast %broadcast_in_dim3A : vector<10000x1xf32> to vector<10000x128xf32>
    %mul3A_13 = arith.mulf %add3A_12, %mul3A : vector<10000x128xf32>
    %get3A_14 = arith.constant 0 : index
    %get3A_15 = arith.constant 0 : index
    %get3A_16 = vector.load %arg0[%get3A_14, %get3A_15] : memref<10000x128xf32, #tpu.memory_space<vmem>>, vector<10000x128xf32>
    %get3A_17 = arith.constant 0 : index
    %get3A_18 = arith.constant 0 : index
    %get3A_19 = vector.load %arg3[%get3A_17, %get3A_18] : memref<128x128xf32, #tpu.memory_space<vmem>>, vector<128x128xf32>
    %dot_general3A = arith.constant dense<0.000000e+00> : vector<10000x128xf32>
    %dot_general3A_20 = tpu.matmul %get3A_16, %get3A_19, %dot_general3A {dimension_numbers = #tpu.dot_dimension_numbers<[1], [0], [0], [1], [0, 0, 1, 1], [], []>, transpose_lhs_hint = false} : vector<10000x128xf32>, vector<128x128xf32>, vector<10000x128xf32> -> vector<10000x128xf32>
    %get3A_21 = arith.constant 0 : index
    %get3A_22 = arith.constant 0 : index
    %get3A_23 = vector.load %arg4[%get3A_21, %get3A_22] : memref<128x128xf32, #tpu.memory_space<vmem>>, vector<128x128xf32>
    %dot_general3A_24 = arith.constant dense<0.000000e+00> : vector<10000x128xf32>
    %dot_general3A_25 = tpu.matmul %mul3A_13, %get3A_23, %dot_general3A_24 {dimension_numbers = #tpu.dot_dimension_numbers<[1], [0], [0], [1], [0, 0, 1, 1], [], []>, transpose_lhs_hint = false} : vector<10000x128xf32>, vector<128x128xf32>, vector<10000x128xf32> -> vector<10000x128xf32>
    %add3A_26 = arith.addf %dot_general3A_20, %dot_general3A_25 : vector<10000x128xf32>
    %get3A_27 = arith.constant 0 : index
    %get3A_28 = vector.load %arg5[%get3A_27] : memref<128xf32, #tpu.memory_space<vmem>>, vector<128xf32>
    %broadcast_in_dim3A_29 = vector.shape_cast %get3A_28 : vector<128xf32> to vector<1x128xf32>
    %add3A_30 = vector.broadcast %broadcast_in_dim3A_29 : vector<1x128xf32> to vector<10000x128xf32>
    %add3A_31 = arith.addf %add3A_26, %add3A_30 : vector<10000x128xf32>
    %max3A_32 = arith.constant 0.000000e+00 : f32
    %max3A_33 = vector.broadcast %max3A_32 : f32 to vector<10000x128xf32>
    %max3A_34 = arith.maximumf %add3A_31, %max3A_33 : vector<10000x128xf32>
    %get3A_35 = arith.constant 0 : index
    %get3A_36 = arith.constant 0 : index
    %get3A_37 = vector.load %arg6[%get3A_35, %get3A_36] : memref<2x128xf32, #tpu.memory_space<vmem>>, vector<2x128xf32>
    %dot_general3A_38 = arith.constant dense<0.000000e+00> : vector<10000x2xf32>
    %dot_general3A_39 = tpu.matmul %max3A_34, %get3A_37, %dot_general3A_38 {dimension_numbers = #tpu.dot_dimension_numbers<[1], [1], [0], [0], [0, 0, 1, 0], [], []>, transpose_lhs_hint = false} : vector<10000x128xf32>, vector<2x128xf32>, vector<10000x2xf32> -> vector<10000x2xf32>
    %get3A_40 = arith.constant 0 : index
    %get3A_41 = vector.load %arg7[%get3A_40] : memref<2xf32, #tpu.memory_space<vmem>>, vector<2xf32>
    %broadcast_in_dim3A_42 = vector.shape_cast %get3A_41 : vector<2xf32> to vector<1x2xf32>
    %add3A_43 = vector.broadcast %broadcast_in_dim3A_42 : vector<1x2xf32> to vector<10000x2xf32>
    %add3A_44 = arith.addf %dot_general3A_39, %add3A_43 : vector<10000x2xf32>
    %slice3A_45 = vector.extract_strided_slice %add3A_44 {offsets = [0, 0], sizes = [10000, 1], strides = [1, 1]} : vector<10000x2xf32> to vector<10000x1xf32>
    %squeeze3A = vector.shape_cast %slice3A_45 : vector<10000x1xf32> to vector<10000xf32>
    %slice3A_46 = vector.extract_strided_slice %add3A_44 {offsets = [0, 1], sizes = [10000, 1], strides = [1, 1]} : vector<10000x2xf32> to vector<10000x1xf32>
    %squeeze3A_47 = vector.shape_cast %slice3A_46 : vector<10000x1xf32> to vector<10000xf32>
    %max3A_48 = arith.constant 0.000000e+00 : f32
    %max3A_49 = vector.broadcast %max3A_48 : f32 to vector<10000xf32>
    %max3A_50 = arith.maximumf %squeeze3A_47, %max3A_49 : vector<10000xf32>
    %abs3A = math.absf %squeeze3A_47 : vector<10000xf32>
    %neg3A = arith.constant 0.000000e+00 : f32
    %neg3A_51 = vector.broadcast %neg3A : f32 to vector<10000xf32>
    %neg3A_52 = arith.subf %neg3A_51, %abs3A : vector<10000xf32>
    %exp3A = math.exp %neg3A_52 : vector<10000xf32>
    %log1p3A = math.log1p %exp3A : vector<10000xf32>
    %add3A_53 = arith.addf %max3A_50, %log1p3A : vector<10000xf32>
    %add3A_54 = arith.constant 9.99999974E-5 : f32
    %add3A_55 = vector.broadcast %add3A_54 : f32 to vector<10000xf32>
    %add3A_56 = arith.addf %add3A_53, %add3A_55 : vector<10000xf32>
    %div3A_57 = arith.constant 5.000000e-01 : f32
    %div3A_58 = vector.broadcast %div3A_57 : f32 to vector<10000xf32>
    %div3A_59 = arith.divf %div3A_58, %add3A_56 : vector<10000xf32>
    %get3A_60 = arith.constant 0 : index
    %get3A_61 = vector.load %arg8[%get3A_60] : memref<10000xi32, #tpu.memory_space<vmem>>, vector<10000xi32>
    %iota3A = tpu.iota {dimensions = array<i32: 0>} : vector<64x10000xi32>
    %broadcast_in_dim3A_62 = vector.shape_cast %get3A_61 : vector<10000xi32> to vector<1x10000xi32>
    %eq3A = vector.broadcast %broadcast_in_dim3A_62 : vector<1x10000xi32> to vector<64x10000xi32>
    %eq3A_63 = arith.cmpi eq, %iota3A, %eq3A : vector<64x10000xi32>
    %convert_element_type3A = arith.extui %eq3A_63 : vector<64x10000xi1> to vector<64x10000xi32>
    %convert_element_type3A_64 = arith.sitofp %convert_element_type3A : vector<64x10000xi32> to vector<64x10000xf32>
    %mul3A_65 = arith.mulf %squeeze3A, %div3A_59 : vector<10000xf32>
    %stack3A = vector.shape_cast %div3A_59 : vector<10000xf32> to vector<10000x1xf32>
    %stack3A_66 = vector.shape_cast %mul3A_65 : vector<10000xf32> to vector<10000x1xf32>
    %stack3A_67 = tpu.concatenate %stack3A, %stack3A_66 in 1 : vector<10000x1xf32>, vector<10000x1xf32> -> vector<10000x2xf32>
    %dot_general3A_68 = arith.constant dense<0.000000e+00> : vector<64x2xf32>
    %dot_general3A_69 = tpu.matmul %convert_element_type3A_64, %stack3A_67, %dot_general3A_68 {dimension_numbers = #tpu.dot_dimension_numbers<[1], [0], [0], [1], [0, 0, 1, 1], [], []>, precision = #tpu.contract_precision<fp32>, transpose_lhs_hint = false} : vector<64x10000xf32>, vector<10000x2xf32>, vector<64x2xf32> -> vector<64x2xf32>
    %slice3A_70 = vector.extract_strided_slice %dot_general3A_69 {offsets = [0, 0], sizes = [64, 1], strides = [1, 1]} : vector<64x2xf32> to vector<64x1xf32>
    %squeeze3A_71 = vector.shape_cast %slice3A_70 : vector<64x1xf32> to vector<64xf32>
    %slice3A_72 = vector.extract_strided_slice %dot_general3A_69 {offsets = [0, 1], sizes = [64, 1], strides = [1, 1]} : vector<64x2xf32> to vector<64x1xf32>
    %squeeze3A_73 = vector.shape_cast %slice3A_72 : vector<64x1xf32> to vector<64xf32>
    %gt3A = arith.constant 0.000000e+00 : f32
    %gt3A_74 = vector.broadcast %gt3A : f32 to vector<64xf32>
    %gt3A_75 = arith.cmpf ogt, %squeeze3A_71, %gt3A_74 : vector<64xf32>
    %get3A_76 = arith.constant 0 : index
    %get3A_77 = vector.load %arg9[%get3A_76] : memref<64xf32, #tpu.memory_space<vmem>>, vector<64xf32>
    %add3A_78 = arith.addf %get3A_77, %squeeze3A_73 : vector<64xf32>
    %div3A_79 = arith.divf %add3A_78, %squeeze3A_71 : vector<64xf32>
    %jit3A = arith.constant 0.000000e+00 : f32
    %broadcast_in_dim3A_80 = vector.broadcast %jit3A : f32 to vector<64xf32>
    %select_n3A = arith.select %gt3A_75, %div3A_79, %broadcast_in_dim3A_80 : vector<64xi1>, vector<64xf32>
    %dot_general3A_81 = arith.constant dense<0.000000e+00> : vector<10000xf32>
    %dot_general3A_82 = tpu.matmul %select_n3A, %convert_element_type3A_64, %dot_general3A_81 {dimension_numbers = #tpu.dot_dimension_numbers<[0], [0], [], [1], [1, 1], [], []>, precision = #tpu.contract_precision<fp32>, transpose_lhs_hint = false} : vector<64xf32>, vector<64x10000xf32>, vector<10000xf32> -> vector<10000xf32>
    %sub3A = arith.subf %dot_general3A_82, %squeeze3A : vector<10000xf32>
    %mul3A_83 = arith.mulf %sub3A, %div3A_59 : vector<10000xf32>
    %swap3A = arith.constant 0 : index
    %swap3A_84 = vector.load %arg10[%swap3A] : memref<10000xf32, #tpu.memory_space<vmem>>, vector<10000xf32>
    tpu.vector_store %arg10[%swap3A], %mul3A_83 {strides = array<i32>} : memref<10000xf32, #tpu.memory_space<vmem>>, vector<10000xf32>,
    return
  }
}

</mosaic_0001>

<sc_bundles>
// kernel: kernel.11.cloned.1.call-start
scs
__scs_entry_jumppad:
0x0: {  	(pc) =	sbr.rel $0x88, $3  }
0x1: {  	(tag) =	ssettag $0x0;
	lr =	simm.s32 $0x1  }
0x2: {  	[smem:$0x3F91] =	sst lr;
	_ =	strace $0xD0000000  }
0x3: {  	_ = 	snop  }
0x4: {  	_ = 	snop  }
0x5: {  	_ = 	snop  }
0x6: {  	_ = 	snop  }
0x7: {  	_ = 	snop  }
__scs_overlays_trampoline_lowered:
0x8: {  	[smem:$0x3FA0] =	sst s0  }
0x9: {  	[smem:$0x3FA1] =	sst s1  }
0xa: {  	[smem:$0x3FA2] =	sst s2  }
0xb: {  	[smem:$0x3FA3] =	sst s3  }
0xc: {  	[smem:$0x3FA4] =	sst s4  }
0xd: {  	[smem:$0x3FA5] =	sst s5  }
0xe: {  	[smem:$0x3FA6] =	sst s6  }
0xf: {  	[smem:$0x3FA7] =	sst s7  }
0x10: {  	[smem:$0x3FA8] =	sst s8  }
0x11: {  	[smem:$0x3FA9] =	sst s9;
	s0 =	simm.s32 @!p0 $0x0  }
0x12: {  	s1 =	sld [smem:$0x3F8F];
	s0 =	simm.s32 @p0 $0x1  }
0x13: {  	[smem:$0x3FAA] =	sst s0;
	s0 =	simm.s32 @!p1 $0x0  }
0x14: {  	s2 =	sld [smem:$0x3F8E];
	s0 =	simm.s32 @p1 $0x1  }
0x15: {  	[smem:$0x3FAB] =	sst s0;
	s0 =	simm.s32 @!p2 $0x0  }
0x16: {  	s3 =	sld [smem:$0x3FDB];
	s0 =	simm.s32 @p2 $0x1  }
0x17: {  	s4 =	simm.s32 $0x1BF5;
	[smem:$0x3FAD] =	sst s0  }
0x18: {  	s0 =	sld [smem:$0x3F90];
	_ =	swait.ge [sflag:s4], $0x0  }
0x19: {  	s7 =	sld [smem:$0x3F91]  }
0x1a: {  	s8 =	sadd.s32 $0xFFFFE003, lr  }
0x1b: {  	s9 =	sadd.s32 $0xFFFFFEF7, lr;
	s5 =	simm.s32 $0xFFFFFFFF;
	p2 =	slt.u32 s8, $0xFFFFF086  }
0x1c: {  	p1 =	slt.u32 s9, $0xF7A;
	s5 =	simm.s32 @!p2 $0x0  }
0x1d: {  	s5 =	simm.s32 @p1 $0x1;
	p0 =	seq.s32 s7, s2  }
0x1e: {  	s7 =	smul.u32 @!p0 $0xF7A, s2;
	p2 =	seq.s32 @!p0 s5, $0x0  }
0x1f: {  	s9 =	smul.u32 $0xF7A, s1;
	s8 =	simm.s32 @!p0 $0x1BF5;
	p2 =	por !p2, p0  }
0x20: {  	[sflag:s8] =	ssyncset.s32 @!p0 $0xFFFFF086;
	s6 =	sadd.s32 @!p0 s3, s7;
	s7 =	simm.s32 @!p0 $0x108  }
0x21: {  	s3 =	sadd.s32 s3, s9;
	s6 =	sadd.s32 @!p0 $0x88, s6;
	s7 =	simm.s32 @p2 $0x1082  }
0x22: {  	[simem:s7], [sflag:s8] =	dma.local @!p0 [hbm:s6], $0xF7A  }
0x23: {  	s9 =	sor.u32 $0xD0000000, s2;
	s6 =	simm.s32 $0x108;
	_ =	swait.ge @!p0 [sflag:s8], $0x0  }
0x24: {  	s3 =	sadd.s32 $0x88, s3;
	s6 =	simm.s32 @!p1 $0x1082;
	[sflag:s4] =	ssyncset.s32 $0xFFFFF086  }
0x25: {  	[simem:s6], [sflag:s4] =	dma.local [hbm:s3], $0xF7A  }
0x26: {  	[smem:$0x3F91] =	sst s1;
	(tag) =	ssettag s2;
	_ =	strace s9  }
0x27: {  	s1 =	sld [smem:$0x3FA1]  }
0x28: {  	s2 =	sld [smem:$0x3FA2]  }
0x29: {  	s4 =	sld [smem:$0x3FA4]  }
0x2a: {  	p0 =	seq.s32 s5, $0x0;
	s5 =	sld [smem:$0x3FA5]  }
0x2b: {  	s6 =	sld [smem:$0x3FA6]  }
0x2c: {  	s7 =	sld [smem:$0x3FA7]  }
0x2d: {  	s3 =	simm.s32 $0x108;
	s8 =	sld [smem:$0x3FA8]  }
0x2e: {  	s3 =	simm.s32 @!p0 $0x1082;
	s9 =	sld [smem:$0x3FA9]  }
0x2f: {  	lr =	sadd.s32 s0, s3;
	s0 =	sld [smem:$0x3FA0]  }
0x30: {  	s3 =	sld [smem:$0x3FA3]  }
0x31: {  	[smem:$0x3FAC] =	sst s10  }
0x32: {  	s10 =	sld [smem:$0x3FAA];
	_ =	sdelay $0x3  }
0x33: {  	p0 =	seq.s32 s10, $0x1;
	s10 =	sld [smem:$0x3FAC];
	_ =	sdelay $0x3  }
0x34: {  	[smem:$0x3FAC] =	sst s10  }
0x35: {  	s10 =	sld [smem:$0x3FAB];
	_ =	sdelay $0x3  }
0x36: {  	p1 =	seq.s32 s10, $0x1;
	s10 =	sld [smem:$0x3FAC];
	_ =	sdelay $0x3  }
0x37: {  	[smem:$0x3FAC] =	sst s10  }
0x38: {  	s10 =	sld [smem:$0x3FAD]  }
0x39: {  	_ = 	snop;
	(pc) =	sbr.ind lr, $3  }
0x3a: {  	_ = 	snop  }
0x3b: {  	_ = 	snop  }
0x3c: {  	p2 =	seq.s32 s10, $0x1;
	s10 =	sld [smem:$0x3FAC]  }
0x3d: {  	_ =	shalt  }
0x3e: {  	_ =	shalt  }
0x3f: {  	_ =	shalt  }
0x40: {  	_ =	shalt  }
0x41: {  	_ =	shalt  }
0x42: {  	_ =	shalt  }
0x43: {  	_ =	shalt  }
0x44: {  	_ =	shalt  }
0x45: {  	_ =	shalt  }
0x46: {  	_ =	shalt  }
0x47: {  	_ =	shalt  }
0x48: {  	_ =	shalt  }
0x49: {  	_ =	shalt  }
0x4a: {  	_ =	shalt  }
0x4b: {  	_ =	shalt  }
0x4c: {  	_ =	shalt  }
0x4d: {  	_ =	shalt  }
0x4e: {  	_ =	shalt  }
0x4f: {  	_ =	shalt  }
0x50: {  	_ =	shalt  }
0x51: {  	_ =	shalt  }
0x52: {  	_ =	shalt  }
0x53: {  	_ =	shalt  }
0x54: {  	_ =	shalt  }
0x55: {  	_ =	shalt  }
0x56: {  	_ =	shalt  }
0x57: {  	_ =	shalt  }
0x58: {  	_ =	shalt  }
0x59: {  	_ =	shalt  }
0x5a: {  	_ =	shalt  }
0x5b: {  	_ =	shalt  }
0x5c: {  	_ =	shalt  }
0x5d: {  	_ =	shalt  }
0x5e: {  	_ =	shalt  }
0x5f: {  	_ =	shalt  }
0x60: {  	_ =	shalt  }
0x61: {  	_ =	shalt  }
0x62: {  	_ =	shalt  }
0x63: {  	_ =	shalt  }
0x64: {  	_ =	shalt  }
0x65: {  	_ =	shalt  }
0x66: {  	_ =	shalt  }
0x67: {  	_ =	shalt  }
0x68: {  	_ =	shalt  }
0x69: {  	_ =	shalt  }
0x6a: {  	_ =	shalt  }
0x6b: {  	_ =	shalt  }
0x6c: {  	_ =	shalt  }
0x6d: {  	_ =	shalt  }
0x6e: {  	_ =	shalt  }
0x6f: {  	_ =	shalt  }
0x70: {  	_ =	shalt  }
0x71: {  	_ =	shalt  }
0x72: {  	_ =	shalt  }
0x73: {  	_ =	shalt  }
0x74: {  	_ =	shalt  }
0x75: {  	_ =	shalt  }
0x76: {  	_ =	shalt  }
0x77: {  	_ =	shalt  }
0x78: {  	_ =	shalt  }
0x79: {  	_ =	shalt  }
0x7a: {  	_ =	shalt  }
0x7b: {  	_ =	shalt  }
0x7c: {  	_ =	shalt  }
0x7d: {  	_ =	shalt  }
0x7e: {  	_ =	shalt  }
0x7f: {  	_ =	shalt  }
0x80: {  	_ =	shalt  }
0x81: {  	_ =	shalt  }
0x82: {  	_ =	shalt  }
0x83: {  	_ =	shalt  }
0x84: {  	_ =	shalt  }
0x85: {  	_ =	shalt  }
0x86: {  	_ =	shalt  }
0x87: {  	_ =	shalt  }
.Lfunc_end0:
.L_simem_size_0:
called_computation.1_lowered:
.L_overlay_start_0:
0x88: {  	s2 =	sld [smem:$0x3FD9]  }
0x89: {  	s3 =	sld [smem:$0x3FFE];
	_ =	sdelay $0x1  }
0x8a: {  	s1 =	srdreg.scid  }
0x8b: {  	s0 =	sand.u32 $0x1, s1  }
0x8c: {  	s17 =	sshll.u32 s0, $0xA;
	s2 =	sadd.s32 s3, s2  }
0x8d: {  	s2 =	sadd.s32 s2, s17  }
0x8e: {  	[smem:$0x3FB8] =	sst s2  }
0x8f: {  	_ = 	snop  }
0x90: {  	s2 =	sld [smem:$0x3FC8]  }
0x91: {  	s18 =	sld [smem:$0x3FC7];
	(tm) =	ssettm $0x1  }
0x92: {  	s4 =	sld [smem:$0x3FFB];
	_ =	sdelay $0x3  }
0x93: {  	_ =	strace s4  }
0x94: {  	s4 =	sld [smem:$0x3FFC];
	_ =	sdelay $0x3  }
0x95: {  	_ =	strace s4  }
0x96: {  	s4 =	sld [smem:$0x3FFD];
	_ =	sdelay $0x3  }
0x97: {  	_ =	strace s4  }
0x98: {  	_ =	strace $0x8FFFFFFF  }
0x99: {  	s19 =	sld [smem:$0x3FDB];
	_ =	sdelay $0x1  }
0x9a: {  	s5 =	simm.s32 $_scs_section_size  }
0x9b: {  	s6 =	simm.s32 $_size__tile_overlayer_lowered;
	s7 =	simm.s32 $_tile_overlayer_lowered  }
0x9c: {  	s22 =	simm.s32 $0x1BFF;
	s21 =	sshll.u32 s7, $0x1;
	s4 =	sadd.s32 s5, s19  }
0x9d: {  	s8 =	simm.s32 $0x0;
	s20 =	sshll.u32 s6, $0x1;
	s6 =	sadd.s32 s21, s4  }
0x9e: {  	[timem:s8], [sflag:s22] =	dma.local [hbm:s6], s20  }
0x9f: {  	_ =	swait.ge [sflag:s22], s20  }
0xa0: {  	s5 =	ssub.s32 $0x0, s20;
	[sflag:s22] =	ssyncset.done $0x0  }
0xa1: {  	[sflag:s22] =	ssyncadd.s32 s5;
	_ =	sdelay $0x1  }
0xa2: {  	s23 =	simm.s32 $0x1B8B  }
0xa3: {  	_ =	swait.ge [sflag:s23], $0x1  }
0xa4: {  	[sflag:s23] =	ssyncset.done $0x0  }
0xa5: {  	s25 =	simm.s32 $0x1B8E;
	s24 =	sld [smem:$0x3FFE];
	[sflag:s23] =	ssyncadd.s32 $0xFFFFFFFF  }
0xa6: {  	s26 =	simm.s32 $execute0_lowered;
	[smem:$0x3FD2] =	sst s25  }
0xa7: {  	s6 =	sshll.u32 s26, $0x1;
	_ =	strace $0x80000049;
	[dreg:$0x1] =	wrdreg $0xFFFFFFFF  }
0xa8: {  	s28 =	simm.s32 $_size_execute0_lowered;
	s4 =	sadd.s32 s4, s6;
	[dreg:$0x0] =	wrdreg $0x0  }
0xa9: {  	s6 =	sshll.u32 s28, $0x1;
	[dreg:$0x2] =	wrdreg s4  }
0xaa: {  	[dreg:$0x3] =	wrdreg s6  }
0xab: {  	[dreg:$0x4] =	wrdreg $0xC0  }
0xac: {  	_ =	task [dreg:s8], $0x5FFFF  }
0xad: {  	[dreg:$0x1] =	wrdreg $0xFFFFFFFF  }
0xae: {  	[dreg:$0x0] =	wrdreg $0x60  }
0xaf: {  	[dreg:$0x2] =	wrdreg s24  }
0xb0: {  	[dreg:$0x3] =	wrdreg s2  }
0xb1: {  	[dreg:$0x4] =	wrdreg s18  }
0xb2: {  	[dreg:$0x5] =	wrdreg $0xA1000  }
0xb3: {  	[dreg:$0x6] =	wrdreg $0x9  }
0xb4: {  	_ =	task.clear_ibuf [dreg:s8], $0x7FFFF;
	_ =	strace $0x90000049  }
0xb5: {  	s29 =	simm.s32 $0x9;
	_ =	strace $0x8000004B  }
0xb6: {  	_ =	swait.ge [sflag:s29], $0x1  }
0xb7: {  	[sflag:s29] =	ssyncadd.s32 $0xFFFFFFFF  }
0xb8: {  	_ =	strace $0x9000004B  }
0xb9: {  	_ =	sfence  }
0xba: {  	s30 =	sld [smem:$0x0];
	_ =	sdelay $0x2  }
0xbb: {  	s31 =	sshll.u32 s1, $0xD;
	s1 =	sshrl.u32 s1, $0x2  }
0xbc: {  	s3 =	sand.u32 $0x4000, s31;
	s1 =	sadd.s32 s1, s30  }
0xbd: {  	s0 =	sor.u32 s3, s0;
	s1 =	sshll.u32 s1, $0x11  }
0xbe: {  	s0 =	sor.u32 s1, s0  }
0xbf: {  	s0 =	sadd.s32 $0x8F2B, s0  }
0xc0: {  	[sflag:s0] =	ssyncadd.remote.s32 $0x1  }
0xc1: {  	_ =	sfence.sel $0xFFFF  }
0xc2: {  	[dreg:$0x0] =	wrdreg $0xFFFFFFFF;
	(pc) =	sbr.abs _section_cstart, $3  }
0xc3: {  	[dreg:$0x1] =	wrdreg $0xFFFFFFFF  }
0xc4: {  	_ =	task.clear_ibuf [dreg:s8], $0x2FFFF;
	_ =	strace $0x9FFFFFFF  }
0xc5: {  	(tm) =	ssettm $0x7FFFFFFF  }
tec
execute0_lowered:
.L_overlay_start_1:
0x0: {  	(tag) =	ssettag $0x1  }
0x1: {  	s0 =	rddreg [dreg:$0x0]  }
0x2: {  	s1 =	rddreg [dreg:$0x1]  }
0x3: {  	s5 =	rddreg [dreg:$0x2]  }
0x4: {  	s2 =	rddreg [dreg:$0x3]  }
0x5: {  	s12 =	stileid.u32;
	s4 =	srdreg.scid;
	s3 =	simm.s32 $0x0  }
0x6: {  	s28 =	simm.s32 $0x7900;
	s29 =	simm.s32 $0x7;
	s30 =	simm.s32 $0x1  }
0x7: {  	s31 =	simm.s32 $0x4;
	s6 =	smul.u32 $0x2780, s12;
	s8 =	sand.u32 $0x1, s4  }
0x8: {  	[smem:$0x7FF] =	sst s3;
	s4 =	sadd.s32 $0x2C200, s0;
	s10 =	smul.u32 $0x4F000, s12  }
0x9: {  	s14 =	sshll.u32 s12, $0x1;
	s17 =	sshll.u32 s12, $0x6;
	s12 =	smul.u32 $0x4E20, s12  }
0xa: {  	s7 =	smul.u32 $0x27800, s8;
	_ =	strace $0x8000004A;
	s15 =	ssub.s32 $0x2, s8  }
0xb: {  	s9 =	sadd.s32 s6, s0;
	s11 =	sshrl.u32 s15, $0x1;
	s10 =	sshrl.u32 s10, $0x2  }
0xc: {  	s6 =	sadd.s32 s6, s7;
	s7 =	sor.u32 s8, s14;
	s11 =	ssub.s32 s15, s11  }
0xd: {  	s10 =	sadd.s32 s10, s2;
	s16 =	sadd.s32 $0x4A00, s9;
	s8 =	smul.u32 $0x2710, s8  }
0xe: {  	s9 =	simm.s32 $0x6;
	s0 =	sadd.s32 s6, s0;
	s7 =	smul.u32 $0x2710, s7  }
0xf: {  	[dreg:$0x5] =	wrdreg s16;
	s6 =	sor.u32 $0x1C0A, s17;
	s20 =	smax.u32 s11, $0x1  }
0x10: {  	s0 =	sadd.s32 $0x7BC00, s0;
	[dreg:$0x9] =	wrdreg s20;
	s22 =	sadd.s32 s8, s12  }
0x11: {  	s20 =	simm.s32 $0x2780;
	s18 =	sshrl.u32 s7, $0x3;
	[dreg:$0x8] =	wrdreg s0  }
0x12: {  	s25 =	sadd.s32 $0x230, s22;
	s8 =	sadd.s32 $0x1E0, s22;
	s0 =	sadd.s32 $0x190, s22  }
0x13: {  	s22 =	simm.s32 $0x2900;
	s7 =	sadd.s32 s5, s18;
	s1 =	sadd.s32 s1, s18  }
0x14: {  	s26 =	sshrl.u32 s8, $0x3;
	s0 =	sshrl.u32 s0, $0x3;
	s18 =	sshrl.u32 s10, $0x3  }
0x15: {  	s8 =	simm.s32 $0x3;
	s10 =	simm.s32 $0x0;
	[dreg:$0x6] =	wrdreg s1  }
0x16: {  	s19 =	sadd.s32 $0xA, s7;
	s21 =	sadd.s32 $0x14, s7;
	s23 =	sadd.s32 $0x1E, s7  }
0x17: {  	s24 =	sadd.s32 $0x28, s7;
	s1 =	sshrl.u32 s25, $0x3;
	[dreg:$0x7] =	wrdreg s19  }
0x18: {  	s16 =	sadd.s32 s26, s5;
	s17 =	sadd.s32 s0, s5;
	[dreg:$0xa] =	wrdreg s21  }
0x19: {  	s25 =	simm.s32 $0x2880;
	s26 =	simm.s32 $0x2;
	[dreg:$0xb] =	wrdreg s23  }
0x1a: {  	s0 =	simm.s32 $0x5;
	[dreg:$0xc] =	wrdreg s24;
	s15 =	sadd.s32 s1, s5  }
0x1b: {  	s19 =	simm.s32 $0xA;
	s21 =	simm.s32 $0x50;
	s23 =	simm.s32 $0x2800  }
0x1c: {  	s24 =	simm.s32 $0x5100;
	s1 =	simm.s32 $0x8;
	s5 =	simm.s32 $0x9  }
.LBB2_1:
0x1d: {  	s11 =	rddreg [dreg:$0x5]  }
0x1e: {  	[spmem:s18], [sflag:s6] =	dma.local [hbm:s11], $0x2780  }
0x1f: {  	_ =	swait.ge [sflag:s19], $0x2780  }
0x20: {  	[sflag:s19] =	ssyncset.done $0x0  }
0x21: {  	s13 =	rddreg [dreg:$0x6];
	[sflag:s19] =	ssyncadd.s32 $0xFFFFD880  }
0x22: {  	[tilespmem:s3], [sflag:$0xA] =	stream.linear.gather [hbm4b:s13+s3], $0x2710, $0x38;
	[tilespmem:$0x1DD00] =	vst v63  }
0x23: {  	_ =	swait.ge [sflag:s19], $0x2710  }
0x24: {  	[sflag:s19] =	ssyncset.done $0x0  }
0x25: {  	[sflag:s19] =	ssyncadd.s32 $0xFFFFD8F0  }
0x26: {  	[tilespmem:s20], [sflag:$0x7] =	stream.linear.gather [hbm4b:s7+s3], $0x50, $0x38;
	[tilespmem:$0x1DD00] =	vst v63  }
0x27: {  	_ = 	snop  }
0x28: {  	[tilespmem:s22], [sflag:$0x1] =	stream.indirect.gather [hbm4b:s4+s21], $0x80, s3, s21, $0xb8;
	[tilespmem:$0x1DD00] =	vst v63  }
0x29: {  	s14 =	rddreg [dreg:$0x7]  }
0x2a: {  	[tilespmem:s23], [sflag:$0x8] =	stream.linear.gather [hbm4b:s14+s3], $0x50, $0x38;
	[tilespmem:$0x1DD00] =	vst v63  }
0x2b: {  	_ = 	snop  }
0x2c: {  	[tilespmem:s24], [sflag:$0x2] =	stream.indirect.gather [hbm4b:s4+s21], $0x80, s21, s21, $0xb8;
	[tilespmem:$0x1DD00] =	vst v63  }
0x2d: {  	[bflag:$0x0] =	sbarrier.arrive $0xFFFF  }
0x2e: {  	s12 =	rddreg [dreg:$0xa]  }
0x2f: {  	[tilespmem:s25], [sflag:$0x9] =	stream.linear.gather [hbm4b:s12+s3], $0x50, $0x38;
	[tilespmem:$0x1DD00] =	vst v63  }
0x30: {  	s13 =	simm.s32 $0xA0  }
0x31: {  	[tilespmem:s28], [sflag:$0x3] =	stream.indirect.gather [hbm4b:s4+s21], $0x80, s13, s21, $0xb8;
	[tilespmem:$0x1DD00] =	vst v63  }
0x32: {  	_ =	swait.ge [sflag:s29], $0x50  }
0x33: {  	[sflag:s29] =	ssyncset.done $0x0  }
0x34: {  	[sflag:s29] =	ssyncadd.s32 $0xFFFFFFB0  }
0x35: {  	_ =	swait.ge [sflag:s30], $0x2800  }
0x36: {  	[sflag:s30] =	ssyncset.done $0x0  }
0x37: {  	[sflag:s30] =	ssyncadd.s32 $0xFFFFD800  }
0x38: {  	[spmem:s2] =	stream.indirect.scatter.add.f32 [tilespmem:s22], [sflag:$0x4], $0x80, s20, s21, $0xb8;
	[tilespmem:$0x1DD00] =	vst v63  }
0x39: {  	_ =	swait.ge [sflag:s31], $0x2800  }
0x3a: {  	[sflag:s31] =	ssyncset.done $0x0  }
0x3b: {  	s14 =	rddreg [dreg:$0xb];
	[sflag:s31] =	ssyncadd.s32 $0xFFFFD800  }
0x3c: {  	[tilespmem:s20], [sflag:$0x7] =	stream.linear.gather [hbm4b:s14+s3], $0x50, $0x38;
	[tilespmem:$0x1DD00] =	vst v63  }
0x3d: {  	s12 =	simm.s32 $0xF0  }
0x3e: {  	[tilespmem:s22], [sflag:$0x1] =	stream.indirect.gather [hbm4b:s4+s21], $0x80, s12, s21, $0xb8;
	[tilespmem:$0x1DD00] =	vst v63  }
0x3f: {  	_ =	swait.ge [sflag:s1], $0x50  }
0x40: {  	[sflag:s1] =	ssyncset.done $0x0  }
0x41: {  	[sflag:s1] =	ssyncadd.s32 $0xFFFFFFB0  }
0x42: {  	_ =	swait.ge [sflag:s26], $0x2800  }
0x43: {  	[sflag:s26] =	ssyncset.done $0x0  }
0x44: {  	[sflag:s26] =	ssyncadd.s32 $0xFFFFD800  }
0x45: {  	[spmem:s2] =	stream.indirect.scatter.add.f32 [tilespmem:s24], [sflag:$0x5], $0x80, s23, s21, $0xb8;
	[tilespmem:$0x1DD00] =	vst v63  }
0x46: {  	_ =	swait.ge [sflag:s0], $0x2800  }
0x47: {  	[sflag:s0] =	ssyncset.done $0x0  }
0x48: {  	s13 =	rddreg [dreg:$0xc];
	[sflag:s0] =	ssyncadd.s32 $0xFFFFD800  }
0x49: {  	[tilespmem:s23], [sflag:$0x8] =	stream.linear.gather [hbm4b:s13+s3], $0x50, $0x38;
	[tilespmem:$0x1DD00] =	vst v63  }
0x4a: {  	s14 =	simm.s32 $0x140  }
0x4b: {  	[tilespmem:s24], [sflag:$0x2] =	stream.indirect.gather [hbm4b:s4+s21], $0x80, s14, s21, $0xb8;
	[tilespmem:$0x1DD00] =	vst v63  }
0x4c: {  	_ =	swait.ge [sflag:s5], $0x50  }
0x4d: {  	[sflag:s5] =	ssyncset.done $0x0  }
0x4e: {  	[sflag:s5] =	ssyncadd.s32 $0xFFFFFFB0  }
0x4f: {  	_ =	swait.ge [sflag:s8], $0x2800  }
0x50: {  	[sflag:s8] =	ssyncset.done $0x0  }
0x51: {  	[sflag:s8] =	ssyncadd.s32 $0xFFFFD800  }
0x52: {  	[spmem:s2] =	stream.indirect.scatter.add.f32 [tilespmem:s28], [sflag:$0x6], $0x80, s25, s21, $0xb8;
	[tilespmem:$0x1DD00] =	vst v63  }
0x53: {  	_ =	swait.ge [sflag:s9], $0x2800  }
0x54: {  	[sflag:s9] =	ssyncset.done $0x0  }
0x55: {  	s12 =	sadd.s32 $0x0, s17;
	[sflag:s9] =	ssyncadd.s32 $0xFFFFD800  }
0x56: {  	[tilespmem:s25], [sflag:$0x9] =	stream.linear.gather [hbm4b:s12+s3], $0x50, $0x38;
	[tilespmem:$0x1DD00] =	vst v63  }
0x57: {  	s13 =	simm.s32 $0x190  }
0x58: {  	[tilespmem:s28], [sflag:$0x3] =	stream.indirect.gather [hbm4b:s4+s21], $0x80, s13, s21, $0xb8;
	[tilespmem:$0x1DD00] =	vst v63  }
0x59: {  	_ =	swait.ge [sflag:s29], $0x50  }
0x5a: {  	[sflag:s29] =	ssyncset.done $0x0  }
0x5b: {  	[sflag:s29] =	ssyncadd.s32 $0xFFFFFFB0  }
0x5c: {  	_ =	swait.ge [sflag:s30], $0x2800  }
0x5d: {  	[sflag:s30] =	ssyncset.done $0x0  }
0x5e: {  	[sflag:s30] =	ssyncadd.s32 $0xFFFFD800  }
0x5f: {  	[spmem:s2] =	stream.indirect.scatter.add.f32 [tilespmem:s22], [sflag:$0x4], $0x80, s20, s21, $0xb8;
	[tilespmem:$0x1DD00] =	vst v63  }
0x60: {  	_ =	swait.ge [sflag:s31], $0x2800  }
0x61: {  	[sflag:s31] =	ssyncset.done $0x0  }
0x62: {  	s14 =	sadd.s32 $0x0, s16;
	[sflag:s31] =	ssyncadd.s32 $0xFFFFD800  }
0x63: {  	[tilespmem:s20], [sflag:$0x7] =	stream.linear.gather [hbm4b:s14+s3], $0x50, $0x38;
	[tilespmem:$0x1DD00] =	vst v63  }
0x64: {  	s12 =	simm.s32 $0x1E0  }
0x65: {  	[tilespmem:s22], [sflag:$0x1] =	stream.indirect.gather [hbm4b:s4+s21], $0x80, s12, s21, $0xb8;
	[tilespmem:$0x1DD00] =	vst v63  }
0x66: {  	_ =	swait.ge [sflag:s1], $0x50  }
0x67: {  	[sflag:s1] =	ssyncset.done $0x0  }
0x68: {  	[sflag:s1] =	ssyncadd.s32 $0xFFFFFFB0  }
0x69: {  	_ =	swait.ge [sflag:s26], $0x2800  }
0x6a: {  	[sflag:s26] =	ssyncset.done $0x0  }
0x6b: {  	[sflag:s26] =	ssyncadd.s32 $0xFFFFD800  }
0x6c: {  	[spmem:s2] =	stream.indirect.scatter.add.f32 [tilespmem:s24], [sflag:$0x5], $0x80, s23, s21, $0xb8;
	[tilespmem:$0x1DD00] =	vst v63  }
0x6d: {  	_ =	swait.ge [sflag:s0], $0x2800  }
0x6e: {  	[sflag:s0] =	ssyncset.done $0x0  }
0x6f: {  	s13 =	sadd.s32 $0x0, s15;
	[sflag:s0] =	ssyncadd.s32 $0xFFFFD800  }
0x70: {  	[tilespmem:s23], [sflag:$0x8] =	stream.linear.gather [hbm4b:s13+s3], $0x50, $0x38;
	[tilespmem:$0x1DD00] =	vst v63  }
0x71: {  	s14 =	simm.s32 $0x230  }
0x72: {  	[tilespmem:s24], [sflag:$0x2] =	stream.indirect.gather [hbm4b:s4+s21], $0x80, s14, s21, $0xb8;
	[tilespmem:$0x1DD00] =	vst v63  }
0x73: {  	_ =	swait.ge [sflag:s5], $0x50  }
0x74: {  	[sflag:s5] =	ssyncset.done $0x0  }
0x75: {  	[sflag:s5] =	ssyncadd.s32 $0xFFFFFFB0  }
0x76: {  	_ =	swait.ge [sflag:s8], $0x2800  }
0x77: {  	[sflag:s8] =	ssyncset.done $0x0  }
0x78: {  	s11 =	simm.s32 $0x1E;
	s12 =	simm.s32 $0x320;
	[sflag:s8] =	ssyncadd.s32 $0xFFFFD800  }
.LBB2_2:
0x79: {  	[spmem:s2] =	stream.indirect.scatter.add.f32 [tilespmem:s28], [sflag:$0x6], $0x80, s25, s21, $0xb8;
	[tilespmem:$0x1DD00] =	vst v63  }
0x7a: {  	s13 =	smov.u32 s11  }
0x7b: {  	p0 =	sne.s32 s11, $0x492;
	s11 =	sadd.s32 $0x1E, s11;
	_ =	swait.ge [sflag:s9], $0x2800  }
0x7c: {  	[sflag:s9] =	ssyncset.done $0x0  }
0x7d: {  	s14 =	sadd.s32 s13, s17;
	[sflag:s9] =	ssyncadd.s32 $0xFFFFD800  }
0x7e: {  	[tilespmem:s25], [sflag:$0x9] =	stream.linear.gather [hbm4b:s14+s3], $0x50, $0x38;
	[tilespmem:$0x1DD00] =	vst v63  }
0x7f: {  	s14 =	sadd.s32 $0xFFFFFF60, s12  }
0x80: {  	[tilespmem:s28], [sflag:$0x3] =	stream.indirect.gather [hbm4b:s4+s21], $0x80, s14, s21, $0xb8;
	[tilespmem:$0x1DD00] =	vst v63  }
0x81: {  	_ =	swait.ge [sflag:s29], $0x50  }
0x82: {  	[sflag:s29] =	ssyncset.done $0x0  }
0x83: {  	[sflag:s29] =	ssyncadd.s32 $0xFFFFFFB0  }
0x84: {  	_ =	swait.ge [sflag:s30], $0x2800  }
0x85: {  	[sflag:s30] =	ssyncset.done $0x0  }
0x86: {  	[sflag:s30] =	ssyncadd.s32 $0xFFFFD800  }
0x87: {  	[spmem:s2] =	stream.indirect.scatter.add.f32 [tilespmem:s22], [sflag:$0x4], $0x80, s20, s21, $0xb8;
	[tilespmem:$0x1DD00] =	vst v63  }
0x88: {  	_ =	swait.ge [sflag:s31], $0x2800  }
0x89: {  	[sflag:s31] =	ssyncset.done $0x0  }
0x8a: {  	s14 =	sadd.s32 s13, s16;
	[sflag:s31] =	ssyncadd.s32 $0xFFFFD800  }
0x8b: {  	[tilespmem:s20], [sflag:$0x7] =	stream.linear.gather [hbm4b:s14+s3], $0x50, $0x38;
	[tilespmem:$0x1DD00] =	vst v63  }
0x8c: {  	s14 =	sadd.s32 $0xFFFFFFB0, s12  }
0x8d: {  	[tilespmem:s22], [sflag:$0x1] =	stream.indirect.gather [hbm4b:s4+s21], $0x80, s14, s21, $0xb8;
	[tilespmem:$0x1DD00] =	vst v63  }
0x8e: {  	_ =	swait.ge [sflag:s1], $0x50  }
0x8f: {  	[sflag:s1] =	ssyncset.done $0x0  }
0x90: {  	[sflag:s1] =	ssyncadd.s32 $0xFFFFFFB0  }
0x91: {  	_ =	swait.ge [sflag:s26], $0x2800  }
0x92: {  	[sflag:s26] =	ssyncset.done $0x0  }
0x93: {  	[sflag:s26] =	ssyncadd.s32 $0xFFFFD800  }
0x94: {  	[spmem:s2] =	stream.indirect.scatter.add.f32 [tilespmem:s24], [sflag:$0x5], $0x80, s23, s21, $0xb8;
	[tilespmem:$0x1DD00] =	vst v63  }
0x95: {  	_ =	swait.ge [sflag:s0], $0x2800  }
0x96: {  	[sflag:s0] =	ssyncset.done $0x0  }
0x97: {  	s13 =	sadd.s32 s13, s15;
	[sflag:s0] =	ssyncadd.s32 $0xFFFFD800  }
0x98: {  	[tilespmem:s23], [sflag:$0x8] =	stream.linear.gather [hbm4b:s13+s3], $0x50, $0x38;
	[tilespmem:$0x1DD00] =	vst v63  }
0x99: {  	_ = 	snop  }
0x9a: {  	[tilespmem:s24], [sflag:$0x2] =	stream.indirect.gather [hbm4b:s4+s21], $0x80, s12, s21, $0xb8;
	[tilespmem:$0x1DD00] =	vst v63  }
0x9b: {  	_ =	swait.ge [sflag:s5], $0x50  }
.Ltmp0:
0x9c: {  	[sflag:s5] =	ssyncset.done $0x0;
	(pc) =	sbr.rel @p0 .LBB2_2-.Ltmp0, $4  }
0x9d: {  	[sflag:s5] =	ssyncadd.s32 $0xFFFFFFB0  }
0x9e: {  	_ =	swait.ge [sflag:s8], $0x2800  }
0x9f: {  	[sflag:s8] =	ssyncset.done $0x0  }
0xa0: {  	s12 =	sadd.s32 $0xF0, s12;
	[sflag:s8] =	ssyncadd.s32 $0xFFFFD800  }
0xa1: {  	[spmem:s2] =	stream.indirect.scatter.add.f32 [tilespmem:s28], [sflag:$0x6], $0x80, s25, s21, $0xb8;
	[tilespmem:$0x1DD00] =	vst v63  }
0xa2: {  	_ =	swait.ge [sflag:s29], $0x50  }
0xa3: {  	[sflag:s29] =	ssyncset.done $0x0  }
0xa4: {  	[sflag:s29] =	ssyncadd.s32 $0xFFFFFFB0  }
0xa5: {  	_ =	swait.ge [sflag:s30], $0x2800  }
0xa6: {  	[sflag:s30] =	ssyncset.done $0x0  }
0xa7: {  	[sflag:s30] =	ssyncadd.s32 $0xFFFFD800  }
0xa8: {  	[spmem:s2] =	stream.indirect.scatter.add.f32 [tilespmem:s22], [sflag:$0x4], $0x80, s20, s21, $0xb8;
	[tilespmem:$0x1DD00] =	vst v63  }
0xa9: {  	_ =	swait.ge [sflag:s1], $0x50  }
0xaa: {  	[sflag:s1] =	ssyncset.done $0x0  }
0xab: {  	[sflag:s1] =	ssyncadd.s32 $0xFFFFFFB0  }
0xac: {  	_ =	swait.ge [sflag:s26], $0x2800  }
0xad: {  	[sflag:s26] =	ssyncset.done $0x0  }
0xae: {  	[sflag:s26] =	ssyncadd.s32 $0xFFFFD800  }
0xaf: {  	[spmem:s2] =	stream.indirect.scatter.add.f32 [tilespmem:s24], [sflag:$0x5], $0x80, s23, s21, $0xb8;
	[tilespmem:$0x1DD00] =	vst v63  }
0xb0: {  	_ =	swait.ge [sflag:s9], $0x2800  }
0xb1: {  	[sflag:s9] =	ssyncset.done $0x0  }
0xb2: {  	[sflag:s9] =	ssyncadd.s32 $0xFFFFD800  }
0xb3: {  	_ =	swait.ge [sflag:s31], $0x2800  }
0xb4: {  	[sflag:s31] =	ssyncset.done $0x0  }
0xb5: {  	[sflag:s31] =	ssyncadd.s32 $0xFFFFD800  }
0xb6: {  	_ =	swait.ge [sflag:s0], $0x2800  }
0xb7: {  	[sflag:s0] =	ssyncset.done $0x0  }
0xb8: {  	[sflag:s0] =	ssyncadd.s32 $0xFFFFD800  }
0xb9: {  	[bflag:$0x0] =	sbarrier.arrive $0xFFFF  }
0xba: {  	s11 =	rddreg [dreg:$0x8]  }
0xbb: {  	[hbm:s11], [sflag:s6] =	dma.local [spmem:s18], $0x2780  }
0xbc: {  	_ =	swait.ge [sflag:s19], $0x2780  }
0xbd: {  	s10 =	sadd.s32 $0x1, s10;
	s14 =	rddreg [dreg:$0x9]  }
0xbe: {  	p0 =	sne.s32 s10, s14  }
.Ltmp1:
0xbf: {  	_ = 	snop;
	(pc) =	sbr.rel @p0 .LBB2_1-.Ltmp1, $3  }
0xc0: {  	_ =	sdelay $0x1  }
0xc1: {  	[sflag:s19] =	ssyncset.done $0x0  }
0xc2: {  	[sflag:s19] =	ssyncadd.s32 $0xFFFFD880  }
0xc3: {  	_ =	sfence.sel $0x180000  }
0xc4: {  	[bflag:$0x0] =	sbarrier.arrive $0xFFFF  }
0xc5: {  	_ =	strace $0x9000004A  }
0xc6: {  	s0 =	stileid.u32;
	[bflag:$0x2] =	sbarrier.arrive $0xFFFF  }
0xc7: {  	p0 =	sne.s32 s0, $0x0;
	s0 =	rddreg [dreg:$0x4]  }
0xc8: {  	s0 =	sadd.s32 @!p0 $0x100000, s0  }
0xc9: {  	[sflag:s0] =	ssyncadd.tile.s32 @!p0 $0x1;
	_ =	shalt  }
.Lfunc_end2:
_tile_overlayer_lowered:
.L_overlay_start_2:
0xca: {  	(tag) =	ssettag $0x2  }
0xcb: {  	s0 =	rddreg [dreg:$0x0];
	s2 =	stileid.u32  }
0xcc: {  	s1 =	rddreg [dreg:$0x1];
	p0 =	sne.s32 s2, $0x0  }
0xcd: {  	s3 =	rddreg [dreg:$0x2];
	[bflag:$0x3] =	sbarrier.arrive $0xFFFF;
	s2 =	simm.s32 @!p0 $0x1C0A  }
0xce: {  	[timem:s3], [sflag:s2] =	dma.local @!p0 [hbm:s0], s1  }
0xcf: {  	s0 =	simm.s32 @!p0 $0xA  }
0xd0: {  	_ =	swait.ge @!p0 [sflag:s0], s1  }
0xd1: {  	s1 =	ssub.s32 @!p0 $0x0, s1;
	[sflag:s0] =	ssyncset.done @!p0 $0x0  }
0xd2: {  	[sflag:s0] =	ssyncadd.s32 @!p0 s1  }
0xd3: {  	[bflag:$0x3] =	sbarrier.arrive $0xFFFF  }
0xd4: {  	_ =	shalt  }

// kernel: kernel.14.cloned.1.call-start
scs
__scs_entry_jumppad:
0x0: {  	(pc) =	sbr.rel $0x88, $3  }
0x1: {  	(tag) =	ssettag $0x0;
	lr =	simm.s32 $0x1  }
0x2: {  	[smem:$0x3F91] =	sst lr;
	_ =	strace $0xD0000000  }
0x3: {  	_ = 	snop  }
0x4: {  	_ = 	snop  }
0x5: {  	_ = 	snop  }
0x6: {  	_ = 	snop  }
0x7: {  	_ = 	snop  }
__scs_overlays_trampoline_lowered:
0x8: {  	[smem:$0x3FA0] =	sst s0  }
0x9: {  	[smem:$0x3FA1] =	sst s1  }
0xa: {  	[smem:$0x3FA2] =	sst s2  }
0xb: {  	[smem:$0x3FA3] =	sst s3  }
0xc: {  	[smem:$0x3FA4] =	sst s4  }
0xd: {  	[smem:$0x3FA5] =	sst s5  }
0xe: {  	[smem:$0x3FA6] =	sst s6  }
0xf: {  	[smem:$0x3FA7] =	sst s7  }
0x10: {  	[smem:$0x3FA8] =	sst s8  }
0x11: {  	[smem:$0x3FA9] =	sst s9;
	s0 =	simm.s32 @!p0 $0x0  }
0x12: {  	s1 =	sld [smem:$0x3F8F];
	s0 =	simm.s32 @p0 $0x1  }
0x13: {  	[smem:$0x3FAA] =	sst s0;
	s0 =	simm.s32 @!p1 $0x0  }
0x14: {  	s2 =	sld [smem:$0x3F8E];
	s0 =	simm.s32 @p1 $0x1  }
0x15: {  	[smem:$0x3FAB] =	sst s0;
	s0 =	simm.s32 @!p2 $0x0  }
0x16: {  	s3 =	sld [smem:$0x3FDB];
	s0 =	simm.s32 @p2 $0x1  }
0x17: {  	s4 =	simm.s32 $0x1BF5;
	[smem:$0x3FAD] =	sst s0  }
0x18: {  	s0 =	sld [smem:$0x3F90];
	_ =	swait.ge [sflag:s4], $0x0  }
0x19: {  	s7 =	sld [smem:$0x3F91]  }
0x1a: {  	s8 =	sadd.s32 $0xFFFFE003, lr  }
0x1b: {  	s9 =	sadd.s32 $0xFFFFFEF7, lr;
	s5 =	simm.s32 $0xFFFFFFFF;
	p2 =	slt.u32 s8, $0xFFFFF086  }
0x1c: {  	p1 =	slt.u32 s9, $0xF7A;
	s5 =	simm.s32 @!p2 $0x0  }
0x1d: {  	s5 =	simm.s32 @p1 $0x1;
	p0 =	seq.s32 s7, s2  }
0x1e: {  	s7 =	smul.u32 @!p0 $0xF7A, s2;
	p2 =	seq.s32 @!p0 s5, $0x0  }
0x1f: {  	s9 =	smul.u32 $0xF7A, s1;
	s8 =	simm.s32 @!p0 $0x1BF5;
	p2 =	por !p2, p0  }
0x20: {  	[sflag:s8] =	ssyncset.s32 @!p0 $0xFFFFF086;
	s6 =	sadd.s32 @!p0 s3, s7;
	s7 =	simm.s32 @!p0 $0x108  }
0x21: {  	s3 =	sadd.s32 s3, s9;
	s6 =	sadd.s32 @!p0 $0x88, s6;
	s7 =	simm.s32 @p2 $0x1082  }
0x22: {  	[simem:s7], [sflag:s8] =	dma.local @!p0 [hbm:s6], $0xF7A  }
0x23: {  	s9 =	sor.u32 $0xD0000000, s2;
	s6 =	simm.s32 $0x108;
	_ =	swait.ge @!p0 [sflag:s8], $0x0  }
0x24: {  	s3 =	sadd.s32 $0x88, s3;
	s6 =	simm.s32 @!p1 $0x1082;
	[sflag:s4] =	ssyncset.s32 $0xFFFFF086  }
0x25: {  	[simem:s6], [sflag:s4] =	dma.local [hbm:s3], $0xF7A  }
0x26: {  	[smem:$0x3F91] =	sst s1;
	(tag) =	ssettag s2;
	_ =	strace s9  }
0x27: {  	s1 =	sld [smem:$0x3FA1]  }
0x28: {  	s2 =	sld [smem:$0x3FA2]  }
0x29: {  	s4 =	sld [smem:$0x3FA4]  }
0x2a: {  	p0 =	seq.s32 s5, $0x0;
	s5 =	sld [smem:$0x3FA5]  }
0x2b: {  	s6 =	sld [smem:$0x3FA6]  }
0x2c: {  	s7 =	sld [smem:$0x3FA7]  }
0x2d: {  	s3 =	simm.s32 $0x108;
	s8 =	sld [smem:$0x3FA8]  }
0x2e: {  	s3 =	simm.s32 @!p0 $0x1082;
	s9 =	sld [smem:$0x3FA9]  }
0x2f: {  	lr =	sadd.s32 s0, s3;
	s0 =	sld [smem:$0x3FA0]  }
0x30: {  	s3 =	sld [smem:$0x3FA3]  }
0x31: {  	[smem:$0x3FAC] =	sst s10  }
0x32: {  	s10 =	sld [smem:$0x3FAA];
	_ =	sdelay $0x3  }
0x33: {  	p0 =	seq.s32 s10, $0x1;
	s10 =	sld [smem:$0x3FAC];
	_ =	sdelay $0x3  }
0x34: {  	[smem:$0x3FAC] =	sst s10  }
0x35: {  	s10 =	sld [smem:$0x3FAB];
	_ =	sdelay $0x3  }
0x36: {  	p1 =	seq.s32 s10, $0x1;
	s10 =	sld [smem:$0x3FAC];
	_ =	sdelay $0x3  }
0x37: {  	[smem:$0x3FAC] =	sst s10  }
0x38: {  	s10 =	sld [smem:$0x3FAD]  }
0x39: {  	_ = 	snop;
	(pc) =	sbr.ind lr, $3  }
0x3a: {  	_ = 	snop  }
0x3b: {  	_ = 	snop  }
0x3c: {  	p2 =	seq.s32 s10, $0x1;
	s10 =	sld [smem:$0x3FAC]  }
0x3d: {  	_ =	shalt  }
0x3e: {  	_ =	shalt  }
0x3f: {  	_ =	shalt  }
0x40: {  	_ =	shalt  }
0x41: {  	_ =	shalt  }
0x42: {  	_ =	shalt  }
0x43: {  	_ =	shalt  }
0x44: {  	_ =	shalt  }
0x45: {  	_ =	shalt  }
0x46: {  	_ =	shalt  }
0x47: {  	_ =	shalt  }
0x48: {  	_ =	shalt  }
0x49: {  	_ =	shalt  }
0x4a: {  	_ =	shalt  }
0x4b: {  	_ =	shalt  }
0x4c: {  	_ =	shalt  }
0x4d: {  	_ =	shalt  }
0x4e: {  	_ =	shalt  }
0x4f: {  	_ =	shalt  }
0x50: {  	_ =	shalt  }
0x51: {  	_ =	shalt  }
0x52: {  	_ =	shalt  }
0x53: {  	_ =	shalt  }
0x54: {  	_ =	shalt  }
0x55: {  	_ =	shalt  }
0x56: {  	_ =	shalt  }
0x57: {  	_ =	shalt  }
0x58: {  	_ =	shalt  }
0x59: {  	_ =	shalt  }
0x5a: {  	_ =	shalt  }
0x5b: {  	_ =	shalt  }
0x5c: {  	_ =	shalt  }
0x5d: {  	_ =	shalt  }
0x5e: {  	_ =	shalt  }
0x5f: {  	_ =	shalt  }
0x60: {  	_ =	shalt  }
0x61: {  	_ =	shalt  }
0x62: {  	_ =	shalt  }
0x63: {  	_ =	shalt  }
0x64: {  	_ =	shalt  }
0x65: {  	_ =	shalt  }
0x66: {  	_ =	shalt  }
0x67: {  	_ =	shalt  }
0x68: {  	_ =	shalt  }
0x69: {  	_ =	shalt  }
0x6a: {  	_ =	shalt  }
0x6b: {  	_ =	shalt  }
0x6c: {  	_ =	shalt  }
0x6d: {  	_ =	shalt  }
0x6e: {  	_ =	shalt  }
0x6f: {  	_ =	shalt  }
0x70: {  	_ =	shalt  }
0x71: {  	_ =	shalt  }
0x72: {  	_ =	shalt  }
0x73: {  	_ =	shalt  }
0x74: {  	_ =	shalt  }
0x75: {  	_ =	shalt  }
0x76: {  	_ =	shalt  }
0x77: {  	_ =	shalt  }
0x78: {  	_ =	shalt  }
0x79: {  	_ =	shalt  }
0x7a: {  	_ =	shalt  }
0x7b: {  	_ =	shalt  }
0x7c: {  	_ =	shalt  }
0x7d: {  	_ =	shalt  }
0x7e: {  	_ =	shalt  }
0x7f: {  	_ =	shalt  }
0x80: {  	_ =	shalt  }
0x81: {  	_ =	shalt  }
0x82: {  	_ =	shalt  }
0x83: {  	_ =	shalt  }
0x84: {  	_ =	shalt  }
0x85: {  	_ =	shalt  }
0x86: {  	_ =	shalt  }
0x87: {  	_ =	shalt  }
.Lfunc_end0:
.L_simem_size_0:
called_computation.2_lowered:
.L_overlay_start_0:
0x88: {  	s2 =	sld [smem:$0x3FD9]  }
0x89: {  	s3 =	sld [smem:$0x3FFE];
	_ =	sdelay $0x1  }
0x8a: {  	s1 =	srdreg.scid  }
0x8b: {  	s0 =	sand.u32 $0x1, s1  }
0x8c: {  	s17 =	sshll.u32 s0, $0xA;
	s2 =	sadd.s32 s3, s2  }
0x8d: {  	s2 =	sadd.s32 s2, s17  }
0x8e: {  	[smem:$0x3FB8] =	sst s2  }
0x8f: {  	_ = 	snop  }
0x90: {  	s2 =	sld [smem:$0x3FC8]  }
0x91: {  	s18 =	sld [smem:$0x3FC7];
	(tm) =	ssettm $0x1  }
0x92: {  	s4 =	sld [smem:$0x3FFB];
	_ =	sdelay $0x3  }
0x93: {  	_ =	strace s4  }
0x94: {  	s4 =	sld [smem:$0x3FFC];
	_ =	sdelay $0x3  }
0x95: {  	_ =	strace s4  }
0x96: {  	s4 =	sld [smem:$0x3FFD];
	_ =	sdelay $0x3  }
0x97: {  	_ =	strace s4  }
0x98: {  	_ =	strace $0x8FFFFFFF  }
0x99: {  	s19 =	sld [smem:$0x3FDB];
	_ =	sdelay $0x1  }
0x9a: {  	s5 =	simm.s32 $_scs_section_size  }
0x9b: {  	s6 =	simm.s32 $_size__tile_overlayer_lowered;
	s7 =	simm.s32 $_tile_overlayer_lowered  }
0x9c: {  	s22 =	simm.s32 $0x1BFF;
	s21 =	sshll.u32 s7, $0x1;
	s4 =	sadd.s32 s5, s19  }
0x9d: {  	s8 =	simm.s32 $0x0;
	s20 =	sshll.u32 s6, $0x1;
	s6 =	sadd.s32 s21, s4  }
0x9e: {  	[timem:s8], [sflag:s22] =	dma.local [hbm:s6], s20  }
0x9f: {  	_ =	swait.ge [sflag:s22], s20  }
0xa0: {  	s5 =	ssub.s32 $0x0, s20;
	[sflag:s22] =	ssyncset.done $0x0  }
0xa1: {  	[sflag:s22] =	ssyncadd.s32 s5;
	_ =	sdelay $0x1  }
0xa2: {  	s23 =	simm.s32 $0x1B8B  }
0xa3: {  	_ =	swait.ge [sflag:s23], $0x1  }
0xa4: {  	[sflag:s23] =	ssyncset.done $0x0  }
0xa5: {  	s25 =	simm.s32 $0x1B8E;
	s24 =	sld [smem:$0x3FFE];
	[sflag:s23] =	ssyncadd.s32 $0xFFFFFFFF  }
0xa6: {  	s26 =	simm.s32 $execute0_lowered;
	[smem:$0x3FD2] =	sst s25  }
0xa7: {  	s6 =	sshll.u32 s26, $0x1;
	_ =	strace $0x8000004C;
	[dreg:$0x1] =	wrdreg $0xFFFFFFFF  }
0xa8: {  	s28 =	simm.s32 $_size_execute0_lowered;
	s4 =	sadd.s32 s4, s6;
	[dreg:$0x0] =	wrdreg $0x0  }
0xa9: {  	s6 =	sshll.u32 s28, $0x1;
	[dreg:$0x2] =	wrdreg s4  }
0xaa: {  	[dreg:$0x3] =	wrdreg s6  }
0xab: {  	[dreg:$0x4] =	wrdreg $0xC0  }
0xac: {  	_ =	task [dreg:s8], $0x5FFFF  }
0xad: {  	[dreg:$0x1] =	wrdreg $0xFFFFFFFF  }
0xae: {  	[dreg:$0x0] =	wrdreg $0x60  }
0xaf: {  	[dreg:$0x2] =	wrdreg s24  }
0xb0: {  	[dreg:$0x3] =	wrdreg s2  }
0xb1: {  	[dreg:$0x4] =	wrdreg s18  }
0xb2: {  	[dreg:$0x5] =	wrdreg $0xA1000  }
0xb3: {  	[dreg:$0x6] =	wrdreg $0x9  }
0xb4: {  	_ =	task.clear_ibuf [dreg:s8], $0x7FFFF;
	_ =	strace $0x9000004C  }
0xb5: {  	s29 =	simm.s32 $0x9;
	_ =	strace $0x8000004E  }
0xb6: {  	_ =	swait.ge [sflag:s29], $0x1  }
0xb7: {  	[sflag:s29] =	ssyncadd.s32 $0xFFFFFFFF  }
0xb8: {  	_ =	strace $0x9000004E  }
0xb9: {  	_ =	sfence  }
0xba: {  	s30 =	sld [smem:$0x0];
	_ =	sdelay $0x2  }
0xbb: {  	s31 =	sshll.u32 s1, $0xD;
	s1 =	sshrl.u32 s1, $0x2  }
0xbc: {  	s3 =	sand.u32 $0x4000, s31;
	s1 =	sadd.s32 s1, s30  }
0xbd: {  	s0 =	sor.u32 s3, s0;
	s1 =	sshll.u32 s1, $0x11  }
0xbe: {  	s0 =	sor.u32 s1, s0  }
0xbf: {  	s0 =	sadd.s32 $0x8F2B, s0  }
0xc0: {  	[sflag:s0] =	ssyncadd.remote.s32 $0x1  }
0xc1: {  	_ =	sfence.sel $0xFFFF  }
0xc2: {  	[dreg:$0x0] =	wrdreg $0xFFFFFFFF;
	(pc) =	sbr.abs _section_cstart, $3  }
0xc3: {  	[dreg:$0x1] =	wrdreg $0xFFFFFFFF  }
0xc4: {  	_ =	task.clear_ibuf [dreg:s8], $0x2FFFF;
	_ =	strace $0x9FFFFFFF  }
0xc5: {  	(tm) =	ssettm $0x7FFFFFFF  }
tec
execute0_lowered:
.L_overlay_start_1:
0x0: {  	(tag) =	ssettag $0x1  }
0x1: {  	s0 =	rddreg [dreg:$0x0]  }
0x2: {  	s1 =	rddreg [dreg:$0x1]  }
0x3: {  	s5 =	rddreg [dreg:$0x2]  }
0x4: {  	s2 =	rddreg [dreg:$0x3]  }
0x5: {  	s12 =	stileid.u32;
	s4 =	srdreg.scid;
	s3 =	simm.s32 $0x0  }
0x6: {  	s28 =	simm.s32 $0x7900;
	s29 =	simm.s32 $0x7;
	s30 =	simm.s32 $0x1  }
0x7: {  	s31 =	simm.s32 $0x4;
	s6 =	smul.u32 $0x2780, s12;
	s8 =	sand.u32 $0x1, s4  }
0x8: {  	[smem:$0x7FF] =	sst s3;
	s4 =	sadd.s32 $0x2C200, s0;
	s10 =	smul.u32 $0x4F000, s12  }
0x9: {  	s14 =	sshll.u32 s12, $0x1;
	s17 =	sshll.u32 s12, $0x6;
	s12 =	smul.u32 $0x4E20, s12  }
0xa: {  	s7 =	smul.u32 $0x27800, s8;
	_ =	strace $0x8000004D;
	s15 =	ssub.s32 $0x2, s8  }
0xb: {  	s9 =	sadd.s32 s6, s0;
	s11 =	sshrl.u32 s15, $0x1;
	s10 =	sshrl.u32 s10, $0x2  }
0xc: {  	s6 =	sadd.s32 s6, s7;
	s7 =	sor.u32 s8, s14;
	s11 =	ssub.s32 s15, s11  }
0xd: {  	s10 =	sadd.s32 s10, s2;
	s16 =	sadd.s32 $0x4A00, s9;
	s8 =	smul.u32 $0x2710, s8  }
0xe: {  	s9 =	simm.s32 $0x6;
	s0 =	sadd.s32 s6, s0;
	s7 =	smul.u32 $0x2710, s7  }
0xf: {  	[dreg:$0x5] =	wrdreg s16;
	s6 =	sor.u32 $0x1C0A, s17;
	s20 =	smax.u32 s11, $0x1  }
0x10: {  	s0 =	sadd.s32 $0x53400, s0;
	[dreg:$0x9] =	wrdreg s20;
	s22 =	sadd.s32 s8, s12  }
0x11: {  	s20 =	simm.s32 $0x2780;
	s18 =	sshrl.u32 s7, $0x3;
	[dreg:$0x8] =	wrdreg s0  }
0x12: {  	s25 =	sadd.s32 $0x230, s22;
	s8 =	sadd.s32 $0x1E0, s22;
	s0 =	sadd.s32 $0x190, s22  }
0x13: {  	s22 =	simm.s32 $0x2900;
	s7 =	sadd.s32 s5, s18;
	s1 =	sadd.s32 s1, s18  }
0x14: {  	s26 =	sshrl.u32 s8, $0x3;
	s0 =	sshrl.u32 s0, $0x3;
	s18 =	sshrl.u32 s10, $0x3  }
0x15: {  	s8 =	simm.s32 $0x3;
	s10 =	simm.s32 $0x0;
	[dreg:$0x6] =	wrdreg s1  }
0x16: {  	s19 =	sadd.s32 $0xA, s7;
	s21 =	sadd.s32 $0x14, s7;
	s23 =	sadd.s32 $0x1E, s7  }
0x17: {  	s24 =	sadd.s32 $0x28, s7;
	s1 =	sshrl.u32 s25, $0x3;
	[dreg:$0x7] =	wrdreg s19  }
0x18: {  	s16 =	sadd.s32 s26, s5;
	s17 =	sadd.s32 s0, s5;
	[dreg:$0xa] =	wrdreg s21  }
0x19: {  	s25 =	simm.s32 $0x2880;
	s26 =	simm.s32 $0x2;
	[dreg:$0xb] =	wrdreg s23  }
0x1a: {  	s0 =	simm.s32 $0x5;
	[dreg:$0xc] =	wrdreg s24;
	s15 =	sadd.s32 s1, s5  }
0x1b: {  	s19 =	simm.s32 $0xA;
	s21 =	simm.s32 $0x50;
	s23 =	simm.s32 $0x2800  }
0x1c: {  	s24 =	simm.s32 $0x5100;
	s1 =	simm.s32 $0x8;
	s5 =	simm.s32 $0x9  }
.LBB2_1:
0x1d: {  	s11 =	rddreg [dreg:$0x5]  }
0x1e: {  	[spmem:s18], [sflag:s6] =	dma.local [hbm:s11], $0x2780  }
0x1f: {  	_ =	swait.ge [sflag:s19], $0x2780  }
0x20: {  	[sflag:s19] =	ssyncset.done $0x0  }
0x21: {  	s13 =	rddreg [dreg:$0x6];
	[sflag:s19] =	ssyncadd.s32 $0xFFFFD880  }
0x22: {  	[tilespmem:s3], [sflag:$0xA] =	stream.linear.gather [hbm4b:s13+s3], $0x2710, $0x38;
	[tilespmem:$0x1DD00] =	vst v63  }
0x23: {  	_ =	swait.ge [sflag:s19], $0x2710  }
0x24: {  	[sflag:s19] =	ssyncset.done $0x0  }
0x25: {  	[sflag:s19] =	ssyncadd.s32 $0xFFFFD8F0  }
0x26: {  	[tilespmem:s20], [sflag:$0x7] =	stream.linear.gather [hbm4b:s7+s3], $0x50, $0x38;
	[tilespmem:$0x1DD00] =	vst v63  }
0x27: {  	_ = 	snop  }
0x28: {  	[tilespmem:s22], [sflag:$0x1] =	stream.indirect.gather [hbm4b:s4+s21], $0x80, s3, s21, $0xb8;
	[tilespmem:$0x1DD00] =	vst v63  }
0x29: {  	s14 =	rddreg [dreg:$0x7]  }
0x2a: {  	[tilespmem:s23], [sflag:$0x8] =	stream.linear.gather [hbm4b:s14+s3], $0x50, $0x38;
	[tilespmem:$0x1DD00] =	vst v63  }
0x2b: {  	_ = 	snop  }
0x2c: {  	[tilespmem:s24], [sflag:$0x2] =	stream.indirect.gather [hbm4b:s4+s21], $0x80, s21, s21, $0xb8;
	[tilespmem:$0x1DD00] =	vst v63  }
0x2d: {  	[bflag:$0x0] =	sbarrier.arrive $0xFFFF  }
0x2e: {  	s12 =	rddreg [dreg:$0xa]  }
0x2f: {  	[tilespmem:s25], [sflag:$0x9] =	stream.linear.gather [hbm4b:s12+s3], $0x50, $0x38;
	[tilespmem:$0x1DD00] =	vst v63  }
0x30: {  	s13 =	simm.s32 $0xA0  }
0x31: {  	[tilespmem:s28], [sflag:$0x3] =	stream.indirect.gather [hbm4b:s4+s21], $0x80, s13, s21, $0xb8;
	[tilespmem:$0x1DD00] =	vst v63  }
0x32: {  	_ =	swait.ge [sflag:s29], $0x50  }
0x33: {  	[sflag:s29] =	ssyncset.done $0x0  }
0x34: {  	[sflag:s29] =	ssyncadd.s32 $0xFFFFFFB0  }
0x35: {  	_ =	swait.ge [sflag:s30], $0x2800  }
0x36: {  	[sflag:s30] =	ssyncset.done $0x0  }
0x37: {  	[sflag:s30] =	ssyncadd.s32 $0xFFFFD800  }
0x38: {  	[spmem:s2] =	stream.indirect.scatter.add.f32 [tilespmem:s22], [sflag:$0x4], $0x80, s20, s21, $0xb8;
	[tilespmem:$0x1DD00] =	vst v63  }
0x39: {  	_ =	swait.ge [sflag:s31], $0x2800  }
0x3a: {  	[sflag:s31] =	ssyncset.done $0x0  }
0x3b: {  	s14 =	rddreg [dreg:$0xb];
	[sflag:s31] =	ssyncadd.s32 $0xFFFFD800  }
0x3c: {  	[tilespmem:s20], [sflag:$0x7] =	stream.linear.gather [hbm4b:s14+s3], $0x50, $0x38;
	[tilespmem:$0x1DD00] =	vst v63  }
0x3d: {  	s12 =	simm.s32 $0xF0  }
0x3e: {  	[tilespmem:s22], [sflag:$0x1] =	stream.indirect.gather [hbm4b:s4+s21], $0x80, s12, s21, $0xb8;
	[tilespmem:$0x1DD00] =	vst v63  }
0x3f: {  	_ =	swait.ge [sflag:s1], $0x50  }
0x40: {  	[sflag:s1] =	ssyncset.done $0x0  }
0x41: {  	[sflag:s1] =	ssyncadd.s32 $0xFFFFFFB0  }
0x42: {  	_ =	swait.ge [sflag:s26], $0x2800  }
0x43: {  	[sflag:s26] =	ssyncset.done $0x0  }
0x44: {  	[sflag:s26] =	ssyncadd.s32 $0xFFFFD800  }
0x45: {  	[spmem:s2] =	stream.indirect.scatter.add.f32 [tilespmem:s24], [sflag:$0x5], $0x80, s23, s21, $0xb8;
	[tilespmem:$0x1DD00] =	vst v63  }
0x46: {  	_ =	swait.ge [sflag:s0], $0x2800  }
0x47: {  	[sflag:s0] =	ssyncset.done $0x0  }
0x48: {  	s13 =	rddreg [dreg:$0xc];
	[sflag:s0] =	ssyncadd.s32 $0xFFFFD800  }
0x49: {  	[tilespmem:s23], [sflag:$0x8] =	stream.linear.gather [hbm4b:s13+s3], $0x50, $0x38;
	[tilespmem:$0x1DD00] =	vst v63  }
0x4a: {  	s14 =	simm.s32 $0x140  }
0x4b: {  	[tilespmem:s24], [sflag:$0x2] =	stream.indirect.gather [hbm4b:s4+s21], $0x80, s14, s21, $0xb8;
	[tilespmem:$0x1DD00] =	vst v63  }
0x4c: {  	_ =	swait.ge [sflag:s5], $0x50  }
0x4d: {  	[sflag:s5] =	ssyncset.done $0x0  }
0x4e: {  	[sflag:s5] =	ssyncadd.s32 $0xFFFFFFB0  }
0x4f: {  	_ =	swait.ge [sflag:s8], $0x2800  }
0x50: {  	[sflag:s8] =	ssyncset.done $0x0  }
0x51: {  	[sflag:s8] =	ssyncadd.s32 $0xFFFFD800  }
0x52: {  	[spmem:s2] =	stream.indirect.scatter.add.f32 [tilespmem:s28], [sflag:$0x6], $0x80, s25, s21, $0xb8;
	[tilespmem:$0x1DD00] =	vst v63  }
0x53: {  	_ =	swait.ge [sflag:s9], $0x2800  }
0x54: {  	[sflag:s9] =	ssyncset.done $0x0  }
0x55: {  	s12 =	sadd.s32 $0x0, s17;
	[sflag:s9] =	ssyncadd.s32 $0xFFFFD800  }
0x56: {  	[tilespmem:s25], [sflag:$0x9] =	stream.linear.gather [hbm4b:s12+s3], $0x50, $0x38;
	[tilespmem:$0x1DD00] =	vst v63  }
0x57: {  	s13 =	simm.s32 $0x190  }
0x58: {  	[tilespmem:s28], [sflag:$0x3] =	stream.indirect.gather [hbm4b:s4+s21], $0x80, s13, s21, $0xb8;
	[tilespmem:$0x1DD00] =	vst v63  }
0x59: {  	_ =	swait.ge [sflag:s29], $0x50  }
0x5a: {  	[sflag:s29] =	ssyncset.done $0x0  }
0x5b: {  	[sflag:s29] =	ssyncadd.s32 $0xFFFFFFB0  }
0x5c: {  	_ =	swait.ge [sflag:s30], $0x2800  }
0x5d: {  	[sflag:s30] =	ssyncset.done $0x0  }
0x5e: {  	[sflag:s30] =	ssyncadd.s32 $0xFFFFD800  }
0x5f: {  	[spmem:s2] =	stream.indirect.scatter.add.f32 [tilespmem:s22], [sflag:$0x4], $0x80, s20, s21, $0xb8;
	[tilespmem:$0x1DD00] =	vst v63  }
0x60: {  	_ =	swait.ge [sflag:s31], $0x2800  }
0x61: {  	[sflag:s31] =	ssyncset.done $0x0  }
0x62: {  	s14 =	sadd.s32 $0x0, s16;
	[sflag:s31] =	ssyncadd.s32 $0xFFFFD800  }
0x63: {  	[tilespmem:s20], [sflag:$0x7] =	stream.linear.gather [hbm4b:s14+s3], $0x50, $0x38;
	[tilespmem:$0x1DD00] =	vst v63  }
0x64: {  	s12 =	simm.s32 $0x1E0  }
0x65: {  	[tilespmem:s22], [sflag:$0x1] =	stream.indirect.gather [hbm4b:s4+s21], $0x80, s12, s21, $0xb8;
	[tilespmem:$0x1DD00] =	vst v63  }
0x66: {  	_ =	swait.ge [sflag:s1], $0x50  }
0x67: {  	[sflag:s1] =	ssyncset.done $0x0  }
0x68: {  	[sflag:s1] =	ssyncadd.s32 $0xFFFFFFB0  }
0x69: {  	_ =	swait.ge [sflag:s26], $0x2800  }
0x6a: {  	[sflag:s26] =	ssyncset.done $0x0  }
0x6b: {  	[sflag:s26] =	ssyncadd.s32 $0xFFFFD800  }
0x6c: {  	[spmem:s2] =	stream.indirect.scatter.add.f32 [tilespmem:s24], [sflag:$0x5], $0x80, s23, s21, $0xb8;
	[tilespmem:$0x1DD00] =	vst v63  }
0x6d: {  	_ =	swait.ge [sflag:s0], $0x2800  }
0x6e: {  	[sflag:s0] =	ssyncset.done $0x0  }
0x6f: {  	s13 =	sadd.s32 $0x0, s15;
	[sflag:s0] =	ssyncadd.s32 $0xFFFFD800  }
0x70: {  	[tilespmem:s23], [sflag:$0x8] =	stream.linear.gather [hbm4b:s13+s3], $0x50, $0x38;
	[tilespmem:$0x1DD00] =	vst v63  }
0x71: {  	s14 =	simm.s32 $0x230  }
0x72: {  	[tilespmem:s24], [sflag:$0x2] =	stream.indirect.gather [hbm4b:s4+s21], $0x80, s14, s21, $0xb8;
	[tilespmem:$0x1DD00] =	vst v63  }
0x73: {  	_ =	swait.ge [sflag:s5], $0x50  }
0x74: {  	[sflag:s5] =	ssyncset.done $0x0  }
0x75: {  	[sflag:s5] =	ssyncadd.s32 $0xFFFFFFB0  }
0x76: {  	_ =	swait.ge [sflag:s8], $0x2800  }
0x77: {  	[sflag:s8] =	ssyncset.done $0x0  }
0x78: {  	s11 =	simm.s32 $0x1E;
	s12 =	simm.s32 $0x320;
	[sflag:s8] =	ssyncadd.s32 $0xFFFFD800  }
.LBB2_2:
0x79: {  	[spmem:s2] =	stream.indirect.scatter.add.f32 [tilespmem:s28], [sflag:$0x6], $0x80, s25, s21, $0xb8;
	[tilespmem:$0x1DD00] =	vst v63  }
0x7a: {  	s13 =	smov.u32 s11  }
0x7b: {  	p0 =	sne.s32 s11, $0x492;
	s11 =	sadd.s32 $0x1E, s11;
	_ =	swait.ge [sflag:s9], $0x2800  }
0x7c: {  	[sflag:s9] =	ssyncset.done $0x0  }
0x7d: {  	s14 =	sadd.s32 s13, s17;
	[sflag:s9] =	ssyncadd.s32 $0xFFFFD800  }
0x7e: {  	[tilespmem:s25], [sflag:$0x9] =	stream.linear.gather [hbm4b:s14+s3], $0x50, $0x38;
	[tilespmem:$0x1DD00] =	vst v63  }
0x7f: {  	s14 =	sadd.s32 $0xFFFFFF60, s12  }
0x80: {  	[tilespmem:s28], [sflag:$0x3] =	stream.indirect.gather [hbm4b:s4+s21], $0x80, s14, s21, $0xb8;
	[tilespmem:$0x1DD00] =	vst v63  }
0x81: {  	_ =	swait.ge [sflag:s29], $0x50  }
0x82: {  	[sflag:s29] =	ssyncset.done $0x0  }
0x83: {  	[sflag:s29] =	ssyncadd.s32 $0xFFFFFFB0  }
0x84: {  	_ =	swait.ge [sflag:s30], $0x2800  }
0x85: {  	[sflag:s30] =	ssyncset.done $0x0  }
0x86: {  	[sflag:s30] =	ssyncadd.s32 $0xFFFFD800  }
0x87: {  	[spmem:s2] =	stream.indirect.scatter.add.f32 [tilespmem:s22], [sflag:$0x4], $0x80, s20, s21, $0xb8;
	[tilespmem:$0x1DD00] =	vst v63  }
0x88: {  	_ =	swait.ge [sflag:s31], $0x2800  }
0x89: {  	[sflag:s31] =	ssyncset.done $0x0  }
0x8a: {  	s14 =	sadd.s32 s13, s16;
	[sflag:s31] =	ssyncadd.s32 $0xFFFFD800  }
0x8b: {  	[tilespmem:s20], [sflag:$0x7] =	stream.linear.gather [hbm4b:s14+s3], $0x50, $0x38;
	[tilespmem:$0x1DD00] =	vst v63  }
0x8c: {  	s14 =	sadd.s32 $0xFFFFFFB0, s12  }
0x8d: {  	[tilespmem:s22], [sflag:$0x1] =	stream.indirect.gather [hbm4b:s4+s21], $0x80, s14, s21, $0xb8;
	[tilespmem:$0x1DD00] =	vst v63  }
0x8e: {  	_ =	swait.ge [sflag:s1], $0x50  }
0x8f: {  	[sflag:s1] =	ssyncset.done $0x0  }
0x90: {  	[sflag:s1] =	ssyncadd.s32 $0xFFFFFFB0  }
0x91: {  	_ =	swait.ge [sflag:s26], $0x2800  }
0x92: {  	[sflag:s26] =	ssyncset.done $0x0  }
0x93: {  	[sflag:s26] =	ssyncadd.s32 $0xFFFFD800  }
0x94: {  	[spmem:s2] =	stream.indirect.scatter.add.f32 [tilespmem:s24], [sflag:$0x5], $0x80, s23, s21, $0xb8;
	[tilespmem:$0x1DD00] =	vst v63  }
0x95: {  	_ =	swait.ge [sflag:s0], $0x2800  }
0x96: {  	[sflag:s0] =	ssyncset.done $0x0  }
0x97: {  	s13 =	sadd.s32 s13, s15;
	[sflag:s0] =	ssyncadd.s32 $0xFFFFD800  }
0x98: {  	[tilespmem:s23], [sflag:$0x8] =	stream.linear.gather [hbm4b:s13+s3], $0x50, $0x38;
	[tilespmem:$0x1DD00] =	vst v63  }
0x99: {  	_ = 	snop  }
0x9a: {  	[tilespmem:s24], [sflag:$0x2] =	stream.indirect.gather [hbm4b:s4+s21], $0x80, s12, s21, $0xb8;
	[tilespmem:$0x1DD00] =	vst v63  }
0x9b: {  	_ =	swait.ge [sflag:s5], $0x50  }
.Ltmp0:
0x9c: {  	[sflag:s5] =	ssyncset.done $0x0;
	(pc) =	sbr.rel @p0 .LBB2_2-.Ltmp0, $4  }
0x9d: {  	[sflag:s5] =	ssyncadd.s32 $0xFFFFFFB0  }
0x9e: {  	_ =	swait.ge [sflag:s8], $0x2800  }
0x9f: {  	[sflag:s8] =	ssyncset.done $0x0  }
0xa0: {  	s12 =	sadd.s32 $0xF0, s12;
	[sflag:s8] =	ssyncadd.s32 $0xFFFFD800  }
0xa1: {  	[spmem:s2] =	stream.indirect.scatter.add.f32 [tilespmem:s28], [sflag:$0x6], $0x80, s25, s21, $0xb8;
	[tilespmem:$0x1DD00] =	vst v63  }
0xa2: {  	_ =	swait.ge [sflag:s29], $0x50  }
0xa3: {  	[sflag:s29] =	ssyncset.done $0x0  }
0xa4: {  	[sflag:s29] =	ssyncadd.s32 $0xFFFFFFB0  }
0xa5: {  	_ =	swait.ge [sflag:s30], $0x2800  }
0xa6: {  	[sflag:s30] =	ssyncset.done $0x0  }
0xa7: {  	[sflag:s30] =	ssyncadd.s32 $0xFFFFD800  }
0xa8: {  	[spmem:s2] =	stream.indirect.scatter.add.f32 [tilespmem:s22], [sflag:$0x4], $0x80, s20, s21, $0xb8;
	[tilespmem:$0x1DD00] =	vst v63  }
0xa9: {  	_ =	swait.ge [sflag:s1], $0x50  }
0xaa: {  	[sflag:s1] =	ssyncset.done $0x0  }
0xab: {  	[sflag:s1] =	ssyncadd.s32 $0xFFFFFFB0  }
0xac: {  	_ =	swait.ge [sflag:s26], $0x2800  }
0xad: {  	[sflag:s26] =	ssyncset.done $0x0  }
0xae: {  	[sflag:s26] =	ssyncadd.s32 $0xFFFFD800  }
0xaf: {  	[spmem:s2] =	stream.indirect.scatter.add.f32 [tilespmem:s24], [sflag:$0x5], $0x80, s23, s21, $0xb8;
	[tilespmem:$0x1DD00] =	vst v63  }
0xb0: {  	_ =	swait.ge [sflag:s9], $0x2800  }
0xb1: {  	[sflag:s9] =	ssyncset.done $0x0  }
0xb2: {  	[sflag:s9] =	ssyncadd.s32 $0xFFFFD800  }
0xb3: {  	_ =	swait.ge [sflag:s31], $0x2800  }
0xb4: {  	[sflag:s31] =	ssyncset.done $0x0  }
0xb5: {  	[sflag:s31] =	ssyncadd.s32 $0xFFFFD800  }
0xb6: {  	_ =	swait.ge [sflag:s0], $0x2800  }
0xb7: {  	[sflag:s0] =	ssyncset.done $0x0  }
0xb8: {  	[sflag:s0] =	ssyncadd.s32 $0xFFFFD800  }
0xb9: {  	[bflag:$0x0] =	sbarrier.arrive $0xFFFF  }
0xba: {  	s11 =	rddreg [dreg:$0x8]  }
0xbb: {  	[hbm:s11], [sflag:s6] =	dma.local [spmem:s18], $0x2780  }
0xbc: {  	_ =	swait.ge [sflag:s19], $0x2780  }
0xbd: {  	s10 =	sadd.s32 $0x1, s10;
	s14 =	rddreg [dreg:$0x9]  }
0xbe: {  	p0 =	sne.s32 s10, s14  }
.Ltmp1:
0xbf: {  	_ = 	snop;
	(pc) =	sbr.rel @p0 .LBB2_1-.Ltmp1, $3  }
0xc0: {  	_ =	sdelay $0x1  }
0xc1: {  	[sflag:s19] =	ssyncset.done $0x0  }
0xc2: {  	[sflag:s19] =	ssyncadd.s32 $0xFFFFD880  }
0xc3: {  	_ =	sfence.sel $0x180000  }
0xc4: {  	[bflag:$0x0] =	sbarrier.arrive $0xFFFF  }
0xc5: {  	_ =	strace $0x9000004D  }
0xc6: {  	s0 =	stileid.u32;
	[bflag:$0x2] =	sbarrier.arrive $0xFFFF  }
0xc7: {  	p0 =	sne.s32 s0, $0x0;
	s0 =	rddreg [dreg:$0x4]  }
0xc8: {  	s0 =	sadd.s32 @!p0 $0x100000, s0  }
0xc9: {  	[sflag:s0] =	ssyncadd.tile.s32 @!p0 $0x1;
	_ =	shalt  }
.Lfunc_end2:
_tile_overlayer_lowered:
.L_overlay_start_2:
0xca: {  	(tag) =	ssettag $0x2  }
0xcb: {  	s0 =	rddreg [dreg:$0x0];
	s2 =	stileid.u32  }
0xcc: {  	s1 =	rddreg [dreg:$0x1];
	p0 =	sne.s32 s2, $0x0  }
0xcd: {  	s3 =	rddreg [dreg:$0x2];
	[bflag:$0x3] =	sbarrier.arrive $0xFFFF;
	s2 =	simm.s32 @!p0 $0x1C0A  }
0xce: {  	[timem:s3], [sflag:s2] =	dma.local @!p0 [hbm:s0], s1  }
0xcf: {  	s0 =	simm.s32 @!p0 $0xA  }
0xd0: {  	_ =	swait.ge @!p0 [sflag:s0], s1  }
0xd1: {  	s1 =	ssub.s32 @!p0 $0x0, s1;
	[sflag:s0] =	ssyncset.done @!p0 $0x0  }
0xd2: {  	[sflag:s0] =	ssyncadd.s32 @!p0 s1  }
0xd3: {  	[bflag:$0x3] =	sbarrier.arrive $0xFFFF  }
0xd4: {  	_ =	shalt  }

// kernel: kernel.8.cloned.1.call-start
scs
__scs_entry_jumppad:
0x0: {  	(pc) =	sbr.rel $0x88, $3  }
0x1: {  	(tag) =	ssettag $0x0;
	lr =	simm.s32 $0x1  }
0x2: {  	[smem:$0x3F91] =	sst lr;
	_ =	strace $0xD0000000  }
0x3: {  	_ = 	snop  }
0x4: {  	_ = 	snop  }
0x5: {  	_ = 	snop  }
0x6: {  	_ = 	snop  }
0x7: {  	_ = 	snop  }
__scs_overlays_trampoline_lowered:
0x8: {  	[smem:$0x3FA0] =	sst s0  }
0x9: {  	[smem:$0x3FA1] =	sst s1  }
0xa: {  	[smem:$0x3FA2] =	sst s2  }
0xb: {  	[smem:$0x3FA3] =	sst s3  }
0xc: {  	[smem:$0x3FA4] =	sst s4  }
0xd: {  	[smem:$0x3FA5] =	sst s5  }
0xe: {  	[smem:$0x3FA6] =	sst s6  }
0xf: {  	[smem:$0x3FA7] =	sst s7  }
0x10: {  	[smem:$0x3FA8] =	sst s8  }
0x11: {  	[smem:$0x3FA9] =	sst s9;
	s0 =	simm.s32 @!p0 $0x0  }
0x12: {  	s1 =	sld [smem:$0x3F8F];
	s0 =	simm.s32 @p0 $0x1  }
0x13: {  	[smem:$0x3FAA] =	sst s0;
	s0 =	simm.s32 @!p1 $0x0  }
0x14: {  	s2 =	sld [smem:$0x3F8E];
	s0 =	simm.s32 @p1 $0x1  }
0x15: {  	[smem:$0x3FAB] =	sst s0;
	s0 =	simm.s32 @!p2 $0x0  }
0x16: {  	s3 =	sld [smem:$0x3FDB];
	s0 =	simm.s32 @p2 $0x1  }
0x17: {  	s4 =	simm.s32 $0x1BF5;
	[smem:$0x3FAD] =	sst s0  }
0x18: {  	s0 =	sld [smem:$0x3F90];
	_ =	swait.ge [sflag:s4], $0x0  }
0x19: {  	s7 =	sld [smem:$0x3F91]  }
0x1a: {  	s8 =	sadd.s32 $0xFFFFE003, lr  }
0x1b: {  	s9 =	sadd.s32 $0xFFFFFEF7, lr;
	s5 =	simm.s32 $0xFFFFFFFF;
	p2 =	slt.u32 s8, $0xFFFFF086  }
0x1c: {  	p1 =	slt.u32 s9, $0xF7A;
	s5 =	simm.s32 @!p2 $0x0  }
0x1d: {  	s5 =	simm.s32 @p1 $0x1;
	p0 =	seq.s32 s7, s2  }
0x1e: {  	s7 =	smul.u32 @!p0 $0xF7A, s2;
	p2 =	seq.s32 @!p0 s5, $0x0  }
0x1f: {  	s9 =	smul.u32 $0xF7A, s1;
	s8 =	simm.s32 @!p0 $0x1BF5;
	p2 =	por !p2, p0  }
0x20: {  	[sflag:s8] =	ssyncset.s32 @!p0 $0xFFFFF086;
	s6 =	sadd.s32 @!p0 s3, s7;
	s7 =	simm.s32 @!p0 $0x108  }
0x21: {  	s3 =	sadd.s32 s3, s9;
	s6 =	sadd.s32 @!p0 $0x88, s6;
	s7 =	simm.s32 @p2 $0x1082  }
0x22: {  	[simem:s7], [sflag:s8] =	dma.local @!p0 [hbm:s6], $0xF7A  }
0x23: {  	s9 =	sor.u32 $0xD0000000, s2;
	s6 =	simm.s32 $0x108;
	_ =	swait.ge @!p0 [sflag:s8], $0x0  }
0x24: {  	s3 =	sadd.s32 $0x88, s3;
	s6 =	simm.s32 @!p1 $0x1082;
	[sflag:s4] =	ssyncset.s32 $0xFFFFF086  }
0x25: {  	[simem:s6], [sflag:s4] =	dma.local [hbm:s3], $0xF7A  }
0x26: {  	[smem:$0x3F91] =	sst s1;
	(tag) =	ssettag s2;
	_ =	strace s9  }
0x27: {  	s1 =	sld [smem:$0x3FA1]  }
0x28: {  	s2 =	sld [smem:$0x3FA2]  }
0x29: {  	s4 =	sld [smem:$0x3FA4]  }
0x2a: {  	p0 =	seq.s32 s5, $0x0;
	s5 =	sld [smem:$0x3FA5]  }
0x2b: {  	s6 =	sld [smem:$0x3FA6]  }
0x2c: {  	s7 =	sld [smem:$0x3FA7]  }
0x2d: {  	s3 =	simm.s32 $0x108;
	s8 =	sld [smem:$0x3FA8]  }
0x2e: {  	s3 =	simm.s32 @!p0 $0x1082;
	s9 =	sld [smem:$0x3FA9]  }
0x2f: {  	lr =	sadd.s32 s0, s3;
	s0 =	sld [smem:$0x3FA0]  }
0x30: {  	s3 =	sld [smem:$0x3FA3]  }
0x31: {  	[smem:$0x3FAC] =	sst s10  }
0x32: {  	s10 =	sld [smem:$0x3FAA];
	_ =	sdelay $0x3  }
0x33: {  	p0 =	seq.s32 s10, $0x1;
	s10 =	sld [smem:$0x3FAC];
	_ =	sdelay $0x3  }
0x34: {  	[smem:$0x3FAC] =	sst s10  }
0x35: {  	s10 =	sld [smem:$0x3FAB];
	_ =	sdelay $0x3  }
0x36: {  	p1 =	seq.s32 s10, $0x1;
	s10 =	sld [smem:$0x3FAC];
	_ =	sdelay $0x3  }
0x37: {  	[smem:$0x3FAC] =	sst s10  }
0x38: {  	s10 =	sld [smem:$0x3FAD]  }
0x39: {  	_ = 	snop;
	(pc) =	sbr.ind lr, $3  }
0x3a: {  	_ = 	snop  }
0x3b: {  	_ = 	snop  }
0x3c: {  	p2 =	seq.s32 s10, $0x1;
	s10 =	sld [smem:$0x3FAC]  }
0x3d: {  	_ =	shalt  }
0x3e: {  	_ =	shalt  }
0x3f: {  	_ =	shalt  }
0x40: {  	_ =	shalt  }
0x41: {  	_ =	shalt  }
0x42: {  	_ =	shalt  }
0x43: {  	_ =	shalt  }
0x44: {  	_ =	shalt  }
0x45: {  	_ =	shalt  }
0x46: {  	_ =	shalt  }
0x47: {  	_ =	shalt  }
0x48: {  	_ =	shalt  }
0x49: {  	_ =	shalt  }
0x4a: {  	_ =	shalt  }
0x4b: {  	_ =	shalt  }
0x4c: {  	_ =	shalt  }
0x4d: {  	_ =	shalt  }
0x4e: {  	_ =	shalt  }
0x4f: {  	_ =	shalt  }
0x50: {  	_ =	shalt  }
0x51: {  	_ =	shalt  }
0x52: {  	_ =	shalt  }
0x53: {  	_ =	shalt  }
0x54: {  	_ =	shalt  }
0x55: {  	_ =	shalt  }
0x56: {  	_ =	shalt  }
0x57: {  	_ =	shalt  }
0x58: {  	_ =	shalt  }
0x59: {  	_ =	shalt  }
0x5a: {  	_ =	shalt  }
0x5b: {  	_ =	shalt  }
0x5c: {  	_ =	shalt  }
0x5d: {  	_ =	shalt  }
0x5e: {  	_ =	shalt  }
0x5f: {  	_ =	shalt  }
0x60: {  	_ =	shalt  }
0x61: {  	_ =	shalt  }
0x62: {  	_ =	shalt  }
0x63: {  	_ =	shalt  }
0x64: {  	_ =	shalt  }
0x65: {  	_ =	shalt  }
0x66: {  	_ =	shalt  }
0x67: {  	_ =	shalt  }
0x68: {  	_ =	shalt  }
0x69: {  	_ =	shalt  }
0x6a: {  	_ =	shalt  }
0x6b: {  	_ =	shalt  }
0x6c: {  	_ =	shalt  }
0x6d: {  	_ =	shalt  }
0x6e: {  	_ =	shalt  }
0x6f: {  	_ =	shalt  }
0x70: {  	_ =	shalt  }
0x71: {  	_ =	shalt  }
0x72: {  	_ =	shalt  }
0x73: {  	_ =	shalt  }
0x74: {  	_ =	shalt  }
0x75: {  	_ =	shalt  }
0x76: {  	_ =	shalt  }
0x77: {  	_ =	shalt  }
0x78: {  	_ =	shalt  }
0x79: {  	_ =	shalt  }
0x7a: {  	_ =	shalt  }
0x7b: {  	_ =	shalt  }
0x7c: {  	_ =	shalt  }
0x7d: {  	_ =	shalt  }
0x7e: {  	_ =	shalt  }
0x7f: {  	_ =	shalt  }
0x80: {  	_ =	shalt  }
0x81: {  	_ =	shalt  }
0x82: {  	_ =	shalt  }
0x83: {  	_ =	shalt  }
0x84: {  	_ =	shalt  }
0x85: {  	_ =	shalt  }
0x86: {  	_ =	shalt  }
0x87: {  	_ =	shalt  }
.Lfunc_end0:
.L_simem_size_0:
called_computation_lowered:
.L_overlay_start_0:
0x88: {  	s2 =	sld [smem:$0x3FD9]  }
0x89: {  	s3 =	sld [smem:$0x3FFE];
	_ =	sdelay $0x1  }
0x8a: {  	s1 =	srdreg.scid  }
0x8b: {  	s0 =	sand.u32 $0x1, s1  }
0x8c: {  	s17 =	sshll.u32 s0, $0xA;
	s2 =	sadd.s32 s3, s2  }
0x8d: {  	s2 =	sadd.s32 s2, s17  }
0x8e: {  	[smem:$0x3FB8] =	sst s2  }
0x8f: {  	_ = 	snop  }
0x90: {  	s2 =	sld [smem:$0x3FC9]  }
0x91: {  	s18 =	sld [smem:$0x3FC8]  }
0x92: {  	s4 =	sld [smem:$0x3FC7]  }
0x93: {  	s5 =	sld [smem:$0x3FD0];
	(tm) =	ssettm $0x1  }
0x94: {  	s6 =	sld [smem:$0x3FFB];
	_ =	sdelay $0x3  }
0x95: {  	_ =	strace s6  }
0x96: {  	s6 =	sld [smem:$0x3FFC];
	_ =	sdelay $0x3  }
0x97: {  	_ =	strace s6  }
0x98: {  	s6 =	sld [smem:$0x3FFD];
	_ =	sdelay $0x3  }
0x99: {  	_ =	strace s6  }
0x9a: {  	_ =	strace $0x8FFFFFFF  }
0x9b: {  	s19 =	sld [smem:$0x3FDB];
	_ =	sdelay $0x1  }
0x9c: {  	s7 =	simm.s32 $_scs_section_size  }
0x9d: {  	s8 =	simm.s32 $_size__tile_overlayer_lowered;
	s9 =	simm.s32 $_tile_overlayer_lowered  }
0x9e: {  	s22 =	simm.s32 $0x1BFF;
	s21 =	sshll.u32 s9, $0x1;
	s6 =	sadd.s32 s7, s19  }
0x9f: {  	s10 =	simm.s32 $0x0;
	s20 =	sshll.u32 s8, $0x1;
	s8 =	sadd.s32 s21, s6  }
0xa0: {  	[timem:s10], [sflag:s22] =	dma.local [hbm:s8], s20  }
0xa1: {  	_ =	swait.ge [sflag:s22], s20  }
0xa2: {  	s7 =	ssub.s32 $0x0, s20;
	[sflag:s22] =	ssyncset.done $0x0  }
0xa3: {  	[sflag:s22] =	ssyncadd.s32 s7;
	_ =	sdelay $0x1  }
0xa4: {  	s23 =	simm.s32 $0x1B8B  }
0xa5: {  	_ =	swait.ge [sflag:s23], $0x1  }
0xa6: {  	[sflag:s23] =	ssyncset.done $0x0  }
0xa7: {  	s25 =	simm.s32 $0x1B8E;
	s24 =	sld [smem:$0x3FFE];
	[sflag:s23] =	ssyncadd.s32 $0xFFFFFFFF  }
0xa8: {  	s26 =	simm.s32 $execute0_lowered;
	[smem:$0x3FD2] =	sst s25  }
0xa9: {  	s8 =	sshll.u32 s26, $0x1;
	_ =	strace $0x80000046;
	[dreg:$0x1] =	wrdreg $0xFFFFFFFF  }
0xaa: {  	s28 =	simm.s32 $_size_execute0_lowered;
	s6 =	sadd.s32 s6, s8;
	[dreg:$0x0] =	wrdreg $0x0  }
0xab: {  	s8 =	sshll.u32 s28, $0x1;
	[dreg:$0x2] =	wrdreg s6  }
0xac: {  	[dreg:$0x3] =	wrdreg s8  }
0xad: {  	[dreg:$0x4] =	wrdreg $0xC0  }
0xae: {  	_ =	task [dreg:s10], $0x5FFFF  }
0xaf: {  	[dreg:$0x1] =	wrdreg $0xFFFFFFFF  }
0xb0: {  	[dreg:$0x0] =	wrdreg $0x60  }
0xb1: {  	[dreg:$0x2] =	wrdreg s2  }
0xb2: {  	[dreg:$0x3] =	wrdreg s18  }
0xb3: {  	[dreg:$0x4] =	wrdreg s4  }
0xb4: {  	[dreg:$0x5] =	wrdreg s24  }
0xb5: {  	[dreg:$0x6] =	wrdreg s5  }
0xb6: {  	[dreg:$0x7] =	wrdreg $0xA4000  }
0xb7: {  	[dreg:$0x8] =	wrdreg $0x1E0000  }
0xb8: {  	[dreg:$0x9] =	wrdreg $0x9  }
0xb9: {  	_ =	task.clear_ibuf [dreg:s10], $0xAFFFF;
	_ =	strace $0x90000046  }
0xba: {  	s29 =	simm.s32 $0x9;
	_ =	strace $0x80000048  }
0xbb: {  	_ =	swait.ge [sflag:s29], $0x1  }
0xbc: {  	[sflag:s29] =	ssyncadd.s32 $0xFFFFFFFF  }
0xbd: {  	_ =	strace $0x90000048  }
0xbe: {  	_ =	sfence  }
0xbf: {  	s30 =	sld [smem:$0x0];
	_ =	sdelay $0x2  }
0xc0: {  	s31 =	sshll.u32 s1, $0xD;
	s1 =	sshrl.u32 s1, $0x2  }
0xc1: {  	s3 =	sand.u32 $0x4000, s31;
	s1 =	sadd.s32 s1, s30  }
0xc2: {  	s0 =	sor.u32 s3, s0;
	s1 =	sshll.u32 s1, $0x11  }
0xc3: {  	s0 =	sor.u32 s1, s0  }
0xc4: {  	s0 =	sadd.s32 $0x8F2B, s0  }
0xc5: {  	[sflag:s0] =	ssyncadd.remote.s32 $0x1  }
0xc6: {  	_ =	sfence.sel $0xFFFF  }
0xc7: {  	[dreg:$0x0] =	wrdreg $0xFFFFFFFF;
	(pc) =	sbr.abs _section_cstart, $3  }
0xc8: {  	[dreg:$0x1] =	wrdreg $0xFFFFFFFF  }
0xc9: {  	_ =	task.clear_ibuf [dreg:s10], $0x2FFFF;
	_ =	strace $0x9FFFFFFF  }
0xca: {  	(tm) =	ssettm $0x7FFFFFFF  }
0xcb: {  	_ =	shalt  }
tec
execute0_lowered:
.L_overlay_start_1:
0x0: {  	(tag) =	ssettag $0x1  }
0x1: {  	s0 =	rddreg [dreg:$0x0]  }
0x2: {  	s1 =	rddreg [dreg:$0x1]  }
0x3: {  	s2 =	rddreg [dreg:$0x2]  }
0x4: {  	s3 =	rddreg [dreg:$0x3]  }
0x5: {  	s16 =	stileid.u32;
	s5 =	rddreg [dreg:$0x5]  }
0x6: {  	s4 =	srdreg.scid;
	s6 =	rddreg [dreg:$0x6];
	s7 =	simm.s32 $0x0  }
0x7: {  	s28 =	simm.s32 $0x2900;
	s29 =	simm.s32 $0x2800;
	s8 =	smul.u32 $0x278, s16  }
0x8: {  	s30 =	simm.s32 $0x5100;
	s31 =	simm.s32 $0x2880;
	s10 =	smul.u32 $0x2780, s16  }
0x9: {  	s4 =	sand.u32 $0x1, s4;
	[smem:$0x7FF] =	sst s7;
	s14 =	smul.u32 $0x4F000, s16  }
0xa: {  	s15 =	sshll.u32 s16, $0x1;
	s26 =	sshll.u32 s16, $0x6;
	s17 =	smul.u32 $0x4E20, s16  }
0xb: {  	s16 =	simm.s32 $0x8;
	s9 =	smul.u32 $0x2780, s4;
	_ =	strace $0x80000047  }
0xc: {  	s13 =	ssub.s32 $0x2, s4;
	s25 =	sor.u32 s4, s15;
	s18 =	sor.u32 $0x1C0D, s26  }
0xd: {  	s4 =	smul.u32 $0x2710, s4;
	s15 =	simm.s32 $0x5;
	s11 =	sshrl.u32 s8, $0x3  }
0xe: {  	s10 =	sadd.s32 s10, s3;
	s24 =	sshrl.u32 s13, $0x1;
	s14 =	sshrl.u32 s14, $0x2  }
0xf: {  	s19 =	sadd.s32 s8, s6;
	[dreg:$0x9] =	wrdreg s18;
	s9 =	sadd.s32 s8, s9  }
0x10: {  	s11 =	sadd.s32 s11, s3;
	s14 =	sadd.s32 s14, s5;
	s10 =	sadd.s32 $0x4A00, s10  }
0x11: {  	s23 =	sadd.s32 s4, s17;
	s8 =	simm.s32 $0x4;
	s17 =	simm.s32 $0xC  }
0x12: {  	[dreg:$0xb] =	wrdreg s19;
	s12 =	sshll.u32 s9, $0x4;
	s9 =	sshrl.u32 s9, $0x3  }
0x13: {  	[dreg:$0x8] =	wrdreg s10;
	s11 =	sadd.s32 $0x4400, s11;
	s4 =	sadd.s32 $0xA0, s23  }
0x14: {  	s10 =	simm.s32 $0x7;
	s12 =	sadd.s32 s12, s3;
	s3 =	sadd.s32 s9, s3  }
0x15: {  	s9 =	ssub.s32 s13, s24;
	s13 =	smul.u32 $0x2710, s25;
	[dreg:$0xa] =	wrdreg s11  }
0x16: {  	s24 =	sadd.s32 $0x140, s23;
	s4 =	sshrl.u32 s4, $0x3;
	s11 =	sshrl.u32 s14, $0x3  }
0x17: {  	s14 =	simm.s32 $0x2;
	s22 =	sadd.s32 $0x2C200, s12;
	[dreg:$0x15] =	wrdreg s11  }
0x18: {  	s3 =	sadd.s32 $0x7B200, s3;
	s25 =	smax.u32 s9, $0x1;
	[dreg:$0xf] =	wrdreg s22  }
0x19: {  	s26 =	sadd.s32 s4, s2;
	s4 =	simm.s32 $0x7900;
	[dreg:$0x10] =	wrdreg s3  }
0x1a: {  	s12 =	simm.s32 $0xB;
	s20 =	sshrl.u32 s13, $0x3;
	[dreg:$0x11] =	wrdreg s25  }
0x1b: {  	s3 =	sshrl.u32 s24, $0x3;
	[dreg:$0x14] =	wrdreg s26;
	s22 =	simm.s32 $0xD  }
0x1c: {  	s24 =	simm.s32 $0xA100;
	s25 =	simm.s32 $0x2780;
	s1 =	sadd.s32 s1, s20  }
0x1d: {  	s26 =	simm.s32 $0x50;
	s21 =	sadd.s32 s2, s20;
	[dreg:$0xc] =	wrdreg s1  }
0x1e: {  	s13 =	simm.s32 $0x3;
	s3 =	sadd.s32 s3, s2;
	[dreg:$0xd] =	wrdreg s21  }
0x1f: {  	s20 =	simm.s32 $0xA180;
	s1 =	sadd.s32 $0xA, s21;
	[dreg:$0x12] =	wrdreg s3  }
0x20: {  	s3 =	simm.s32 $0x1;
	[dreg:$0xe] =	wrdreg s1;
	s1 =	sadd.s32 $0xF0, s23  }
0x21: {  	s21 =	simm.s32 $0x0;
	[dreg:$0x13] =	wrdreg s1;
	s1 =	simm.s32 $0xA  }
.LBB2_1:
0x22: {  	[dreg:$0x16] =	wrdreg s21  }
0x23: {  	s9 =	rddreg [dreg:$0x8]  }
0x24: {  	[spmem:s11], [sflag:s18] =	dma.local [hbm:s9], $0x2780  }
0x25: {  	_ =	swait.ge [sflag:s22], $0x2780  }
0x26: {  	[sflag:s22] =	ssyncset.done $0x0  }
0x27: {  	s18 =	rddreg [dreg:$0xa];
	[sflag:s22] =	ssyncadd.s32 $0xFFFFD880  }
0x28: {  	[tilespmem:s20], [sflag:$0xD] =	stream.linear.gather [hbm4b:s18+s7], $0x278, $0x38;
	[tilespmem:$0x1E278] =	vst v63  }
0x29: {  	_ =	swait.ge [sflag:s22], $0x278  }
0x2a: {  	[sflag:s22] =	ssyncset.done $0x0  }
0x2b: {  	[sflag:s22] =	ssyncadd.s32 $0xFFFFFD88  }
0x2c: {  	[spmem:s19] =	stream.linear.scatter [tilespmem:s20], [sflag:$0xD], $0x278, $0x38;
	[tilespmem:$0x1E278] =	vst v63  }
0x2d: {  	_ =	swait.ge [sflag:s22], $0x278  }
0x2e: {  	[sflag:s22] =	ssyncset.done $0x0  }
0x2f: {  	[sflag:s22] =	ssyncadd.s32 $0xFFFFFD88  }
0x30: {  	s20 =	rddreg [dreg:$0x4]  }
0x31: {  	[tilespmem:s24], [sflag:$0xD] =	stream.linear.gather [hbm4b:s20+s7], $0x80, $0x38;
	[tilespmem:$0x1E278] =	vst v63  }
0x32: {  	_ =	swait.ge [sflag:s22], $0x80  }
0x33: {  	[sflag:s22] =	ssyncset.done $0x0  }
0x34: {  	s21 =	rddreg [dreg:$0xc];
	[sflag:s22] =	ssyncadd.s32 $0xFFFFFF80  }
0x35: {  	[tilespmem:s7], [sflag:$0xD] =	stream.linear.gather [hbm4b:s21+s7], $0x2710, $0x38;
	[tilespmem:$0x1E278] =	vst v63  }
0x36: {  	_ =	swait.ge [sflag:s22], $0x2710  }
0x37: {  	[sflag:s22] =	ssyncset.done $0x0  }
0x38: {  	s23 =	rddreg [dreg:$0xd];
	[sflag:s22] =	ssyncadd.s32 $0xFFFFD8F0  }
0x39: {  	[tilespmem:s25], [sflag:$0xA] =	stream.linear.gather [hbm4b:s23+s7], $0x50, $0x38;
	[tilespmem:$0x1E278] =	vst v63  }
0x3a: {  	_ = 	snop  }
0x3b: {  	[tilespmem:s28], [sflag:$0x1] =	stream.indirect.gather [hbm4b:s0+s26], $0x80, s7, s26, $0xb8;
	[tilespmem:$0x1E278] =	vst v63  }
0x3c: {  	s11 =	rddreg [dreg:$0xe]  }
0x3d: {  	[tilespmem:s29], [sflag:$0xB] =	stream.linear.gather [hbm4b:s11+s7], $0x50, $0x38;
	[tilespmem:$0x1E278] =	vst v63  }
0x3e: {  	p0 =	por $0x1, $0x1  }
0x3f: {  	[tilespmem:s30], [sflag:$0x2] =	stream.indirect.gather [hbm4b:s0+s26], $0x80, s26, s26, $0xb8;
	[tilespmem:$0x1E278] =	vst v63  }
0x40: {  	s11 =	simm.s32 @!p0 $0x6;
	[bflag:$0x0] =	sbarrier.arrive $0xFFFF  }
0x41: {  	_ =	swait.ge @!p0 [sflag:s11], $0x2800  }
0x42: {  	[sflag:s11] =	ssyncset.done @!p0 $0x0  }
0x43: {  	[sflag:s11] =	ssyncadd.s32 @!p0 $0xFFFFD800;
	s11 =	simm.s32 @!p0 $0x9  }
0x44: {  	_ =	swait.ge @!p0 [sflag:s11], $0x50  }
0x45: {  	[sflag:s11] =	ssyncset.done @!p0 $0x0  }
0x46: {  	s19 =	rddreg [dreg:$0x14];
	[sflag:s11] =	ssyncadd.s32 @!p0 $0xFFFFFFB0  }
0x47: {  	[tilespmem:s31], [sflag:$0xC] =	stream.linear.gather [hbm4b:s19+s7], $0x50, $0x38;
	[tilespmem:$0x1E278] =	vst v63  }
0x48: {  	s18 =	simm.s32 $0xA0  }
0x49: {  	[tilespmem:s4], [sflag:$0x3] =	stream.indirect.gather [hbm4b:s0+s26], $0x80, s18, s26, $0xb8;
	[tilespmem:$0x1E278] =	vst v63  }
0x4a: {  	_ =	swait.ge [sflag:s1], $0x50  }
0x4b: {  	[sflag:s1] =	ssyncset.done $0x0  }
0x4c: {  	[sflag:s1] =	ssyncadd.s32 $0xFFFFFFB0  }
0x4d: {  	_ =	swait.ge [sflag:s3], $0x2800  }
0x4e: {  	[sflag:s3] =	ssyncset.done $0x0  }
0x4f: {  	[sflag:s3] =	ssyncadd.s32 $0xFFFFD800  }
0x50: {  	[spmem:s5] =	stream.indirect.scatter.add.f32 [tilespmem:s28], [sflag:$0x4], $0x80, s25, s26, $0xb8;
	[tilespmem:$0x1E278] =	vst v63  }
0x51: {  	_ = 	snop  }
0x52: {  	[spmem:s6] =	stream.indirect.scatter.add.f32 [tilespmem:s24], [sflag:$0x7], $0x1, s25, s26, $0xb8;
	[tilespmem:$0x1E278] =	vst v63  }
0x53: {  	_ =	swait.ge [sflag:s8], $0x2800  }
0x54: {  	[sflag:s8] =	ssyncset.done $0x0  }
0x55: {  	[sflag:s8] =	ssyncadd.s32 $0xFFFFD800  }
0x56: {  	_ =	swait.ge [sflag:s10], $0x50  }
0x57: {  	s9 =	rddreg [dreg:$0x13]  }
0x58: {  	[sflag:s10] =	ssyncset.done $0x0;
	s20 =	sshrl.u32 s9, $0x3  }
0x59: {  	[sflag:s10] =	ssyncadd.s32 $0xFFFFFFB0;
	s11 =	sadd.s32 s2, s20  }
0x5a: {  	[tilespmem:s25], [sflag:$0xA] =	stream.linear.gather [hbm4b:s11+s7], $0x50, $0x38;
	[tilespmem:$0x1E278] =	vst v63  }
0x5b: {  	s21 =	simm.s32 $0xF0  }
0x5c: {  	[tilespmem:s28], [sflag:$0x1] =	stream.indirect.gather [hbm4b:s0+s26], $0x80, s21, s26, $0xb8;
	[tilespmem:$0x1E278] =	vst v63  }
0x5d: {  	_ =	swait.ge [sflag:s12], $0x50  }
0x5e: {  	[sflag:s12] =	ssyncset.done $0x0  }
0x5f: {  	[sflag:s12] =	ssyncadd.s32 $0xFFFFFFB0  }
0x60: {  	_ =	swait.ge [sflag:s14], $0x2800  }
0x61: {  	[sflag:s14] =	ssyncset.done $0x0  }
0x62: {  	[sflag:s14] =	ssyncadd.s32 $0xFFFFD800  }
0x63: {  	[spmem:s5] =	stream.indirect.scatter.add.f32 [tilespmem:s30], [sflag:$0x5], $0x80, s29, s26, $0xb8;
	[tilespmem:$0x1E278] =	vst v63  }
0x64: {  	_ = 	snop  }
0x65: {  	[spmem:s6] =	stream.indirect.scatter.add.f32 [tilespmem:s24], [sflag:$0x8], $0x1, s29, s26, $0xb8;
	[tilespmem:$0x1E278] =	vst v63  }
0x66: {  	_ =	swait.ge [sflag:s15], $0x2800  }
0x67: {  	[sflag:s15] =	ssyncset.done $0x0  }
0x68: {  	[sflag:s15] =	ssyncadd.s32 $0xFFFFD800  }
0x69: {  	_ =	swait.ge [sflag:s16], $0x50  }
0x6a: {  	[sflag:s16] =	ssyncset.done $0x0  }
0x6b: {  	s18 =	rddreg [dreg:$0x12];
	[sflag:s16] =	ssyncadd.s32 $0xFFFFFFB0  }
0x6c: {  	[tilespmem:s29], [sflag:$0xB] =	stream.linear.gather [hbm4b:s18+s7], $0x50, $0x38;
	[tilespmem:$0x1E278] =	vst v63  }
0x6d: {  	s23 =	simm.s32 $0x140  }
0x6e: {  	[tilespmem:s30], [sflag:$0x2] =	stream.indirect.gather [hbm4b:s0+s26], $0x80, s23, s26, $0xb8;
	[tilespmem:$0x1E278] =	vst v63  }
0x6f: {  	_ =	swait.ge [sflag:s17], $0x50  }
0x70: {  	[sflag:s17] =	ssyncset.done $0x0  }
0x71: {  	[sflag:s17] =	ssyncadd.s32 $0xFFFFFFB0  }
0x72: {  	p1 =	por $0x0, $0x0;
	_ =	swait.ge [sflag:s13], $0x2800  }
0x73: {  	s20 =	simm.s32 $0x3C0;
	s21 =	simm.s32 $0x780;
	[sflag:s13] =	ssyncset.done $0x0  }
0x74: {  	s23 =	sadd.s32 $0x1E, s19;
	s19 =	sadd.s32 $0xF0, s9;
	[sflag:s13] =	ssyncadd.s32 $0xFFFFD800  }
0x75: {  	[spmem:s5] =	stream.indirect.scatter.add.f32 [tilespmem:s4], [sflag:$0x6], $0x80, s31, s26, $0xb8;
	[tilespmem:$0x1E278] =	vst v63  }
.LBB2_2:
0x76: {  	s11 =	simm.s32 @!p1 $0x6  }
0x77: {  	s18 =	sadd.s32 $0x1E, s18;
	s9 =	smov.u32 s21;
	s21 =	sadd.s32 $0x3C0, s21  }
0x78: {  	[spmem:s6] =	stream.indirect.scatter.add.f32 [tilespmem:s24], [sflag:$0x9], $0x1, s31, s26, $0xb8;
	[tilespmem:$0x1E278] =	vst v63  }
0x79: {  	p0 =	sne.s32 s21, $0x99C0;
	_ =	swait.ge @!p1 [sflag:s11], $0x2800  }
0x7a: {  	[sflag:s11] =	ssyncset.done @!p1 $0x0  }
0x7b: {  	[sflag:s11] =	ssyncadd.s32 @!p1 $0xFFFFD800;
	s11 =	simm.s32 @!p1 $0x9  }
0x7c: {  	_ =	swait.ge @!p1 [sflag:s11], $0x50  }
0x7d: {  	[sflag:s11] =	ssyncset.done @!p1 $0x0  }
0x7e: {  	[sflag:s11] =	ssyncadd.s32 @!p1 $0xFFFFFFB0;
	s11 =	sshra.s32 s20, $0x2;
	s20 =	smov.u32 s9  }
0x7f: {  	[tilespmem:s31], [sflag:$0xC] =	stream.linear.gather [hbm4b:s23+s7], $0x50, $0x38;
	[tilespmem:$0x1E278] =	vst v63  }
0x80: {  	s9 =	sadd.s32 $0xA0, s11  }
0x81: {  	[tilespmem:s4], [sflag:$0x3] =	stream.indirect.gather [hbm4b:s0+s26], $0x80, s9, s26, $0xb8;
	[tilespmem:$0x1E278] =	vst v63  }
0x82: {  	_ =	swait.ge [sflag:s1], $0x50  }
0x83: {  	[sflag:s1] =	ssyncset.done $0x0  }
0x84: {  	[sflag:s1] =	ssyncadd.s32 $0xFFFFFFB0  }
0x85: {  	_ =	swait.ge [sflag:s3], $0x2800  }
0x86: {  	[sflag:s3] =	ssyncset.done $0x0  }
0x87: {  	[sflag:s3] =	ssyncadd.s32 $0xFFFFD800  }
0x88: {  	[spmem:s5] =	stream.indirect.scatter.add.f32 [tilespmem:s28], [sflag:$0x4], $0x80, s25, s26, $0xb8;
	[tilespmem:$0x1E278] =	vst v63  }
0x89: {  	_ = 	snop  }
0x8a: {  	[spmem:s6] =	stream.indirect.scatter.add.f32 [tilespmem:s24], [sflag:$0x7], $0x1, s25, s26, $0xb8;
	[tilespmem:$0x1E278] =	vst v63  }
0x8b: {  	_ =	swait.ge [sflag:s8], $0x2800  }
0x8c: {  	[sflag:s8] =	ssyncset.done $0x0  }
0x8d: {  	[sflag:s8] =	ssyncadd.s32 $0xFFFFD800  }
0x8e: {  	_ =	swait.ge [sflag:s10], $0x50  }
0x8f: {  	s9 =	sshrl.u32 s19, $0x3;
	[sflag:s10] =	ssyncset.done $0x0  }
0x90: {  	s9 =	sadd.s32 s2, s9;
	[sflag:s10] =	ssyncadd.s32 $0xFFFFFFB0  }
0x91: {  	[tilespmem:s25], [sflag:$0xA] =	stream.linear.gather [hbm4b:s9+s7], $0x50, $0x38;
	[tilespmem:$0x1E278] =	vst v63  }
0x92: {  	s9 =	sadd.s32 $0xF0, s11  }
0x93: {  	[tilespmem:s28], [sflag:$0x1] =	stream.indirect.gather [hbm4b:s0+s26], $0x80, s9, s26, $0xb8;
	[tilespmem:$0x1E278] =	vst v63  }
0x94: {  	_ =	swait.ge [sflag:s12], $0x50  }
0x95: {  	[sflag:s12] =	ssyncset.done $0x0  }
0x96: {  	[sflag:s12] =	ssyncadd.s32 $0xFFFFFFB0  }
0x97: {  	_ =	swait.ge [sflag:s14], $0x2800  }
0x98: {  	[sflag:s14] =	ssyncset.done $0x0  }
0x99: {  	[sflag:s14] =	ssyncadd.s32 $0xFFFFD800  }
0x9a: {  	[spmem:s5] =	stream.indirect.scatter.add.f32 [tilespmem:s30], [sflag:$0x5], $0x80, s29, s26, $0xb8;
	[tilespmem:$0x1E278] =	vst v63  }
0x9b: {  	_ = 	snop  }
0x9c: {  	[spmem:s6] =	stream.indirect.scatter.add.f32 [tilespmem:s24], [sflag:$0x8], $0x1, s29, s26, $0xb8;
	[tilespmem:$0x1E278] =	vst v63  }
0x9d: {  	_ =	swait.ge [sflag:s15], $0x2800  }
0x9e: {  	[sflag:s15] =	ssyncset.done $0x0  }
0x9f: {  	[sflag:s15] =	ssyncadd.s32 $0xFFFFD800  }
0xa0: {  	_ =	swait.ge [sflag:s16], $0x50  }
0xa1: {  	[sflag:s16] =	ssyncset.done $0x0  }
0xa2: {  	[sflag:s16] =	ssyncadd.s32 $0xFFFFFFB0  }
0xa3: {  	[tilespmem:s29], [sflag:$0xB] =	stream.linear.gather [hbm4b:s18+s7], $0x50, $0x38;
	[tilespmem:$0x1E278] =	vst v63  }
0xa4: {  	s9 =	sadd.s32 $0x140, s11  }
0xa5: {  	[tilespmem:s30], [sflag:$0x2] =	stream.indirect.gather [hbm4b:s0+s26], $0x80, s9, s26, $0xb8;
	[tilespmem:$0x1E278] =	vst v63  }
0xa6: {  	_ =	swait.ge [sflag:s17], $0x50  }
0xa7: {  	[sflag:s17] =	ssyncset.done $0x0  }
.Ltmp0:
0xa8: {  	[sflag:s17] =	ssyncadd.s32 $0xFFFFFFB0;
	(pc) =	sbr.rel @p0 .LBB2_2-.Ltmp0, $4  }
0xa9: {  	_ =	swait.ge [sflag:s13], $0x2800  }
0xaa: {  	s23 =	sadd.s32 $0x1E, s23;
	[sflag:s13] =	ssyncset.done $0x0  }
0xab: {  	p1 =	seq.s32 s20, $0x0;
	s19 =	sadd.s32 $0xF0, s19;
	[sflag:s13] =	ssyncadd.s32 $0xFFFFD800  }
0xac: {  	[spmem:s5] =	stream.indirect.scatter.add.f32 [tilespmem:s4], [sflag:$0x6], $0x80, s31, s26, $0xb8;
	[tilespmem:$0x1E278] =	vst v63  }
0xad: {  	s9 =	simm.s32 @!p1 $0x6  }
0xae: {  	[spmem:s6] =	stream.indirect.scatter.add.f32 [tilespmem:s24], [sflag:$0x9], $0x1, s31, s26, $0xb8;
	[tilespmem:$0x1E278] =	vst v63  }
0xaf: {  	_ =	swait.ge @!p1 [sflag:s9], $0x2800  }
0xb0: {  	[sflag:s9] =	ssyncset.done @!p1 $0x0  }
0xb1: {  	[sflag:s9] =	ssyncadd.s32 @!p1 $0xFFFFD800;
	s9 =	simm.s32 @!p1 $0x9  }
0xb2: {  	_ =	swait.ge @!p1 [sflag:s9], $0x50  }
0xb3: {  	[sflag:s9] =	ssyncset.done @!p1 $0x0  }
0xb4: {  	[sflag:s9] =	ssyncadd.s32 @!p1 $0xFFFFFFB0;
	s9 =	sshra.s32 s20, $0x2  }
0xb5: {  	[tilespmem:s31], [sflag:$0xC] =	stream.linear.gather [hbm4b:s23+s7], $0x50, $0x38;
	[tilespmem:$0x1E278] =	vst v63  }
0xb6: {  	s11 =	sadd.s32 $0xA0, s9  }
0xb7: {  	[tilespmem:s4], [sflag:$0x3] =	stream.indirect.gather [hbm4b:s0+s26], $0x80, s11, s26, $0xb8;
	[tilespmem:$0x1E278] =	vst v63  }
0xb8: {  	_ =	swait.ge [sflag:s1], $0x50  }
0xb9: {  	[sflag:s1] =	ssyncset.done $0x0  }
0xba: {  	[sflag:s1] =	ssyncadd.s32 $0xFFFFFFB0  }
0xbb: {  	_ =	swait.ge [sflag:s3], $0x2800  }
0xbc: {  	[sflag:s3] =	ssyncset.done $0x0  }
0xbd: {  	[sflag:s3] =	ssyncadd.s32 $0xFFFFD800  }
0xbe: {  	[spmem:s5] =	stream.indirect.scatter.add.f32 [tilespmem:s28], [sflag:$0x4], $0x80, s25, s26, $0xb8;
	[tilespmem:$0x1E278] =	vst v63  }
0xbf: {  	_ = 	snop  }
0xc0: {  	[spmem:s6] =	stream.indirect.scatter.add.f32 [tilespmem:s24], [sflag:$0x7], $0x1, s25, s26, $0xb8;
	[tilespmem:$0x1E278] =	vst v63  }
0xc1: {  	_ =	swait.ge [sflag:s8], $0x2800  }
0xc2: {  	[sflag:s8] =	ssyncset.done $0x0  }
0xc3: {  	[sflag:s8] =	ssyncadd.s32 $0xFFFFD800  }
0xc4: {  	_ =	swait.ge [sflag:s10], $0x50  }
0xc5: {  	s20 =	sshrl.u32 s19, $0x3;
	[sflag:s10] =	ssyncset.done $0x0  }
0xc6: {  	s11 =	sadd.s32 s2, s20;
	[sflag:s10] =	ssyncadd.s32 $0xFFFFFFB0  }
0xc7: {  	[tilespmem:s25], [sflag:$0xA] =	stream.linear.gather [hbm4b:s11+s7], $0x50, $0x38;
	[tilespmem:$0x1E278] =	vst v63  }
0xc8: {  	s21 =	sadd.s32 $0xF0, s9  }
0xc9: {  	[tilespmem:s28], [sflag:$0x1] =	stream.indirect.gather [hbm4b:s0+s26], $0x80, s21, s26, $0xb8;
	[tilespmem:$0x1E278] =	vst v63  }
0xca: {  	_ =	swait.ge [sflag:s12], $0x50  }
0xcb: {  	[sflag:s12] =	ssyncset.done $0x0  }
0xcc: {  	[sflag:s12] =	ssyncadd.s32 $0xFFFFFFB0  }
0xcd: {  	_ =	swait.ge [sflag:s14], $0x2800  }
0xce: {  	[sflag:s14] =	ssyncset.done $0x0  }
0xcf: {  	[sflag:s14] =	ssyncadd.s32 $0xFFFFD800  }
0xd0: {  	[spmem:s5] =	stream.indirect.scatter.add.f32 [tilespmem:s30], [sflag:$0x5], $0x80, s29, s26, $0xb8;
	[tilespmem:$0x1E278] =	vst v63  }
0xd1: {  	_ = 	snop  }
0xd2: {  	[spmem:s6] =	stream.indirect.scatter.add.f32 [tilespmem:s24], [sflag:$0x8], $0x1, s29, s26, $0xb8;
	[tilespmem:$0x1E278] =	vst v63  }
0xd3: {  	_ =	swait.ge [sflag:s15], $0x2800  }
0xd4: {  	[sflag:s15] =	ssyncset.done $0x0  }
0xd5: {  	[sflag:s15] =	ssyncadd.s32 $0xFFFFD800  }
0xd6: {  	_ =	swait.ge [sflag:s16], $0x50  }
0xd7: {  	[sflag:s16] =	ssyncset.done $0x0  }
0xd8: {  	s23 =	sadd.s32 $0x1E, s18;
	[sflag:s16] =	ssyncadd.s32 $0xFFFFFFB0  }
0xd9: {  	[tilespmem:s29], [sflag:$0xB] =	stream.linear.gather [hbm4b:s23+s7], $0x50, $0x38;
	[tilespmem:$0x1E278] =	vst v63  }
0xda: {  	s9 =	sadd.s32 $0x140, s9  }
0xdb: {  	[tilespmem:s30], [sflag:$0x2] =	stream.indirect.gather [hbm4b:s0+s26], $0x80, s9, s26, $0xb8;
	[tilespmem:$0x1E278] =	vst v63  }
0xdc: {  	_ =	swait.ge [sflag:s17], $0x50  }
0xdd: {  	[sflag:s17] =	ssyncset.done $0x0  }
0xde: {  	[sflag:s17] =	ssyncadd.s32 $0xFFFFFFB0  }
0xdf: {  	_ =	swait.ge [sflag:s13], $0x2800  }
0xe0: {  	[sflag:s13] =	ssyncset.done $0x0  }
0xe1: {  	[sflag:s13] =	ssyncadd.s32 $0xFFFFD800  }
0xe2: {  	[spmem:s5] =	stream.indirect.scatter.add.f32 [tilespmem:s4], [sflag:$0x6], $0x80, s31, s26, $0xb8;
	[tilespmem:$0x1E278] =	vst v63  }
0xe3: {  	_ = 	snop  }
0xe4: {  	[spmem:s6] =	stream.indirect.scatter.add.f32 [tilespmem:s24], [sflag:$0x9], $0x1, s31, s26, $0xb8;
	[tilespmem:$0x1E278] =	vst v63  }
0xe5: {  	_ =	swait.ge [sflag:s1], $0x50  }
0xe6: {  	[sflag:s1] =	ssyncset.done $0x0  }
0xe7: {  	[sflag:s1] =	ssyncadd.s32 $0xFFFFFFB0  }
0xe8: {  	_ =	swait.ge [sflag:s3], $0x2800  }
0xe9: {  	[sflag:s3] =	ssyncset.done $0x0  }
0xea: {  	[sflag:s3] =	ssyncadd.s32 $0xFFFFD800  }
0xeb: {  	[spmem:s5] =	stream.indirect.scatter.add.f32 [tilespmem:s28], [sflag:$0x4], $0x80, s25, s26, $0xb8;
	[tilespmem:$0x1E278] =	vst v63  }
0xec: {  	_ = 	snop  }
0xed: {  	[spmem:s6] =	stream.indirect.scatter.add.f32 [tilespmem:s24], [sflag:$0x7], $0x1, s25, s26, $0xb8;
	[tilespmem:$0x1E278] =	vst v63  }
0xee: {  	_ =	swait.ge [sflag:s12], $0x50  }
0xef: {  	[sflag:s12] =	ssyncset.done $0x0  }
0xf0: {  	[sflag:s12] =	ssyncadd.s32 $0xFFFFFFB0  }
0xf1: {  	_ =	swait.ge [sflag:s14], $0x2800  }
0xf2: {  	[sflag:s14] =	ssyncset.done $0x0  }
0xf3: {  	[sflag:s14] =	ssyncadd.s32 $0xFFFFD800  }
0xf4: {  	[spmem:s5] =	stream.indirect.scatter.add.f32 [tilespmem:s30], [sflag:$0x5], $0x80, s29, s26, $0xb8;
	[tilespmem:$0x1E278] =	vst v63  }
0xf5: {  	s18 =	simm.s32 $0x6  }
0xf6: {  	[spmem:s6] =	stream.indirect.scatter.add.f32 [tilespmem:s24], [sflag:$0x8], $0x1, s29, s26, $0xb8;
	[tilespmem:$0x1E278] =	vst v63  }
0xf7: {  	_ =	swait.ge [sflag:s18], $0x2800  }
0xf8: {  	[sflag:s18] =	ssyncset.done $0x0  }
0xf9: {  	s19 =	simm.s32 $0x9;
	[sflag:s18] =	ssyncadd.s32 $0xFFFFD800  }
0xfa: {  	_ =	swait.ge [sflag:s19], $0x50  }
0xfb: {  	[sflag:s19] =	ssyncset.done $0x0  }
0xfc: {  	[sflag:s19] =	ssyncadd.s32 $0xFFFFFFB0  }
0xfd: {  	_ =	swait.ge [sflag:s8], $0x2800  }
0xfe: {  	[sflag:s8] =	ssyncset.done $0x0  }
0xff: {  	[sflag:s8] =	ssyncadd.s32 $0xFFFFD800  }
0x100: {  	_ =	swait.ge [sflag:s10], $0x50  }
0x101: {  	[sflag:s10] =	ssyncset.done $0x0  }
0x102: {  	[sflag:s10] =	ssyncadd.s32 $0xFFFFFFB0  }
0x103: {  	_ =	swait.ge [sflag:s15], $0x2800  }
0x104: {  	[sflag:s15] =	ssyncset.done $0x0  }
0x105: {  	[sflag:s15] =	ssyncadd.s32 $0xFFFFD800  }
0x106: {  	_ =	swait.ge [sflag:s16], $0x50  }
0x107: {  	[sflag:s16] =	ssyncset.done $0x0  }
0x108: {  	[sflag:s16] =	ssyncadd.s32 $0xFFFFFFB0  }
0x109: {  	[bflag:$0x0] =	sbarrier.arrive $0xFFFF  }
0x10a: {  	s18 =	rddreg [dreg:$0x9]  }
0x10b: {  	s20 =	rddreg [dreg:$0xf]  }
0x10c: {  	s11 =	rddreg [dreg:$0x15]  }
0x10d: {  	[hbm:s20], [sflag:s18] =	dma.local [spmem:s11], $0x2780  }
0x10e: {  	_ =	swait.ge [sflag:s22], $0x2780  }
0x10f: {  	[sflag:s22] =	ssyncset.done $0x0  }
0x110: {  	s20 =	simm.s32 $0xA180;
	s19 =	rddreg [dreg:$0xb];
	[sflag:s22] =	ssyncadd.s32 $0xFFFFD880  }
0x111: {  	[tilespmem:s20], [sflag:$0xD] =	stream.linear.gather [spmem:s19], $0x278, $0x38;
	[tilespmem:$0x1E278] =	vst v63  }
0x112: {  	_ =	swait.ge [sflag:s22], $0x278  }
0x113: {  	[sflag:s22] =	ssyncset.done $0x0  }
0x114: {  	s21 =	rddreg [dreg:$0x10];
	[sflag:s22] =	ssyncadd.s32 $0xFFFFFD88  }
0x115: {  	[hbm4b:s21+s7] =	stream.linear.scatter [tilespmem:s20], [sflag:$0xD], $0x278, $0x38;
	[tilespmem:$0x1E278] =	vst v63  }
0x116: {  	_ =	swait.ge [sflag:s22], $0x278  }
0x117: {  	s21 =	rddreg [dreg:$0x16]  }
0x118: {  	s23 =	rddreg [dreg:$0x11];
	s21 =	sadd.s32 $0x1, s21  }
0x119: {  	p0 =	sne.s32 s21, s23  }
.Ltmp1:
0x11a: {  	_ = 	snop;
	(pc) =	sbr.rel @p0 .LBB2_1-.Ltmp1, $3  }
0x11b: {  	_ =	sdelay $0x1  }
0x11c: {  	[sflag:s22] =	ssyncset.done $0x0  }
0x11d: {  	[sflag:s22] =	ssyncadd.s32 $0xFFFFFD88  }
0x11e: {  	_ =	sfence.sel $0x180000  }
0x11f: {  	[bflag:$0x0] =	sbarrier.arrive $0xFFFF  }
0x120: {  	_ =	strace $0x90000047  }
0x121: {  	s0 =	stileid.u32;
	[bflag:$0x2] =	sbarrier.arrive $0xFFFF  }
0x122: {  	p0 =	sne.s32 s0, $0x0;
	s0 =	rddreg [dreg:$0x7]  }
0x123: {  	s0 =	sadd.s32 @!p0 $0x100000, s0  }
0x124: {  	[sflag:s0] =	ssyncadd.tile.s32 @!p0 $0x1;
	_ =	shalt  }
.Lfunc_end2:
_tile_overlayer_lowered:
.L_overlay_start_2:
0x125: {  	(tag) =	ssettag $0x2  }
0x126: {  	s0 =	rddreg [dreg:$0x0];
	s2 =	stileid.u32  }
0x127: {  	s1 =	rddreg [dreg:$0x1];
	p0 =	sne.s32 s2, $0x0  }
0x128: {  	s3 =	rddreg [dreg:$0x2];
	[bflag:$0x3] =	sbarrier.arrive $0xFFFF;
	s2 =	simm.s32 @!p0 $0x1C0D  }
0x129: {  	[timem:s3], [sflag:s2] =	dma.local @!p0 [hbm:s0], s1  }
0x12a: {  	s0 =	simm.s32 @!p0 $0xD  }
0x12b: {  	_ =	swait.ge @!p0 [sflag:s0], s1  }
0x12c: {  	s1 =	ssub.s32 @!p0 $0x0, s1;
	[sflag:s0] =	ssyncset.done @!p0 $0x0  }
0x12d: {  	[sflag:s0] =	ssyncadd.s32 @!p0 s1  }
0x12e: {  	[bflag:$0x3] =	sbarrier.arrive $0xFFFF  }
0x12f: {  	_ =	shalt  }

</sc_bundles>
